<compile_context>
chip_gen: v7x
topology: tpu7x:2x2x1
jax: 0.10.2.dev20260603
libtpu: 0.0.44.dev20260713+nightly
codegen_flags: <defaults>
</compile_context>

<pallas_src>
import functools

import jax
import jax.numpy as jnp
from jax import lax
from jax.experimental import pallas as pl
from jax.experimental.pallas import tpu as pltpu
from jax.experimental.pallas import tpu_sc as plsc

_NC = 2
_NS = 16
_NW = _NC * _NS
_D = 128
_EC = 128
_R0 = 128
_R1 = 32


def _sc_mesh():
    return plsc.VectorSubcoreMesh(core_axis_name="c", subcore_axis_name="s")


def _sc_degree(dst2, n_pad):
    rows_per_tile = dst2.shape[0] // _NW
    npt = n_pad // _NS

    @functools.partial(
        pl.kernel,
        out_type=[
            jax.ShapeDtypeStruct((n_pad,), jnp.float32),
            jax.ShapeDtypeStruct((n_pad,), jnp.float32),
        ],
        mesh=_sc_mesh(),
        scratch_types=[
            pltpu.VMEM((rows_per_tile, _EC), jnp.int32),
            pltpu.VMEM((_EC,), jnp.float32),
            pltpu.VMEM((npt,), jnp.float32),
            pltpu.VMEM_SHARED((n_pad,), jnp.float32),
            pltpu.SemaphoreType.DMA,
        ],
    )
    def k(dst_hbm, out0, out1, dst_v, ones_v, stage_v, deg_sh, sem):
        c = lax.axis_index("c")
        s = lax.axis_index("s")
        w = c * _NS + s

        def fill_ones(i, _):
            ones_v[pl.ds(i * 16, 16)] = jnp.ones((16,), jnp.float32)
            return 0

        lax.fori_loop(0, _EC // 16, fill_ones, 0)

        def fill_zero(i, _):
            stage_v[pl.ds(i * 16, 16)] = jnp.zeros((16,), jnp.float32)
            return 0

        lax.fori_loop(0, npt // 16, fill_zero, 0)
        pltpu.sync_copy(stage_v, deg_sh.at[pl.ds(s * npt, npt)])
        pltpu.async_copy(
            dst_hbm.at[pl.ds(w * rows_per_tile, rows_per_tile)], dst_v, sem
        ).wait()
        plsc.subcore_barrier()

        def body(k, _):
            for j in range(4):
                pltpu.async_copy(
                    ones_v, deg_sh.at[dst_v.at[k * 4 + j]], sem, add=True
                )
            for j in range(4):
                pltpu.make_async_copy(
                    ones_v, deg_sh.at[pl.ds(0, _EC)], sem
                ).wait()
            return 0

        lax.fori_loop(0, rows_per_tile // 4, body, 0)
        plsc.subcore_barrier()
        pltpu.sync_copy(deg_sh.at[pl.ds(s * npt, npt)], stage_v)

        @pl.when(c == 0)
        def _():
            pltpu.sync_copy(stage_v, out0.at[pl.ds(s * npt, npt)])

        @pl.when(c == 1)
        def _():
            pltpu.sync_copy(stage_v, out1.at[pl.ds(s * npt, npt)])

    return k(dst2)


def _sc_propagate(u, src2, dst2, n_pad, r0, r1):
    npt = n_pad // _NS
    rmax = max(r0, r1)

    @functools.partial(
        pl.kernel,
        out_type=jax.ShapeDtypeStruct((_NC, n_pad, _D), jnp.float32),
        mesh=_sc_mesh(),
        scratch_types=[
            pltpu.VMEM((rmax, _EC), jnp.int32),
            pltpu.VMEM((rmax, _EC), jnp.int32),
            pltpu.VMEM_SHARED((n_pad, _D), jnp.float32),
            pltpu.VMEM((_EC, _D), jnp.float32),
            pltpu.SemaphoreType.DMA,
            pltpu.SemaphoreType.DMA,
        ],
    )
    def k(u_hbm, src_hbm, dst_hbm, out_hbm, src_v, dst_v, y_sh, rows_v,
          gsem, sem):
        c = lax.axis_index("c")
        s = lax.axis_index("s")
        rpt = jnp.where(c == 0, r0, r1)
        base_row = c * _NS * r0 + s * rpt

        def zrow(i, _):
            for kk in range(_D // 16):
                rows_v[i, pl.ds(kk * 16, 16)] = jnp.zeros((16,), jnp.float32)
            return 0

        lax.fori_loop(0, _EC, zrow, 0)

        def zsh(j, _):
            pltpu.sync_copy(rows_v, y_sh.at[pl.ds(s * npt + j * _EC, _EC)])
            return 0

        lax.fori_loop(0, npt // _EC, zsh, 0)
        pltpu.async_copy(src_hbm.at[pl.ds(base_row, rmax)], src_v, sem).wait()
        pltpu.async_copy(dst_hbm.at[pl.ds(base_row, rmax)], dst_v, sem).wait()
        plsc.subcore_barrier()

        pltpu.async_copy(u_hbm.at[src_v.at[0]], rows_v, gsem)

        def body(g, _):
            pltpu.make_async_copy(
                u_hbm.at[pl.ds(0, _EC)], rows_v, gsem
            ).wait()
            pltpu.sync_copy(rows_v, y_sh.at[dst_v.at[g]], add=True)

            @pl.when(g < rpt - 1)
            def _():
                pltpu.async_copy(u_hbm.at[src_v.at[g + 1]], rows_v, gsem)

            return 0

        lax.fori_loop(0, rpt, body, 0)
        plsc.subcore_barrier()

        pltpu.sync_copy(
            y_sh.at[pl.ds(s * npt, npt)], out_hbm.at[c, pl.ds(s * npt, npt)]
        )

    return k(u, src2, dst2)


def _sc_take(full, sr3):

    @functools.partial(
        pl.kernel,
        out_type=jax.ShapeDtypeStruct((_NW * 256, _D), jnp.float32),
        mesh=_sc_mesh(),
        scratch_types=[
            pltpu.VMEM((2, 128), jnp.int32),
            pltpu.VMEM((128, _D), jnp.float32),
            pltpu.SemaphoreType.DMA,
        ],
    )
    def k(full_hbm, sr_hbm, out_hbm, idx_v, rows_v, sem):
        c = lax.axis_index("c")
        s = lax.axis_index("s")
        w = c * _NS + s
        pltpu.async_copy(sr_hbm.at[w], idx_v, sem).wait()
        for j in range(2):
            pltpu.async_copy(full_hbm.at[idx_v.at[j]], rows_v, sem).wait()
            pltpu.sync_copy(rows_v, out_hbm.at[pl.ds(w * 256 + j * 128, 128)])

    return k(full, sr3)


def _tc_dis(d0, d1):

    def body(a_ref, b_ref, o_ref):
        deg = a_ref[...] + b_ref[...]
        o_ref[...] = jnp.where(deg > 0.0, lax.rsqrt(jnp.maximum(deg, 1.0)), 0.0)

    return pl.pallas_call(
        body, out_shape=jax.ShapeDtypeStruct(d0.shape, jnp.float32)
    )(d0, d1)


def _tc_prolog(emb_pad, dis):
    n_pad = emb_pad.shape[0]
    blk = n_pad // 8

    def body(emb_ref, dis_ref, u0_ref, z0_ref):
        x = emb_ref[...]
        u0_ref[...] = x * dis_ref[...]
        nrm = jnp.sqrt(jnp.sum(x * x, axis=1, keepdims=True))
        z0_ref[...] = x / jnp.maximum(nrm, 1e-12)

    return pl.pallas_call(
        body,
        grid=(8,),
        in_specs=[
            pl.BlockSpec((blk, _D), lambda i: (i, 0)),
            pl.BlockSpec((blk, 1), lambda i: (i, 0)),
        ],
        out_specs=[
            pl.BlockSpec((blk, _D), lambda i: (i, 0)),
            pl.BlockSpec((blk, _D), lambda i: (i, 0)),
        ],
        out_shape=[
            jax.ShapeDtypeStruct((n_pad, _D), jnp.float32),
            jax.ShapeDtypeStruct((n_pad, _D), jnp.float32),
        ],
    )(emb_pad, dis)


def _tc_mid(part, dis, zsum):
    n_pad = dis.shape[0]
    blk = n_pad // 8

    def body(part_ref, dis_ref, zsum_ref, u_ref, zout_ref):
        x = (part_ref[0] + part_ref[1]) * dis_ref[...]
        nrm = jnp.sqrt(jnp.sum(x * x, axis=1, keepdims=True))
        zout_ref[...] = zsum_ref[...] + x / jnp.maximum(nrm, 1e-12)
        u_ref[...] = x * dis_ref[...]

    return pl.pallas_call(
        body,
        grid=(8,),
        in_specs=[
            pl.BlockSpec((_NC, blk, _D), lambda i: (0, i, 0)),
            pl.BlockSpec((blk, 1), lambda i: (i, 0)),
            pl.BlockSpec((blk, _D), lambda i: (i, 0)),
        ],
        out_specs=[
            pl.BlockSpec((blk, _D), lambda i: (i, 0)),
            pl.BlockSpec((blk, _D), lambda i: (i, 0)),
        ],
        out_shape=[
            jax.ShapeDtypeStruct((n_pad, _D), jnp.float32),
            jax.ShapeDtypeStruct((n_pad, _D), jnp.float32),
        ],
    )(part, dis, zsum)


def _tc_final(part, dis, zsum, W, b2):
    n_pad = dis.shape[0]
    blk = n_pad // 8

    def body(part_ref, dis_ref, zsum_ref, w_ref, b_ref, out_ref):
        x = (part_ref[0] + part_ref[1]) * dis_ref[...]
        nrm = jnp.sqrt(jnp.sum(x * x, axis=1, keepdims=True))
        zm = (zsum_ref[...] + x / jnp.maximum(nrm, 1e-12)) * 0.25
        out_ref[...] = (
            lax.dot_general(
                zm,
                w_ref[...],
                (((1,), (1,)), ((), ())),
                preferred_element_type=jnp.float32,
            )
            + b_ref[...]
        )

    return pl.pallas_call(
        body,
        grid=(8,),
        in_specs=[
            pl.BlockSpec((_NC, blk, _D), lambda i: (0, i, 0)),
            pl.BlockSpec((blk, 1), lambda i: (i, 0)),
            pl.BlockSpec((blk, _D), lambda i: (i, 0)),
            pl.BlockSpec((_D, _D), lambda i: (0, 0)),
            pl.BlockSpec((1, _D), lambda i: (0, 0)),
        ],
        out_specs=pl.BlockSpec((blk, _D), lambda i: (i, 0)),
        out_shape=jax.ShapeDtypeStruct((n_pad, _D), jnp.float32),
    )(part, dis, zsum, W, b2)


def kernel(senders, receivers, emb, edge_index, W, b):
    n = emb.shape[0]
    n_pad = -(-n // 1280) * 1280
    e_rows = edge_index.shape[1] // _EC
    assert _NS * (_R0 + _R1) >= e_rows and max(_R0, _R1) % 8 == 0
    e_rows_pad = -(-(_NS * (_R0 + _R1) + max(_R0, _R1)) // 256) * 256
    src2 = edge_index[0].astype(jnp.int32).reshape(e_rows, _EC)
    dst2 = edge_index[1].astype(jnp.int32).reshape(e_rows, _EC)
    pad_rows = ((0, e_rows_pad - e_rows), (0, 0))
    src2 = jnp.pad(src2, pad_rows, constant_values=n)
    dst2 = jnp.pad(dst2, pad_rows, constant_values=n)
    emb_pad = jnp.pad(emb, ((0, n_pad - n), (0, 0)))

    deg0, deg1 = _sc_degree(dst2, n_pad)
    dis2d = _tc_dis(deg0.reshape(-1, 128), deg1.reshape(-1, 128))
    dis = dis2d.reshape(n_pad, 1)
    u, zsum = _tc_prolog(emb_pad, dis)
    for layer in range(3):
        part = _sc_propagate(u, src2, dst2, n_pad, _R0, _R1)
        if layer < 2:
            u, zsum = _tc_mid(part, dis, zsum)
        else:
            full = _tc_final(part, dis, zsum, W, b.reshape(1, _D))

    sr3 = (
        jnp.concatenate([senders, receivers])
        .astype(jnp.int32)
        .reshape(_NW, 2, 128)
    )
    both = _sc_take(full, sr3)
    nb = senders.shape[0]
    return both[:nb], both[nb:]

# --- scband reference (transcript-rebuilt; emitter-appended) ---
"""Pipeline reference for scband-cfgnn-9938554323124 (READ-ONLY COPY).

The authoritative reference and input builder live on the scoring server;
editing this copy changes nothing except your own understanding.
"""

import jax, jax.numpy as jnp
import numpy as np

N_NODES = 10000
N_EDGES = 320000
D = 128
NUM_LAYERS = 3
BATCH = 4096

def _l2_normalize(x, eps=1e-12):
    n = jnp.linalg.norm(x, axis=-1, keepdims=True)
    return x / jnp.maximum(n, eps)

def setup_inputs(seed: int = 0) -> dict:
    key = jax.random.key(seed)
    k1, k2, k3, k4, k5 = jax.random.split(key, 5)
    senders = jax.random.randint(k1, (BATCH,), 0, N_NODES)
    receivers = jax.random.randint(k2, (BATCH,), 0, N_NODES)
    edge_index = jax.random.randint(k3, (2, N_EDGES), 0, N_NODES)
    emb = jax.random.normal(k4, (N_NODES, D), dtype=jnp.float32) * 0.02
    W = jax.random.normal(k5, (D, D), dtype=jnp.float32) * (1.0 / np.sqrt(D))
    b = jnp.zeros((D,), dtype=jnp.float32)
    return {"senders": senders, "receivers": receivers, "emb": emb, "edge_index": edge_index, "W": W, "b": b}

def reference(senders, receivers, emb, edge_index, W, b):
    # feature_encoder(all_node_idx): full embedding table lookup
    src = edge_index[0]
    dst = edge_index[1]
    # symmetric-normalized LightGCN-style propagation (cf conv, eval mode so dropout is a no-op)
    deg = jnp.zeros((N_NODES,), dtype=jnp.float32).at[dst].add(1.0)
    deg_inv_sqrt = jnp.where(deg > 0, jax.lax.rsqrt(jnp.maximum(deg, 1.0)), 0.0)
    coef = deg_inv_sqrt[src] * deg_inv_sqrt[dst]
    x = emb
    z = [_l2_normalize(x)]
    for _ in range(NUM_LAYERS):
        msgs = x[src] * coef[:, None]
        x = jax.ops.segment_sum(msgs, dst, num_segments=N_NODES)
        z.append(_l2_normalize(x))
    # aggr_type == 'mean'
    x = jnp.mean(jnp.stack(z, axis=0), axis=0)
    # post_mlp
    x = x @ W.T + b
    return (x[senders], x[receivers])

if __name__ == "__main__":
    import jax
    _d = setup_inputs()
    print(jax.jit(kernel)(*tuple(_d.values())))

</pallas_src>

<mosaic_0001>
#map = affine_map<(d0, d1) -> (0, 0)>
#map1 = affine_map<(d0, d1) -> (0, 0, 0)>
module attributes {stable_mosaic.version = 14 : i64} {
  func.func @k(%arg0: i32, %arg1: i32, %arg2: memref<10240x128xf32, #tpu.memory_space<hbm>>, %arg3: memref<2816x128xi32, #tpu.memory_space<hbm>>, %arg4: memref<2816x128xi32, #tpu.memory_space<hbm>>, %arg5: memref<2x10240x128xf32, #tpu.memory_space<hbm>>, %arg6: memref<128x128xi32, #tpu.memory_space<vmem>>, %arg7: memref<128x128xi32, #tpu.memory_space<vmem>>, %arg8: memref<10240x128xf32, #tpu.memory_space<vmem_shared>>, %arg9: memref<128x128xf32, #tpu.memory_space<vmem>>, %arg10: memref<!tpu.dma_semaphore, #tpu.memory_space<semaphore_mem>>, %arg11: memref<!tpu.dma_semaphore, #tpu.memory_space<semaphore_mem>>) attributes {dimension_semantics = [#tpu.dimension_semantics<core_parallel>, #tpu.dimension_semantics<subcore_parallel>], iteration_bounds = array<i64: 2, 16>, scalar_prefetch = 0 : i64, scratch_operands = 6 : i64, tpu.core_type = #tpu.core_type<sc_vector_subcore>, window_params = [{transform_indices = #map}, {transform_indices = #map}, {transform_indices = #map}, {transform_indices = #map1}]} {
    %eq3A = arith.constant 0 : i32
    %eq3A_0 = arith.cmpi eq, %arg0, %eq3A : i32
    %jit3A = arith.constant 128 : i32
    %jit3A_1 = arith.constant 32 : i32
    %select_n3A = arith.select %eq3A_0, %jit3A, %jit3A_1 : i32
    %mul3A = arith.constant 16 : i32
    %mul3A_2 = arith.muli %arg0, %mul3A : i32
    %mul3A_3 = arith.constant 128 : i32
    %mul3A_4 = arith.muli %mul3A_2, %mul3A_3 : i32
    %mul3A_5 = arith.muli %arg1, %select_n3A : i32
    %add3A = arith.addi %mul3A_4, %mul3A_5 : i32
    %scan3A = arith.constant 0 : i32
    %scan3A_6 = arith.constant 0 : i32
    %scan3A_7 = arith.constant 128 : i32
    %scan3A_8 = arith.addi %scan3A_6, %scan3A_7 : i32
    %scan3A_9 = arith.constant 1 : i32
    %scan3A_10 = scf.for %scan3A_56 = %scan3A_6 to %scan3A_8 step %scan3A_9 iter_args(%scan3A_57 = %scan3A) -> (i32)  : i32 {
      %broadcast_in_dim3A = arith.constant 0.000000e+00 : f32
      %broadcast_in_dim3A_58 = vector.broadcast %broadcast_in_dim3A : f32 to vector<16xf32>
      %swap3A = arith.index_cast %scan3A_56 : i32 to index
      %swap3A_59 = arith.constant 0 : index
      %swap3A_60 = tpu.vector_load %arg9[%swap3A, %swap3A_59] {strides = array<i32>} : memref<128x128xf32, #tpu.memory_space<vmem>>, vector<1x16xf32>,
      %swap3A_61 = vector.shape_cast %swap3A_60 : vector<1x16xf32> to vector<16xf32>
      %swap3A_62 = vector.shape_cast %broadcast_in_dim3A_58 : vector<16xf32> to vector<1x16xf32>
      tpu.vector_store %arg9[%swap3A, %swap3A_59], %swap3A_62 {strides = array<i32>} : memref<128x128xf32, #tpu.memory_space<vmem>>, vector<1x16xf32>,
      %broadcast_in_dim3A_63 = arith.constant 0.000000e+00 : f32
      %broadcast_in_dim3A_64 = vector.broadcast %broadcast_in_dim3A_63 : f32 to vector<16xf32>
      %swap3A_65 = arith.index_cast %scan3A_56 : i32 to index
      %swap3A_66 = arith.constant 16 : index
      %swap3A_67 = tpu.vector_load %arg9[%swap3A_65, %swap3A_66] {strides = array<i32>} : memref<128x128xf32, #tpu.memory_space<vmem>>, vector<1x16xf32>,
      %swap3A_68 = vector.shape_cast %swap3A_67 : vector<1x16xf32> to vector<16xf32>
      %swap3A_69 = vector.shape_cast %broadcast_in_dim3A_64 : vector<16xf32> to vector<1x16xf32>
      tpu.vector_store %arg9[%swap3A_65, %swap3A_66], %swap3A_69 {strides = array<i32>} : memref<128x128xf32, #tpu.memory_space<vmem>>, vector<1x16xf32>,
      %broadcast_in_dim3A_70 = arith.constant 0.000000e+00 : f32
      %broadcast_in_dim3A_71 = vector.broadcast %broadcast_in_dim3A_70 : f32 to vector<16xf32>
      %swap3A_72 = arith.index_cast %scan3A_56 : i32 to index
      %swap3A_73 = arith.constant 32 : index
      %swap3A_74 = tpu.vector_load %arg9[%swap3A_72, %swap3A_73] {strides = array<i32>} : memref<128x128xf32, #tpu.memory_space<vmem>>, vector<1x16xf32>,
      %swap3A_75 = vector.shape_cast %swap3A_74 : vector<1x16xf32> to vector<16xf32>
      %swap3A_76 = vector.shape_cast %broadcast_in_dim3A_71 : vector<16xf32> to vector<1x16xf32>
      tpu.vector_store %arg9[%swap3A_72, %swap3A_73], %swap3A_76 {strides = array<i32>} : memref<128x128xf32, #tpu.memory_space<vmem>>, vector<1x16xf32>,
      %broadcast_in_dim3A_77 = arith.constant 0.000000e+00 : f32
      %broadcast_in_dim3A_78 = vector.broadcast %broadcast_in_dim3A_77 : f32 to vector<16xf32>
      %swap3A_79 = arith.index_cast %scan3A_56 : i32 to index
      %swap3A_80 = arith.constant 48 : index
      %swap3A_81 = tpu.vector_load %arg9[%swap3A_79, %swap3A_80] {strides = array<i32>} : memref<128x128xf32, #tpu.memory_space<vmem>>, vector<1x16xf32>,
      %swap3A_82 = vector.shape_cast %swap3A_81 : vector<1x16xf32> to vector<16xf32>
      %swap3A_83 = vector.shape_cast %broadcast_in_dim3A_78 : vector<16xf32> to vector<1x16xf32>
      tpu.vector_store %arg9[%swap3A_79, %swap3A_80], %swap3A_83 {strides = array<i32>} : memref<128x128xf32, #tpu.memory_space<vmem>>, vector<1x16xf32>,
      %broadcast_in_dim3A_84 = arith.constant 0.000000e+00 : f32
      %broadcast_in_dim3A_85 = vector.broadcast %broadcast_in_dim3A_84 : f32 to vector<16xf32>
      %swap3A_86 = arith.index_cast %scan3A_56 : i32 to index
      %swap3A_87 = arith.constant 64 : index
      %swap3A_88 = tpu.vector_load %arg9[%swap3A_86, %swap3A_87] {strides = array<i32>} : memref<128x128xf32, #tpu.memory_space<vmem>>, vector<1x16xf32>,
      %swap3A_89 = vector.shape_cast %swap3A_88 : vector<1x16xf32> to vector<16xf32>
      %swap3A_90 = vector.shape_cast %broadcast_in_dim3A_85 : vector<16xf32> to vector<1x16xf32>
      tpu.vector_store %arg9[%swap3A_86, %swap3A_87], %swap3A_90 {strides = array<i32>} : memref<128x128xf32, #tpu.memory_space<vmem>>, vector<1x16xf32>,
      %broadcast_in_dim3A_91 = arith.constant 0.000000e+00 : f32
      %broadcast_in_dim3A_92 = vector.broadcast %broadcast_in_dim3A_91 : f32 to vector<16xf32>
      %swap3A_93 = arith.index_cast %scan3A_56 : i32 to index
      %swap3A_94 = arith.constant 80 : index
      %swap3A_95 = tpu.vector_load %arg9[%swap3A_93, %swap3A_94] {strides = array<i32>} : memref<128x128xf32, #tpu.memory_space<vmem>>, vector<1x16xf32>,
      %swap3A_96 = vector.shape_cast %swap3A_95 : vector<1x16xf32> to vector<16xf32>
      %swap3A_97 = vector.shape_cast %broadcast_in_dim3A_92 : vector<16xf32> to vector<1x16xf32>
      tpu.vector_store %arg9[%swap3A_93, %swap3A_94], %swap3A_97 {strides = array<i32>} : memref<128x128xf32, #tpu.memory_space<vmem>>, vector<1x16xf32>,
      %broadcast_in_dim3A_98 = arith.constant 0.000000e+00 : f32
      %broadcast_in_dim3A_99 = vector.broadcast %broadcast_in_dim3A_98 : f32 to vector<16xf32>
      %swap3A_100 = arith.index_cast %scan3A_56 : i32 to index
      %swap3A_101 = arith.constant 96 : index
      %swap3A_102 = tpu.vector_load %arg9[%swap3A_100, %swap3A_101] {strides = array<i32>} : memref<128x128xf32, #tpu.memory_space<vmem>>, vector<1x16xf32>,
      %swap3A_103 = vector.shape_cast %swap3A_102 : vector<1x16xf32> to vector<16xf32>
      %swap3A_104 = vector.shape_cast %broadcast_in_dim3A_99 : vector<16xf32> to vector<1x16xf32>
      tpu.vector_store %arg9[%swap3A_100, %swap3A_101], %swap3A_104 {strides = array<i32>} : memref<128x128xf32, #tpu.memory_space<vmem>>, vector<1x16xf32>,
      %broadcast_in_dim3A_105 = arith.constant 0.000000e+00 : f32
      %broadcast_in_dim3A_106 = vector.broadcast %broadcast_in_dim3A_105 : f32 to vector<16xf32>
      %swap3A_107 = arith.index_cast %scan3A_56 : i32 to index
      %swap3A_108 = arith.constant 112 : index
      %swap3A_109 = tpu.vector_load %arg9[%swap3A_107, %swap3A_108] {strides = array<i32>} : memref<128x128xf32, #tpu.memory_space<vmem>>, vector<1x16xf32>,
      %swap3A_110 = vector.shape_cast %swap3A_109 : vector<1x16xf32> to vector<16xf32>
      %swap3A_111 = vector.shape_cast %broadcast_in_dim3A_106 : vector<16xf32> to vector<1x16xf32>
      tpu.vector_store %arg9[%swap3A_107, %swap3A_108], %swap3A_111 {strides = array<i32>} : memref<128x128xf32, #tpu.memory_space<vmem>>, vector<1x16xf32>,
      %scan3A_112 = arith.constant 0 : i32
      scf.yield %scan3A_112 : i32
    }
    %scan3A_11 = arith.constant 128 : i32
    %scan3A_12 = arith.constant 0 : i32
    %scan3A_13 = arith.constant 0 : i32
    %scan3A_14 = arith.constant 5 : i32
    %scan3A_15 = arith.addi %scan3A_13, %scan3A_14 : i32
    %scan3A_16 = arith.constant 1 : i32
    %scan3A_17 = scf.for %scan3A_56 = %scan3A_13 to %scan3A_15 step %scan3A_16 iter_args(%scan3A_57 = %scan3A_12) -> (i32)  : i32 {
      %mul3A_58 = arith.constant 640 : i32
      %mul3A_59 = arith.muli %arg1, %mul3A_58 : i32
      %mul3A_60 = arith.constant 128 : i32
      %mul3A_61 = arith.muli %scan3A_56, %mul3A_60 : i32
      %add3A_62 = arith.addi %mul3A_59, %mul3A_61 : i32
      "tpu.region"() ({
        %run_scoped3A = tpu.sem_alloc : memref<!tpu.dma_semaphore, #tpu.memory_space<semaphore_mem>>
        %dma_start3A_64 = arith.constant 0 : i32
        %dma_start3A_65 = tpu.memref_slice %arg8[%add3A_62, %dma_start3A_64] : memref<10240x128xf32, #tpu.memory_space<vmem_shared>> -> memref<128x128xf32, #tpu.memory_space<vmem_shared>>
        %dma_start3A_66 = arith.constant 0 : i32
        %dma_start3A_67 = tpu.memref_slice %arg8[%add3A_62, %dma_start3A_66] : memref<10240x128xf32, #tpu.memory_space<vmem_shared>> -> memref<128x128xf32, #tpu.memory_space<vmem_shared>>
        tpu.enqueue_dma source(%arg9 : memref<128x128xf32, #tpu.memory_space<vmem>>) target(%dma_start3A_67 : memref<128x128xf32, #tpu.memory_space<vmem_shared>>) target_semaphore(%run_scoped3A : memref<!tpu.dma_semaphore, #tpu.memory_space<semaphore_mem>>)
        %dma_wait3A_68 = arith.constant 0 : i32
        %dma_wait3A_69 = tpu.memref_slice %arg8[%add3A_62, %dma_wait3A_68] : memref<10240x128xf32, #tpu.memory_space<vmem_shared>> -> memref<128x128xf32, #tpu.memory_space<vmem_shared>>
        %dma_wait3A_70 = arith.constant 0 : i32
        %dma_wait3A_71 = tpu.memref_slice %arg8[%add3A_62, %dma_wait3A_70] : memref<10240x128xf32, #tpu.memory_space<vmem_shared>> -> memref<128x128xf32, #tpu.memory_space<vmem_shared>>
        tpu.wait_dma2 semaphore(%run_scoped3A : memref<!tpu.dma_semaphore, #tpu.memory_space<semaphore_mem>>) src(%arg9 : memref<128x128xf32, #tpu.memory_space<vmem>>) dst(%dma_wait3A_71 : memref<128x128xf32, #tpu.memory_space<vmem_shared>>)
        tpu.yield
      }) : () -> ()
      %scan3A_63 = arith.constant 0 : i32
      scf.yield %scan3A_63 : i32
    }
    %scan3A_18 = arith.constant 5 : i32
    %dma_start3A = arith.constant 0 : i32
    %dma_start3A_19 = tpu.memref_slice %arg3[%add3A, %dma_start3A] : memref<2816x128xi32, #tpu.memory_space<hbm>> -> memref<128x128xi32, #tpu.memory_space<hbm>>
    %dma_start3A_20 = arith.constant 0 : i32
    %dma_start3A_21 = tpu.memref_slice %arg3[%add3A, %dma_start3A_20] : memref<2816x128xi32, #tpu.memory_space<hbm>> -> memref<128x128xi32, #tpu.memory_space<hbm>>
    tpu.enqueue_dma source(%dma_start3A_21 : memref<128x128xi32, #tpu.memory_space<hbm>>) target(%arg6 : memref<128x128xi32, #tpu.memory_space<vmem>>) target_semaphore(%arg11 : memref<!tpu.dma_semaphore, #tpu.memory_space<semaphore_mem>>)
    %dma_wait3A = arith.constant 0 : i32
    %dma_wait3A_22 = tpu.memref_slice %arg3[%add3A, %dma_wait3A] : memref<2816x128xi32, #tpu.memory_space<hbm>> -> memref<128x128xi32, #tpu.memory_space<hbm>>
    %dma_wait3A_23 = arith.constant 0 : i32
    %dma_wait3A_24 = tpu.memref_slice %arg3[%add3A, %dma_wait3A_23] : memref<2816x128xi32, #tpu.memory_space<hbm>> -> memref<128x128xi32, #tpu.memory_space<hbm>>
    tpu.wait_dma2 semaphore(%arg11 : memref<!tpu.dma_semaphore, #tpu.memory_space<semaphore_mem>>) src(%dma_wait3A_24 : memref<128x128xi32, #tpu.memory_space<hbm>>) dst(%arg6 : memref<128x128xi32, #tpu.memory_space<vmem>>)
    %dma_start3A_25 = arith.constant 0 : i32
    %dma_start3A_26 = tpu.memref_slice %arg4[%add3A, %dma_start3A_25] : memref<2816x128xi32, #tpu.memory_space<hbm>> -> memref<128x128xi32, #tpu.memory_space<hbm>>
    %dma_start3A_27 = arith.constant 0 : i32
    %dma_start3A_28 = tpu.memref_slice %arg4[%add3A, %dma_start3A_27] : memref<2816x128xi32, #tpu.memory_space<hbm>> -> memref<128x128xi32, #tpu.memory_space<hbm>>
    tpu.enqueue_dma source(%dma_start3A_28 : memref<128x128xi32, #tpu.memory_space<hbm>>) target(%arg7 : memref<128x128xi32, #tpu.memory_space<vmem>>) target_semaphore(%arg11 : memref<!tpu.dma_semaphore, #tpu.memory_space<semaphore_mem>>)
    %dma_wait3A_29 = arith.constant 0 : i32
    %dma_wait3A_30 = tpu.memref_slice %arg4[%add3A, %dma_wait3A_29] : memref<2816x128xi32, #tpu.memory_space<hbm>> -> memref<128x128xi32, #tpu.memory_space<hbm>>
    %dma_wait3A_31 = arith.constant 0 : i32
    %dma_wait3A_32 = tpu.memref_slice %arg4[%add3A, %dma_wait3A_31] : memref<2816x128xi32, #tpu.memory_space<hbm>> -> memref<128x128xi32, #tpu.memory_space<hbm>>
    tpu.wait_dma2 semaphore(%arg11 : memref<!tpu.dma_semaphore, #tpu.memory_space<semaphore_mem>>) src(%dma_wait3A_32 : memref<128x128xi32, #tpu.memory_space<hbm>>) dst(%arg7 : memref<128x128xi32, #tpu.memory_space<vmem>>)
    %barrier3A = arith.constant 0 : index
    tpu.barrier barrier_id(%barrier3A)
    %dma_start3A_33 = arith.constant 0 : i32
    %dma_start3A_34 = arith.constant 0 : i32
    %dma_start3A_35 = tpu.memref_slice %arg6[%dma_start3A_33, %dma_start3A_34] : memref<128x128xi32, #tpu.memory_space<vmem>> -> memref<1x128xi32, #tpu.memory_space<vmem>>
    %dma_start3A_36 = tpu.memref_squeeze %dma_start3A_35 : memref<1x128xi32, #tpu.memory_space<vmem>> -> memref<128xi32, #tpu.memory_space<vmem>>
    %dma_start3A_37 = arith.constant 0 : i32
    %dma_start3A_38 = arith.constant 0 : i32
    %dma_start3A_39 = tpu.memref_slice %arg2[%dma_start3A_37, %dma_start3A_38] : memref<10240x128xf32, #tpu.memory_space<hbm>> -> memref<10240x128xf32, #tpu.memory_space<hbm>>
    tpu.enqueue_indirect_dma source(%dma_start3A_39 : memref<10240x128xf32, #tpu.memory_space<hbm>>) target(%arg9 : memref<128x128xf32, #tpu.memory_space<vmem>>) offsets(%dma_start3A_36 : memref<128xi32, #tpu.memory_space<vmem>>) semaphore(%arg10 : memref<!tpu.dma_semaphore, #tpu.memory_space<semaphore_mem>>)
    %while3A = arith.constant 0 : i32
    %while3A_40 = arith.constant 0 : i32
    %while3A_41 = arith.subi %select_n3A, %while3A : i32
    %while3A_42 = arith.addi %while3A, %while3A_41 : i32
    %while3A_43 = arith.constant 1 : i32
    %while3A_44 = arith.divsi %while3A_41, %while3A_43 : i32
    %while3A_45 = arith.muli %while3A_44, %while3A_43 : i32
    %while3A_46 = arith.addi %while3A, %while3A_45 : i32
    %while3A_47 = arith.constant 1 : i32
    %while3A_48 = scf.for %while3A_56 = %while3A to %while3A_46 step %while3A_47 iter_args(%while3A_57 = %while3A_40) -> (i32)  : i32 {
      %dma_wait3A_58 = arith.constant 0 : i32
      %dma_wait3A_59 = arith.constant 0 : i32
      %dma_wait3A_60 = tpu.memref_slice %arg2[%dma_wait3A_58, %dma_wait3A_59] : memref<10240x128xf32, #tpu.memory_space<hbm>> -> memref<128x128xf32, #tpu.memory_space<hbm>>
      %dma_wait3A_61 = arith.constant 0 : i32
      %dma_wait3A_62 = arith.constant 0 : i32
      %dma_wait3A_63 = tpu.memref_slice %arg2[%dma_wait3A_61, %dma_wait3A_62] : memref<10240x128xf32, #tpu.memory_space<hbm>> -> memref<128x128xf32, #tpu.memory_space<hbm>>
      tpu.wait_dma2 semaphore(%arg10 : memref<!tpu.dma_semaphore, #tpu.memory_space<semaphore_mem>>) src(%dma_wait3A_63 : memref<128x128xf32, #tpu.memory_space<hbm>>) dst(%arg9 : memref<128x128xf32, #tpu.memory_space<vmem>>)
      "tpu.region"() ({
        %run_scoped3A = tpu.sem_alloc : memref<!tpu.dma_semaphore, #tpu.memory_space<semaphore_mem>>
        %dma_start3A_67 = arith.constant 0 : i32
        %dma_start3A_68 = tpu.memref_slice %arg7[%while3A_56, %dma_start3A_67] : memref<128x128xi32, #tpu.memory_space<vmem>> -> memref<1x128xi32, #tpu.memory_space<vmem>>
        %dma_start3A_69 = tpu.memref_squeeze %dma_start3A_68 : memref<1x128xi32, #tpu.memory_space<vmem>> -> memref<128xi32, #tpu.memory_space<vmem>>
        %dma_start3A_70 = arith.constant 0 : i32
        %dma_start3A_71 = arith.constant 0 : i32
        %dma_start3A_72 = tpu.memref_slice %arg8[%dma_start3A_70, %dma_start3A_71] : memref<10240x128xf32, #tpu.memory_space<vmem_shared>> -> memref<10240x128xf32, #tpu.memory_space<vmem_shared>>
        tpu.enqueue_indirect_dma source(%arg9 : memref<128x128xf32, #tpu.memory_space<vmem>>) target(%dma_start3A_72 : memref<10240x128xf32, #tpu.memory_space<vmem_shared>>) offsets(%dma_start3A_69 : memref<128xi32, #tpu.memory_space<vmem>>) semaphore(%run_scoped3A : memref<!tpu.dma_semaphore, #tpu.memory_space<semaphore_mem>>) {add = true}
        %dma_wait3A_73 = arith.constant 0 : i32
        %dma_wait3A_74 = tpu.memref_slice %arg7[%while3A_56, %dma_wait3A_73] : memref<128x128xi32, #tpu.memory_space<vmem>> -> memref<1x128xi32, #tpu.memory_space<vmem>>
        %dma_wait3A_75 = tpu.memref_squeeze %dma_wait3A_74 : memref<1x128xi32, #tpu.memory_space<vmem>> -> memref<128xi32, #tpu.memory_space<vmem>>
        %dma_wait3A_76 = arith.constant 0 : i32
        %dma_wait3A_77 = arith.constant 0 : i32
        %dma_wait3A_78 = tpu.memref_slice %arg8[%dma_wait3A_76, %dma_wait3A_77] : memref<10240x128xf32, #tpu.memory_space<vmem_shared>> -> memref<10240x128xf32, #tpu.memory_space<vmem_shared>>
        tpu.wait_indirect_dma semaphore(%run_scoped3A : memref<!tpu.dma_semaphore, #tpu.memory_space<semaphore_mem>>) src(%arg9 : memref<128x128xf32, #tpu.memory_space<vmem>>) dst(%dma_wait3A_78 : memref<10240x128xf32, #tpu.memory_space<vmem_shared>>)
        tpu.yield
      }) : () -> ()
      %sub3A = arith.constant 1 : i32
      %sub3A_64 = arith.subi %select_n3A, %sub3A : i32
      %lt3A = arith.cmpi slt, %while3A_56, %sub3A_64 : i32
      %convert_element_type3A = arith.extui %lt3A : i1 to i32
      %cond3A = arith.constant 0 : i32
      %cond3A_65 = arith.cmpi ne, %convert_element_type3A, %cond3A : i32
      scf.if %cond3A_65 {
        %add3A_67 = arith.constant 1 : i32
        %add3A_68 = arith.addi %while3A_56, %add3A_67 : i32
        %dma_start3A_69 = arith.constant 0 : i32
        %dma_start3A_70 = tpu.memref_slice %arg6[%add3A_68, %dma_start3A_69] : memref<128x128xi32, #tpu.memory_space<vmem>> -> memref<1x128xi32, #tpu.memory_space<vmem>>
        %dma_start3A_71 = tpu.memref_squeeze %dma_start3A_70 : memref<1x128xi32, #tpu.memory_space<vmem>> -> memref<128xi32, #tpu.memory_space<vmem>>
        %dma_start3A_72 = arith.constant 0 : i32
        %dma_start3A_73 = arith.constant 0 : i32
        %dma_start3A_74 = tpu.memref_slice %arg2[%dma_start3A_72, %dma_start3A_73] : memref<10240x128xf32, #tpu.memory_space<hbm>> -> memref<10240x128xf32, #tpu.memory_space<hbm>>
        tpu.enqueue_indirect_dma source(%dma_start3A_74 : memref<10240x128xf32, #tpu.memory_space<hbm>>) target(%arg9 : memref<128x128xf32, #tpu.memory_space<vmem>>) offsets(%dma_start3A_71 : memref<128xi32, #tpu.memory_space<vmem>>) semaphore(%arg10 : memref<!tpu.dma_semaphore, #tpu.memory_space<semaphore_mem>>)
      } else {
      }
      %while3A_66 = arith.constant 0 : i32
      scf.yield %while3A_66 : i32
    }
    %while3A_49 = arith.constant 1 : i32
    %while3A_50 = scf.for %while3A_56 = %while3A_46 to %while3A_42 step %while3A_49 iter_args(%while3A_57 = %while3A_48) -> (i32)  : i32 {
      %dma_wait3A_58 = arith.constant 0 : i32
      %dma_wait3A_59 = arith.constant 0 : i32
      %dma_wait3A_60 = tpu.memref_slice %arg2[%dma_wait3A_58, %dma_wait3A_59] : memref<10240x128xf32, #tpu.memory_space<hbm>> -> memref<128x128xf32, #tpu.memory_space<hbm>>
      %dma_wait3A_61 = arith.constant 0 : i32
      %dma_wait3A_62 = arith.constant 0 : i32
      %dma_wait3A_63 = tpu.memref_slice %arg2[%dma_wait3A_61, %dma_wait3A_62] : memref<10240x128xf32, #tpu.memory_space<hbm>> -> memref<128x128xf32, #tpu.memory_space<hbm>>
      tpu.wait_dma2 semaphore(%arg10 : memref<!tpu.dma_semaphore, #tpu.memory_space<semaphore_mem>>) src(%dma_wait3A_63 : memref<128x128xf32, #tpu.memory_space<hbm>>) dst(%arg9 : memref<128x128xf32, #tpu.memory_space<vmem>>)
      "tpu.region"() ({
        %run_scoped3A = tpu.sem_alloc : memref<!tpu.dma_semaphore, #tpu.memory_space<semaphore_mem>>
        %dma_start3A_67 = arith.constant 0 : i32
        %dma_start3A_68 = tpu.memref_slice %arg7[%while3A_56, %dma_start3A_67] : memref<128x128xi32, #tpu.memory_space<vmem>> -> memref<1x128xi32, #tpu.memory_space<vmem>>
        %dma_start3A_69 = tpu.memref_squeeze %dma_start3A_68 : memref<1x128xi32, #tpu.memory_space<vmem>> -> memref<128xi32, #tpu.memory_space<vmem>>
        %dma_start3A_70 = arith.constant 0 : i32
        %dma_start3A_71 = arith.constant 0 : i32
        %dma_start3A_72 = tpu.memref_slice %arg8[%dma_start3A_70, %dma_start3A_71] : memref<10240x128xf32, #tpu.memory_space<vmem_shared>> -> memref<10240x128xf32, #tpu.memory_space<vmem_shared>>
        tpu.enqueue_indirect_dma source(%arg9 : memref<128x128xf32, #tpu.memory_space<vmem>>) target(%dma_start3A_72 : memref<10240x128xf32, #tpu.memory_space<vmem_shared>>) offsets(%dma_start3A_69 : memref<128xi32, #tpu.memory_space<vmem>>) semaphore(%run_scoped3A : memref<!tpu.dma_semaphore, #tpu.memory_space<semaphore_mem>>) {add = true}
        %dma_wait3A_73 = arith.constant 0 : i32
        %dma_wait3A_74 = tpu.memref_slice %arg7[%while3A_56, %dma_wait3A_73] : memref<128x128xi32, #tpu.memory_space<vmem>> -> memref<1x128xi32, #tpu.memory_space<vmem>>
        %dma_wait3A_75 = tpu.memref_squeeze %dma_wait3A_74 : memref<1x128xi32, #tpu.memory_space<vmem>> -> memref<128xi32, #tpu.memory_space<vmem>>
        %dma_wait3A_76 = arith.constant 0 : i32
        %dma_wait3A_77 = arith.constant 0 : i32
        %dma_wait3A_78 = tpu.memref_slice %arg8[%dma_wait3A_76, %dma_wait3A_77] : memref<10240x128xf32, #tpu.memory_space<vmem_shared>> -> memref<10240x128xf32, #tpu.memory_space<vmem_shared>>
        tpu.wait_indirect_dma semaphore(%run_scoped3A : memref<!tpu.dma_semaphore, #tpu.memory_space<semaphore_mem>>) src(%arg9 : memref<128x128xf32, #tpu.memory_space<vmem>>) dst(%dma_wait3A_78 : memref<10240x128xf32, #tpu.memory_space<vmem_shared>>)
        tpu.yield
      }) : () -> ()
      %sub3A = arith.constant 1 : i32
      %sub3A_64 = arith.subi %select_n3A, %sub3A : i32
      %lt3A = arith.cmpi slt, %while3A_56, %sub3A_64 : i32
      %convert_element_type3A = arith.extui %lt3A : i1 to i32
      %cond3A = arith.constant 0 : i32
      %cond3A_65 = arith.cmpi ne, %convert_element_type3A, %cond3A : i32
      scf.if %cond3A_65 {
        %add3A_67 = arith.constant 1 : i32
        %add3A_68 = arith.addi %while3A_56, %add3A_67 : i32
        %dma_start3A_69 = arith.constant 0 : i32
        %dma_start3A_70 = tpu.memref_slice %arg6[%add3A_68, %dma_start3A_69] : memref<128x128xi32, #tpu.memory_space<vmem>> -> memref<1x128xi32, #tpu.memory_space<vmem>>
        %dma_start3A_71 = tpu.memref_squeeze %dma_start3A_70 : memref<1x128xi32, #tpu.memory_space<vmem>> -> memref<128xi32, #tpu.memory_space<vmem>>
        %dma_start3A_72 = arith.constant 0 : i32
        %dma_start3A_73 = arith.constant 0 : i32
        %dma_start3A_74 = tpu.memref_slice %arg2[%dma_start3A_72, %dma_start3A_73] : memref<10240x128xf32, #tpu.memory_space<hbm>> -> memref<10240x128xf32, #tpu.memory_space<hbm>>
        tpu.enqueue_indirect_dma source(%dma_start3A_74 : memref<10240x128xf32, #tpu.memory_space<hbm>>) target(%arg9 : memref<128x128xf32, #tpu.memory_space<vmem>>) offsets(%dma_start3A_71 : memref<128xi32, #tpu.memory_space<vmem>>) semaphore(%arg10 : memref<!tpu.dma_semaphore, #tpu.memory_space<semaphore_mem>>)
      } else {
      }
      %while3A_66 = arith.constant 0 : i32
      scf.yield %while3A_66 : i32
    }
    %barrier3A_51 = arith.constant 0 : index
    tpu.barrier barrier_id(%barrier3A_51)
    %mul3A_52 = arith.constant 640 : i32
    %mul3A_53 = arith.muli %arg1, %mul3A_52 : i32
    %mul3A_54 = arith.constant 640 : i32
    %mul3A_55 = arith.muli %arg1, %mul3A_54 : i32
    "tpu.region"() ({
      %run_scoped3A = tpu.sem_alloc : memref<!tpu.dma_semaphore, #tpu.memory_space<semaphore_mem>>
      %dma_start3A_56 = arith.constant 0 : i32
      %dma_start3A_57 = tpu.memref_slice %arg5[%arg0, %mul3A_55, %dma_start3A_56] : memref<2x10240x128xf32, #tpu.memory_space<hbm>> -> memref<1x640x128xf32, #tpu.memory_space<hbm>>
      %dma_start3A_58 = tpu.memref_squeeze %dma_start3A_57 : memref<1x640x128xf32, #tpu.memory_space<hbm>> -> memref<640x128xf32, #tpu.memory_space<hbm>>
      %dma_start3A_59 = arith.constant 0 : i32
      %dma_start3A_60 = tpu.memref_slice %arg8[%mul3A_53, %dma_start3A_59] : memref<10240x128xf32, #tpu.memory_space<vmem_shared>> -> memref<640x128xf32, #tpu.memory_space<vmem_shared>>
      tpu.enqueue_dma source(%dma_start3A_60 : memref<640x128xf32, #tpu.memory_space<vmem_shared>>) target(%dma_start3A_58 : memref<640x128xf32, #tpu.memory_space<hbm>>) target_semaphore(%run_scoped3A : memref<!tpu.dma_semaphore, #tpu.memory_space<semaphore_mem>>)
      %dma_wait3A_61 = arith.constant 0 : i32
      %dma_wait3A_62 = tpu.memref_slice %arg5[%arg0, %mul3A_55, %dma_wait3A_61] : memref<2x10240x128xf32, #tpu.memory_space<hbm>> -> memref<1x640x128xf32, #tpu.memory_space<hbm>>
      %dma_wait3A_63 = tpu.memref_squeeze %dma_wait3A_62 : memref<1x640x128xf32, #tpu.memory_space<hbm>> -> memref<640x128xf32, #tpu.memory_space<hbm>>
      %dma_wait3A_64 = arith.constant 0 : i32
      %dma_wait3A_65 = tpu.memref_slice %arg8[%mul3A_53, %dma_wait3A_64] : memref<10240x128xf32, #tpu.memory_space<vmem_shared>> -> memref<640x128xf32, #tpu.memory_space<vmem_shared>>
      tpu.wait_dma2 semaphore(%run_scoped3A : memref<!tpu.dma_semaphore, #tpu.memory_space<semaphore_mem>>) src(%dma_wait3A_65 : memref<640x128xf32, #tpu.memory_space<vmem_shared>>) dst(%dma_wait3A_63 : memref<640x128xf32, #tpu.memory_space<hbm>>)
      tpu.yield
    }) : () -> ()
    return
  }
}

#map = affine_map<(d0, d1) -> (0, 0)>
#map1 = affine_map<(d0, d1) -> (0)>
module attributes {stable_mosaic.version = 14 : i64} {
  func.func @k(%arg0: i32, %arg1: i32, %arg2: memref<2816x128xi32, #tpu.memory_space<hbm>>, %arg3: memref<10240xf32, #tpu.memory_space<hbm>>, %arg4: memref<10240xf32, #tpu.memory_space<hbm>>, %arg5: memref<88x128xi32, #tpu.memory_space<vmem>>, %arg6: memref<128xf32, #tpu.memory_space<vmem>>, %arg7: memref<640xf32, #tpu.memory_space<vmem>>, %arg8: memref<10240xf32, #tpu.memory_space<vmem_shared>>, %arg9: memref<!tpu.dma_semaphore, #tpu.memory_space<semaphore_mem>>) attributes {dimension_semantics = [#tpu.dimension_semantics<core_parallel>, #tpu.dimension_semantics<subcore_parallel>], iteration_bounds = array<i64: 2, 16>, scalar_prefetch = 0 : i64, scratch_operands = 5 : i64, tpu.core_type = #tpu.core_type<sc_vector_subcore>, window_params = [{transform_indices = #map}, {transform_indices = #map1}, {transform_indices = #map1}]} {
    %mul3A = arith.constant 16 : i32
    %mul3A_0 = arith.muli %arg0, %mul3A : i32
    %add3A = arith.addi %mul3A_0, %arg1 : i32
    %scan3A = arith.constant 0 : i32
    %scan3A_1 = arith.constant 0 : i32
    %scan3A_2 = arith.constant 8 : i32
    %scan3A_3 = arith.addi %scan3A_1, %scan3A_2 : i32
    %scan3A_4 = arith.constant 1 : i32
    %scan3A_5 = scf.for %scan3A_41 = %scan3A_1 to %scan3A_3 step %scan3A_4 iter_args(%scan3A_42 = %scan3A) -> (i32)  : i32 {
      %broadcast_in_dim3A = arith.constant 1.000000e+00 : f32
      %broadcast_in_dim3A_43 = vector.broadcast %broadcast_in_dim3A : f32 to vector<16xf32>
      %mul3A_44 = arith.constant 16 : i32
      %mul3A_45 = arith.muli %scan3A_41, %mul3A_44 : i32
      %swap3A = arith.index_cast %mul3A_45 : i32 to index
      %swap3A_46 = tpu.vector_load %arg6[%swap3A] {strides = array<i32>} : memref<128xf32, #tpu.memory_space<vmem>>, vector<16xf32>,
      %swap3A_47 = vector.shape_cast %swap3A_46 : vector<16xf32> to vector<16xf32>
      %swap3A_48 = vector.shape_cast %broadcast_in_dim3A_43 : vector<16xf32> to vector<16xf32>
      tpu.vector_store %arg6[%swap3A], %swap3A_48 {strides = array<i32>} : memref<128xf32, #tpu.memory_space<vmem>>, vector<16xf32>,
      %scan3A_49 = arith.constant 0 : i32
      scf.yield %scan3A_49 : i32
    }
    %scan3A_6 = arith.constant 8 : i32
    %scan3A_7 = arith.constant 0 : i32
    %scan3A_8 = arith.constant 0 : i32
    %scan3A_9 = arith.constant 40 : i32
    %scan3A_10 = arith.addi %scan3A_8, %scan3A_9 : i32
    %scan3A_11 = arith.constant 1 : i32
    %scan3A_12 = scf.for %scan3A_41 = %scan3A_8 to %scan3A_10 step %scan3A_11 iter_args(%scan3A_42 = %scan3A_7) -> (i32)  : i32 {
      %broadcast_in_dim3A = arith.constant 0.000000e+00 : f32
      %broadcast_in_dim3A_43 = vector.broadcast %broadcast_in_dim3A : f32 to vector<16xf32>
      %mul3A_44 = arith.constant 16 : i32
      %mul3A_45 = arith.muli %scan3A_41, %mul3A_44 : i32
      %swap3A = arith.index_cast %mul3A_45 : i32 to index
      %swap3A_46 = tpu.vector_load %arg7[%swap3A] {strides = array<i32>} : memref<640xf32, #tpu.memory_space<vmem>>, vector<16xf32>,
      %swap3A_47 = vector.shape_cast %swap3A_46 : vector<16xf32> to vector<16xf32>
      %swap3A_48 = vector.shape_cast %broadcast_in_dim3A_43 : vector<16xf32> to vector<16xf32>
      tpu.vector_store %arg7[%swap3A], %swap3A_48 {strides = array<i32>} : memref<640xf32, #tpu.memory_space<vmem>>, vector<16xf32>,
      %scan3A_49 = arith.constant 0 : i32
      scf.yield %scan3A_49 : i32
    }
    %scan3A_13 = arith.constant 40 : i32
    %mul3A_14 = arith.constant 640 : i32
    %mul3A_15 = arith.muli %arg1, %mul3A_14 : i32
    "tpu.region"() ({
      %run_scoped3A = tpu.sem_alloc : memref<!tpu.dma_semaphore, #tpu.memory_space<semaphore_mem>>
      %dma_start3A_41 = tpu.memref_slice %arg8[%mul3A_15] : memref<10240xf32, #tpu.memory_space<vmem_shared>> -> memref<640xf32, #tpu.memory_space<vmem_shared>>
      %dma_start3A_42 = tpu.memref_slice %arg8[%mul3A_15] : memref<10240xf32, #tpu.memory_space<vmem_shared>> -> memref<640xf32, #tpu.memory_space<vmem_shared>>
      tpu.enqueue_dma source(%arg7 : memref<640xf32, #tpu.memory_space<vmem>>) target(%dma_start3A_42 : memref<640xf32, #tpu.memory_space<vmem_shared>>) target_semaphore(%run_scoped3A : memref<!tpu.dma_semaphore, #tpu.memory_space<semaphore_mem>>)
      %dma_wait3A_43 = tpu.memref_slice %arg8[%mul3A_15] : memref<10240xf32, #tpu.memory_space<vmem_shared>> -> memref<640xf32, #tpu.memory_space<vmem_shared>>
      %dma_wait3A_44 = tpu.memref_slice %arg8[%mul3A_15] : memref<10240xf32, #tpu.memory_space<vmem_shared>> -> memref<640xf32, #tpu.memory_space<vmem_shared>>
      tpu.wait_dma2 semaphore(%run_scoped3A : memref<!tpu.dma_semaphore, #tpu.memory_space<semaphore_mem>>) src(%arg7 : memref<640xf32, #tpu.memory_space<vmem>>) dst(%dma_wait3A_44 : memref<640xf32, #tpu.memory_space<vmem_shared>>)
      tpu.yield
    }) : () -> ()
    %mul3A_16 = arith.constant 88 : i32
    %mul3A_17 = arith.muli %add3A, %mul3A_16 : i32
    %dma_start3A = arith.constant 0 : i32
    %dma_start3A_18 = tpu.memref_slice %arg2[%mul3A_17, %dma_start3A] : memref<2816x128xi32, #tpu.memory_space<hbm>> -> memref<88x128xi32, #tpu.memory_space<hbm>>
    %dma_start3A_19 = arith.constant 0 : i32
    %dma_start3A_20 = tpu.memref_slice %arg2[%mul3A_17, %dma_start3A_19] : memref<2816x128xi32, #tpu.memory_space<hbm>> -> memref<88x128xi32, #tpu.memory_space<hbm>>
    tpu.enqueue_dma source(%dma_start3A_20 : memref<88x128xi32, #tpu.memory_space<hbm>>) target(%arg5 : memref<88x128xi32, #tpu.memory_space<vmem>>) target_semaphore(%arg9 : memref<!tpu.dma_semaphore, #tpu.memory_space<semaphore_mem>>)
    %dma_wait3A = arith.constant 0 : i32
    %dma_wait3A_21 = tpu.memref_slice %arg2[%mul3A_17, %dma_wait3A] : memref<2816x128xi32, #tpu.memory_space<hbm>> -> memref<88x128xi32, #tpu.memory_space<hbm>>
    %dma_wait3A_22 = arith.constant 0 : i32
    %dma_wait3A_23 = tpu.memref_slice %arg2[%mul3A_17, %dma_wait3A_22] : memref<2816x128xi32, #tpu.memory_space<hbm>> -> memref<88x128xi32, #tpu.memory_space<hbm>>
    tpu.wait_dma2 semaphore(%arg9 : memref<!tpu.dma_semaphore, #tpu.memory_space<semaphore_mem>>) src(%dma_wait3A_23 : memref<88x128xi32, #tpu.memory_space<hbm>>) dst(%arg5 : memref<88x128xi32, #tpu.memory_space<vmem>>)
    %barrier3A = arith.constant 0 : index
    tpu.barrier barrier_id(%barrier3A)
    %scan3A_24 = arith.constant 0 : i32
    %scan3A_25 = arith.constant 0 : i32
    %scan3A_26 = arith.constant 22 : i32
    %scan3A_27 = arith.addi %scan3A_25, %scan3A_26 : i32
    %scan3A_28 = arith.constant 1 : i32
    %scan3A_29 = scf.for %scan3A_41 = %scan3A_25 to %scan3A_27 step %scan3A_28 iter_args(%scan3A_42 = %scan3A_24) -> (i32)  : i32 {
      %mul3A_43 = arith.constant 4 : i32
      %mul3A_44 = arith.muli %scan3A_41, %mul3A_43 : i32
      %add3A_45 = arith.constant 0 : i32
      %add3A_46 = arith.addi %mul3A_44, %add3A_45 : i32
      %dma_start3A_47 = arith.constant 0 : i32
      %dma_start3A_48 = tpu.memref_slice %arg5[%add3A_46, %dma_start3A_47] : memref<88x128xi32, #tpu.memory_space<vmem>> -> memref<1x128xi32, #tpu.memory_space<vmem>>
      %dma_start3A_49 = tpu.memref_squeeze %dma_start3A_48 : memref<1x128xi32, #tpu.memory_space<vmem>> -> memref<128xi32, #tpu.memory_space<vmem>>
      %dma_start3A_50 = arith.constant 0 : i32
      %dma_start3A_51 = tpu.memref_slice %arg8[%dma_start3A_50] : memref<10240xf32, #tpu.memory_space<vmem_shared>> -> memref<10240xf32, #tpu.memory_space<vmem_shared>>
      tpu.enqueue_indirect_dma source(%arg6 : memref<128xf32, #tpu.memory_space<vmem>>) target(%dma_start3A_51 : memref<10240xf32, #tpu.memory_space<vmem_shared>>) offsets(%dma_start3A_49 : memref<128xi32, #tpu.memory_space<vmem>>) semaphore(%arg9 : memref<!tpu.dma_semaphore, #tpu.memory_space<semaphore_mem>>) {add = true}
      %mul3A_52 = arith.constant 4 : i32
      %mul3A_53 = arith.muli %scan3A_41, %mul3A_52 : i32
      %add3A_54 = arith.constant 1 : i32
      %add3A_55 = arith.addi %mul3A_53, %add3A_54 : i32
      %dma_start3A_56 = arith.constant 0 : i32
      %dma_start3A_57 = tpu.memref_slice %arg5[%add3A_55, %dma_start3A_56] : memref<88x128xi32, #tpu.memory_space<vmem>> -> memref<1x128xi32, #tpu.memory_space<vmem>>
      %dma_start3A_58 = tpu.memref_squeeze %dma_start3A_57 : memref<1x128xi32, #tpu.memory_space<vmem>> -> memref<128xi32, #tpu.memory_space<vmem>>
      %dma_start3A_59 = arith.constant 0 : i32
      %dma_start3A_60 = tpu.memref_slice %arg8[%dma_start3A_59] : memref<10240xf32, #tpu.memory_space<vmem_shared>> -> memref<10240xf32, #tpu.memory_space<vmem_shared>>
      tpu.enqueue_indirect_dma source(%arg6 : memref<128xf32, #tpu.memory_space<vmem>>) target(%dma_start3A_60 : memref<10240xf32, #tpu.memory_space<vmem_shared>>) offsets(%dma_start3A_58 : memref<128xi32, #tpu.memory_space<vmem>>) semaphore(%arg9 : memref<!tpu.dma_semaphore, #tpu.memory_space<semaphore_mem>>) {add = true}
      %mul3A_61 = arith.constant 4 : i32
      %mul3A_62 = arith.muli %scan3A_41, %mul3A_61 : i32
      %add3A_63 = arith.constant 2 : i32
      %add3A_64 = arith.addi %mul3A_62, %add3A_63 : i32
      %dma_start3A_65 = arith.constant 0 : i32
      %dma_start3A_66 = tpu.memref_slice %arg5[%add3A_64, %dma_start3A_65] : memref<88x128xi32, #tpu.memory_space<vmem>> -> memref<1x128xi32, #tpu.memory_space<vmem>>
      %dma_start3A_67 = tpu.memref_squeeze %dma_start3A_66 : memref<1x128xi32, #tpu.memory_space<vmem>> -> memref<128xi32, #tpu.memory_space<vmem>>
      %dma_start3A_68 = arith.constant 0 : i32
      %dma_start3A_69 = tpu.memref_slice %arg8[%dma_start3A_68] : memref<10240xf32, #tpu.memory_space<vmem_shared>> -> memref<10240xf32, #tpu.memory_space<vmem_shared>>
      tpu.enqueue_indirect_dma source(%arg6 : memref<128xf32, #tpu.memory_space<vmem>>) target(%dma_start3A_69 : memref<10240xf32, #tpu.memory_space<vmem_shared>>) offsets(%dma_start3A_67 : memref<128xi32, #tpu.memory_space<vmem>>) semaphore(%arg9 : memref<!tpu.dma_semaphore, #tpu.memory_space<semaphore_mem>>) {add = true}
      %mul3A_70 = arith.constant 4 : i32
      %mul3A_71 = arith.muli %scan3A_41, %mul3A_70 : i32
      %add3A_72 = arith.constant 3 : i32
      %add3A_73 = arith.addi %mul3A_71, %add3A_72 : i32
      %dma_start3A_74 = arith.constant 0 : i32
      %dma_start3A_75 = tpu.memref_slice %arg5[%add3A_73, %dma_start3A_74] : memref<88x128xi32, #tpu.memory_space<vmem>> -> memref<1x128xi32, #tpu.memory_space<vmem>>
      %dma_start3A_76 = tpu.memref_squeeze %dma_start3A_75 : memref<1x128xi32, #tpu.memory_space<vmem>> -> memref<128xi32, #tpu.memory_space<vmem>>
      %dma_start3A_77 = arith.constant 0 : i32
      %dma_start3A_78 = tpu.memref_slice %arg8[%dma_start3A_77] : memref<10240xf32, #tpu.memory_space<vmem_shared>> -> memref<10240xf32, #tpu.memory_space<vmem_shared>>
      tpu.enqueue_indirect_dma source(%arg6 : memref<128xf32, #tpu.memory_space<vmem>>) target(%dma_start3A_78 : memref<10240xf32, #tpu.memory_space<vmem_shared>>) offsets(%dma_start3A_76 : memref<128xi32, #tpu.memory_space<vmem>>) semaphore(%arg9 : memref<!tpu.dma_semaphore, #tpu.memory_space<semaphore_mem>>) {add = true}
      %dma_wait3A_79 = arith.constant 0 : i32
      %dma_wait3A_80 = tpu.memref_slice %arg8[%dma_wait3A_79] : memref<10240xf32, #tpu.memory_space<vmem_shared>> -> memref<128xf32, #tpu.memory_space<vmem_shared>>
      %dma_wait3A_81 = arith.constant 0 : i32
      %dma_wait3A_82 = tpu.memref_slice %arg8[%dma_wait3A_81] : memref<10240xf32, #tpu.memory_space<vmem_shared>> -> memref<128xf32, #tpu.memory_space<vmem_shared>>
      tpu.wait_dma2 semaphore(%arg9 : memref<!tpu.dma_semaphore, #tpu.memory_space<semaphore_mem>>) src(%arg6 : memref<128xf32, #tpu.memory_space<vmem>>) dst(%dma_wait3A_82 : memref<128xf32, #tpu.memory_space<vmem_shared>>)
      %dma_wait3A_83 = arith.constant 0 : i32
      %dma_wait3A_84 = tpu.memref_slice %arg8[%dma_wait3A_83] : memref<10240xf32, #tpu.memory_space<vmem_shared>> -> memref<128xf32, #tpu.memory_space<vmem_shared>>
      %dma_wait3A_85 = arith.constant 0 : i32
      %dma_wait3A_86 = tpu.memref_slice %arg8[%dma_wait3A_85] : memref<10240xf32, #tpu.memory_space<vmem_shared>> -> memref<128xf32, #tpu.memory_space<vmem_shared>>
      tpu.wait_dma2 semaphore(%arg9 : memref<!tpu.dma_semaphore, #tpu.memory_space<semaphore_mem>>) src(%arg6 : memref<128xf32, #tpu.memory_space<vmem>>) dst(%dma_wait3A_86 : memref<128xf32, #tpu.memory_space<vmem_shared>>)
      %dma_wait3A_87 = arith.constant 0 : i32
      %dma_wait3A_88 = tpu.memref_slice %arg8[%dma_wait3A_87] : memref<10240xf32, #tpu.memory_space<vmem_shared>> -> memref<128xf32, #tpu.memory_space<vmem_shared>>
      %dma_wait3A_89 = arith.constant 0 : i32
      %dma_wait3A_90 = tpu.memref_slice %arg8[%dma_wait3A_89] : memref<10240xf32, #tpu.memory_space<vmem_shared>> -> memref<128xf32, #tpu.memory_space<vmem_shared>>
      tpu.wait_dma2 semaphore(%arg9 : memref<!tpu.dma_semaphore, #tpu.memory_space<semaphore_mem>>) src(%arg6 : memref<128xf32, #tpu.memory_space<vmem>>) dst(%dma_wait3A_90 : memref<128xf32, #tpu.memory_space<vmem_shared>>)
      %dma_wait3A_91 = arith.constant 0 : i32
      %dma_wait3A_92 = tpu.memref_slice %arg8[%dma_wait3A_91] : memref<10240xf32, #tpu.memory_space<vmem_shared>> -> memref<128xf32, #tpu.memory_space<vmem_shared>>
      %dma_wait3A_93 = arith.constant 0 : i32
      %dma_wait3A_94 = tpu.memref_slice %arg8[%dma_wait3A_93] : memref<10240xf32, #tpu.memory_space<vmem_shared>> -> memref<128xf32, #tpu.memory_space<vmem_shared>>
      tpu.wait_dma2 semaphore(%arg9 : memref<!tpu.dma_semaphore, #tpu.memory_space<semaphore_mem>>) src(%arg6 : memref<128xf32, #tpu.memory_space<vmem>>) dst(%dma_wait3A_94 : memref<128xf32, #tpu.memory_space<vmem_shared>>)
      %scan3A_95 = arith.constant 0 : i32
      scf.yield %scan3A_95 : i32
    }
    %scan3A_30 = arith.constant 22 : i32
    %barrier3A_31 = arith.constant 0 : index
    tpu.barrier barrier_id(%barrier3A_31)
    %mul3A_32 = arith.constant 640 : i32
    %mul3A_33 = arith.muli %arg1, %mul3A_32 : i32
    "tpu.region"() ({
      %run_scoped3A = tpu.sem_alloc : memref<!tpu.dma_semaphore, #tpu.memory_space<semaphore_mem>>
      %dma_start3A_41 = tpu.memref_slice %arg8[%mul3A_33] : memref<10240xf32, #tpu.memory_space<vmem_shared>> -> memref<640xf32, #tpu.memory_space<vmem_shared>>
      %dma_start3A_42 = tpu.memref_slice %arg8[%mul3A_33] : memref<10240xf32, #tpu.memory_space<vmem_shared>> -> memref<640xf32, #tpu.memory_space<vmem_shared>>
      tpu.enqueue_dma source(%dma_start3A_42 : memref<640xf32, #tpu.memory_space<vmem_shared>>) target(%arg7 : memref<640xf32, #tpu.memory_space<vmem>>) target_semaphore(%run_scoped3A : memref<!tpu.dma_semaphore, #tpu.memory_space<semaphore_mem>>)
      %dma_wait3A_43 = tpu.memref_slice %arg8[%mul3A_33] : memref<10240xf32, #tpu.memory_space<vmem_shared>> -> memref<640xf32, #tpu.memory_space<vmem_shared>>
      %dma_wait3A_44 = tpu.memref_slice %arg8[%mul3A_33] : memref<10240xf32, #tpu.memory_space<vmem_shared>> -> memref<640xf32, #tpu.memory_space<vmem_shared>>
      tpu.wait_dma2 semaphore(%run_scoped3A : memref<!tpu.dma_semaphore, #tpu.memory_space<semaphore_mem>>) src(%dma_wait3A_44 : memref<640xf32, #tpu.memory_space<vmem_shared>>) dst(%arg7 : memref<640xf32, #tpu.memory_space<vmem>>)
      tpu.yield
    }) : () -> ()
    %eq3A = arith.constant 0 : i32
    %eq3A_34 = arith.cmpi eq, %arg0, %eq3A : i32
    %convert_element_type3A = arith.extui %eq3A_34 : i1 to i32
    %cond3A = arith.constant 0 : i32
    %cond3A_35 = arith.cmpi ne, %convert_element_type3A, %cond3A : i32
    scf.if %cond3A_35 {
      %mul3A_41 = arith.constant 640 : i32
      %mul3A_42 = arith.muli %arg1, %mul3A_41 : i32
      "tpu.region"() ({
        %run_scoped3A = tpu.sem_alloc : memref<!tpu.dma_semaphore, #tpu.memory_space<semaphore_mem>>
        %dma_start3A_43 = tpu.memref_slice %arg3[%mul3A_42] : memref<10240xf32, #tpu.memory_space<hbm>> -> memref<640xf32, #tpu.memory_space<hbm>>
        %dma_start3A_44 = tpu.memref_slice %arg3[%mul3A_42] : memref<10240xf32, #tpu.memory_space<hbm>> -> memref<640xf32, #tpu.memory_space<hbm>>
        tpu.enqueue_dma source(%arg7 : memref<640xf32, #tpu.memory_space<vmem>>) target(%dma_start3A_44 : memref<640xf32, #tpu.memory_space<hbm>>) target_semaphore(%run_scoped3A : memref<!tpu.dma_semaphore, #tpu.memory_space<semaphore_mem>>)
        %dma_wait3A_45 = tpu.memref_slice %arg3[%mul3A_42] : memref<10240xf32, #tpu.memory_space<hbm>> -> memref<640xf32, #tpu.memory_space<hbm>>
        %dma_wait3A_46 = tpu.memref_slice %arg3[%mul3A_42] : memref<10240xf32, #tpu.memory_space<hbm>> -> memref<640xf32, #tpu.memory_space<hbm>>
        tpu.wait_dma2 semaphore(%run_scoped3A : memref<!tpu.dma_semaphore, #tpu.memory_space<semaphore_mem>>) src(%arg7 : memref<640xf32, #tpu.memory_space<vmem>>) dst(%dma_wait3A_46 : memref<640xf32, #tpu.memory_space<hbm>>)
        tpu.yield
      }) : () -> ()
    } else {
    }
    %eq3A_36 = arith.constant 1 : i32
    %eq3A_37 = arith.cmpi eq, %arg0, %eq3A_36 : i32
    %convert_element_type3A_38 = arith.extui %eq3A_37 : i1 to i32
    %cond3A_39 = arith.constant 0 : i32
    %cond3A_40 = arith.cmpi ne, %convert_element_type3A_38, %cond3A_39 : i32
    scf.if %cond3A_40 {
      %mul3A_41 = arith.constant 640 : i32
      %mul3A_42 = arith.muli %arg1, %mul3A_41 : i32
      "tpu.region"() ({
        %run_scoped3A = tpu.sem_alloc : memref<!tpu.dma_semaphore, #tpu.memory_space<semaphore_mem>>
        %dma_start3A_43 = tpu.memref_slice %arg4[%mul3A_42] : memref<10240xf32, #tpu.memory_space<hbm>> -> memref<640xf32, #tpu.memory_space<hbm>>
        %dma_start3A_44 = tpu.memref_slice %arg4[%mul3A_42] : memref<10240xf32, #tpu.memory_space<hbm>> -> memref<640xf32, #tpu.memory_space<hbm>>
        tpu.enqueue_dma source(%arg7 : memref<640xf32, #tpu.memory_space<vmem>>) target(%dma_start3A_44 : memref<640xf32, #tpu.memory_space<hbm>>) target_semaphore(%run_scoped3A : memref<!tpu.dma_semaphore, #tpu.memory_space<semaphore_mem>>)
        %dma_wait3A_45 = tpu.memref_slice %arg4[%mul3A_42] : memref<10240xf32, #tpu.memory_space<hbm>> -> memref<640xf32, #tpu.memory_space<hbm>>
        %dma_wait3A_46 = tpu.memref_slice %arg4[%mul3A_42] : memref<10240xf32, #tpu.memory_space<hbm>> -> memref<640xf32, #tpu.memory_space<hbm>>
        tpu.wait_dma2 semaphore(%run_scoped3A : memref<!tpu.dma_semaphore, #tpu.memory_space<semaphore_mem>>) src(%arg7 : memref<640xf32, #tpu.memory_space<vmem>>) dst(%dma_wait3A_46 : memref<640xf32, #tpu.memory_space<hbm>>)
        tpu.yield
      }) : () -> ()
    } else {
    }
    return
  }
}

#map = affine_map<(d0, d1) -> (0, 0)>
#map1 = affine_map<(d0, d1) -> (0, 0, 0)>
module attributes {stable_mosaic.version = 14 : i64} {
  func.func @k(%arg0: i32, %arg1: i32, %arg2: memref<10240x128xf32, #tpu.memory_space<hbm>>, %arg3: memref<2816x128xi32, #tpu.memory_space<hbm>>, %arg4: memref<2816x128xi32, #tpu.memory_space<hbm>>, %arg5: memref<2x10240x128xf32, #tpu.memory_space<hbm>>, %arg6: memref<128x128xi32, #tpu.memory_space<vmem>>, %arg7: memref<128x128xi32, #tpu.memory_space<vmem>>, %arg8: memref<10240x128xf32, #tpu.memory_space<vmem_shared>>, %arg9: memref<128x128xf32, #tpu.memory_space<vmem>>, %arg10: memref<!tpu.dma_semaphore, #tpu.memory_space<semaphore_mem>>, %arg11: memref<!tpu.dma_semaphore, #tpu.memory_space<semaphore_mem>>) attributes {dimension_semantics = [#tpu.dimension_semantics<core_parallel>, #tpu.dimension_semantics<subcore_parallel>], iteration_bounds = array<i64: 2, 16>, scalar_prefetch = 0 : i64, scratch_operands = 6 : i64, tpu.core_type = #tpu.core_type<sc_vector_subcore>, window_params = [{transform_indices = #map}, {transform_indices = #map}, {transform_indices = #map}, {transform_indices = #map1}]} {
    %eq3A = arith.constant 0 : i32
    %eq3A_0 = arith.cmpi eq, %arg0, %eq3A : i32
    %jit3A = arith.constant 128 : i32
    %jit3A_1 = arith.constant 32 : i32
    %select_n3A = arith.select %eq3A_0, %jit3A, %jit3A_1 : i32
    %mul3A = arith.constant 16 : i32
    %mul3A_2 = arith.muli %arg0, %mul3A : i32
    %mul3A_3 = arith.constant 128 : i32
    %mul3A_4 = arith.muli %mul3A_2, %mul3A_3 : i32
    %mul3A_5 = arith.muli %arg1, %select_n3A : i32
    %add3A = arith.addi %mul3A_4, %mul3A_5 : i32
    %scan3A = arith.constant 0 : i32
    %scan3A_6 = arith.constant 0 : i32
    %scan3A_7 = arith.constant 128 : i32
    %scan3A_8 = arith.addi %scan3A_6, %scan3A_7 : i32
    %scan3A_9 = arith.constant 1 : i32
    %scan3A_10 = scf.for %scan3A_56 = %scan3A_6 to %scan3A_8 step %scan3A_9 iter_args(%scan3A_57 = %scan3A) -> (i32)  : i32 {
      %broadcast_in_dim3A = arith.constant 0.000000e+00 : f32
      %broadcast_in_dim3A_58 = vector.broadcast %broadcast_in_dim3A : f32 to vector<16xf32>
      %swap3A = arith.index_cast %scan3A_56 : i32 to index
      %swap3A_59 = arith.constant 0 : index
      %swap3A_60 = tpu.vector_load %arg9[%swap3A, %swap3A_59] {strides = array<i32>} : memref<128x128xf32, #tpu.memory_space<vmem>>, vector<1x16xf32>,
      %swap3A_61 = vector.shape_cast %swap3A_60 : vector<1x16xf32> to vector<16xf32>
      %swap3A_62 = vector.shape_cast %broadcast_in_dim3A_58 : vector<16xf32> to vector<1x16xf32>
      tpu.vector_store %arg9[%swap3A, %swap3A_59], %swap3A_62 {strides = array<i32>} : memref<128x128xf32, #tpu.memory_space<vmem>>, vector<1x16xf32>,
      %broadcast_in_dim3A_63 = arith.constant 0.000000e+00 : f32
      %broadcast_in_dim3A_64 = vector.broadcast %broadcast_in_dim3A_63 : f32 to vector<16xf32>
      %swap3A_65 = arith.index_cast %scan3A_56 : i32 to index
      %swap3A_66 = arith.constant 16 : index
      %swap3A_67 = tpu.vector_load %arg9[%swap3A_65, %swap3A_66] {strides = array<i32>} : memref<128x128xf32, #tpu.memory_space<vmem>>, vector<1x16xf32>,
      %swap3A_68 = vector.shape_cast %swap3A_67 : vector<1x16xf32> to vector<16xf32>
      %swap3A_69 = vector.shape_cast %broadcast_in_dim3A_64 : vector<16xf32> to vector<1x16xf32>
      tpu.vector_store %arg9[%swap3A_65, %swap3A_66], %swap3A_69 {strides = array<i32>} : memref<128x128xf32, #tpu.memory_space<vmem>>, vector<1x16xf32>,
      %broadcast_in_dim3A_70 = arith.constant 0.000000e+00 : f32
      %broadcast_in_dim3A_71 = vector.broadcast %broadcast_in_dim3A_70 : f32 to vector<16xf32>
      %swap3A_72 = arith.index_cast %scan3A_56 : i32 to index
      %swap3A_73 = arith.constant 32 : index
      %swap3A_74 = tpu.vector_load %arg9[%swap3A_72, %swap3A_73] {strides = array<i32>} : memref<128x128xf32, #tpu.memory_space<vmem>>, vector<1x16xf32>,
      %swap3A_75 = vector.shape_cast %swap3A_74 : vector<1x16xf32> to vector<16xf32>
      %swap3A_76 = vector.shape_cast %broadcast_in_dim3A_71 : vector<16xf32> to vector<1x16xf32>
      tpu.vector_store %arg9[%swap3A_72, %swap3A_73], %swap3A_76 {strides = array<i32>} : memref<128x128xf32, #tpu.memory_space<vmem>>, vector<1x16xf32>,
      %broadcast_in_dim3A_77 = arith.constant 0.000000e+00 : f32
      %broadcast_in_dim3A_78 = vector.broadcast %broadcast_in_dim3A_77 : f32 to vector<16xf32>
      %swap3A_79 = arith.index_cast %scan3A_56 : i32 to index
      %swap3A_80 = arith.constant 48 : index
      %swap3A_81 = tpu.vector_load %arg9[%swap3A_79, %swap3A_80] {strides = array<i32>} : memref<128x128xf32, #tpu.memory_space<vmem>>, vector<1x16xf32>,
      %swap3A_82 = vector.shape_cast %swap3A_81 : vector<1x16xf32> to vector<16xf32>
      %swap3A_83 = vector.shape_cast %broadcast_in_dim3A_78 : vector<16xf32> to vector<1x16xf32>
      tpu.vector_store %arg9[%swap3A_79, %swap3A_80], %swap3A_83 {strides = array<i32>} : memref<128x128xf32, #tpu.memory_space<vmem>>, vector<1x16xf32>,
      %broadcast_in_dim3A_84 = arith.constant 0.000000e+00 : f32
      %broadcast_in_dim3A_85 = vector.broadcast %broadcast_in_dim3A_84 : f32 to vector<16xf32>
      %swap3A_86 = arith.index_cast %scan3A_56 : i32 to index
      %swap3A_87 = arith.constant 64 : index
      %swap3A_88 = tpu.vector_load %arg9[%swap3A_86, %swap3A_87] {strides = array<i32>} : memref<128x128xf32, #tpu.memory_space<vmem>>, vector<1x16xf32>,
      %swap3A_89 = vector.shape_cast %swap3A_88 : vector<1x16xf32> to vector<16xf32>
      %swap3A_90 = vector.shape_cast %broadcast_in_dim3A_85 : vector<16xf32> to vector<1x16xf32>
      tpu.vector_store %arg9[%swap3A_86, %swap3A_87], %swap3A_90 {strides = array<i32>} : memref<128x128xf32, #tpu.memory_space<vmem>>, vector<1x16xf32>,
      %broadcast_in_dim3A_91 = arith.constant 0.000000e+00 : f32
      %broadcast_in_dim3A_92 = vector.broadcast %broadcast_in_dim3A_91 : f32 to vector<16xf32>
      %swap3A_93 = arith.index_cast %scan3A_56 : i32 to index
      %swap3A_94 = arith.constant 80 : index
      %swap3A_95 = tpu.vector_load %arg9[%swap3A_93, %swap3A_94] {strides = array<i32>} : memref<128x128xf32, #tpu.memory_space<vmem>>, vector<1x16xf32>,
      %swap3A_96 = vector.shape_cast %swap3A_95 : vector<1x16xf32> to vector<16xf32>
      %swap3A_97 = vector.shape_cast %broadcast_in_dim3A_92 : vector<16xf32> to vector<1x16xf32>
      tpu.vector_store %arg9[%swap3A_93, %swap3A_94], %swap3A_97 {strides = array<i32>} : memref<128x128xf32, #tpu.memory_space<vmem>>, vector<1x16xf32>,
      %broadcast_in_dim3A_98 = arith.constant 0.000000e+00 : f32
      %broadcast_in_dim3A_99 = vector.broadcast %broadcast_in_dim3A_98 : f32 to vector<16xf32>
      %swap3A_100 = arith.index_cast %scan3A_56 : i32 to index
      %swap3A_101 = arith.constant 96 : index
      %swap3A_102 = tpu.vector_load %arg9[%swap3A_100, %swap3A_101] {strides = array<i32>} : memref<128x128xf32, #tpu.memory_space<vmem>>, vector<1x16xf32>,
      %swap3A_103 = vector.shape_cast %swap3A_102 : vector<1x16xf32> to vector<16xf32>
      %swap3A_104 = vector.shape_cast %broadcast_in_dim3A_99 : vector<16xf32> to vector<1x16xf32>
      tpu.vector_store %arg9[%swap3A_100, %swap3A_101], %swap3A_104 {strides = array<i32>} : memref<128x128xf32, #tpu.memory_space<vmem>>, vector<1x16xf32>,
      %broadcast_in_dim3A_105 = arith.constant 0.000000e+00 : f32
      %broadcast_in_dim3A_106 = vector.broadcast %broadcast_in_dim3A_105 : f32 to vector<16xf32>
      %swap3A_107 = arith.index_cast %scan3A_56 : i32 to index
      %swap3A_108 = arith.constant 112 : index
      %swap3A_109 = tpu.vector_load %arg9[%swap3A_107, %swap3A_108] {strides = array<i32>} : memref<128x128xf32, #tpu.memory_space<vmem>>, vector<1x16xf32>,
      %swap3A_110 = vector.shape_cast %swap3A_109 : vector<1x16xf32> to vector<16xf32>
      %swap3A_111 = vector.shape_cast %broadcast_in_dim3A_106 : vector<16xf32> to vector<1x16xf32>
      tpu.vector_store %arg9[%swap3A_107, %swap3A_108], %swap3A_111 {strides = array<i32>} : memref<128x128xf32, #tpu.memory_space<vmem>>, vector<1x16xf32>,
      %scan3A_112 = arith.constant 0 : i32
      scf.yield %scan3A_112 : i32
    }
    %scan3A_11 = arith.constant 128 : i32
    %scan3A_12 = arith.constant 0 : i32
    %scan3A_13 = arith.constant 0 : i32
    %scan3A_14 = arith.constant 5 : i32
    %scan3A_15 = arith.addi %scan3A_13, %scan3A_14 : i32
    %scan3A_16 = arith.constant 1 : i32
    %scan3A_17 = scf.for %scan3A_56 = %scan3A_13 to %scan3A_15 step %scan3A_16 iter_args(%scan3A_57 = %scan3A_12) -> (i32)  : i32 {
      %mul3A_58 = arith.constant 640 : i32
      %mul3A_59 = arith.muli %arg1, %mul3A_58 : i32
      %mul3A_60 = arith.constant 128 : i32
      %mul3A_61 = arith.muli %scan3A_56, %mul3A_60 : i32
      %add3A_62 = arith.addi %mul3A_59, %mul3A_61 : i32
      "tpu.region"() ({
        %run_scoped3A = tpu.sem_alloc : memref<!tpu.dma_semaphore, #tpu.memory_space<semaphore_mem>>
        %dma_start3A_64 = arith.constant 0 : i32
        %dma_start3A_65 = tpu.memref_slice %arg8[%add3A_62, %dma_start3A_64] : memref<10240x128xf32, #tpu.memory_space<vmem_shared>> -> memref<128x128xf32, #tpu.memory_space<vmem_shared>>
        %dma_start3A_66 = arith.constant 0 : i32
        %dma_start3A_67 = tpu.memref_slice %arg8[%add3A_62, %dma_start3A_66] : memref<10240x128xf32, #tpu.memory_space<vmem_shared>> -> memref<128x128xf32, #tpu.memory_space<vmem_shared>>
        tpu.enqueue_dma source(%arg9 : memref<128x128xf32, #tpu.memory_space<vmem>>) target(%dma_start3A_67 : memref<128x128xf32, #tpu.memory_space<vmem_shared>>) target_semaphore(%run_scoped3A : memref<!tpu.dma_semaphore, #tpu.memory_space<semaphore_mem>>)
        %dma_wait3A_68 = arith.constant 0 : i32
        %dma_wait3A_69 = tpu.memref_slice %arg8[%add3A_62, %dma_wait3A_68] : memref<10240x128xf32, #tpu.memory_space<vmem_shared>> -> memref<128x128xf32, #tpu.memory_space<vmem_shared>>
        %dma_wait3A_70 = arith.constant 0 : i32
        %dma_wait3A_71 = tpu.memref_slice %arg8[%add3A_62, %dma_wait3A_70] : memref<10240x128xf32, #tpu.memory_space<vmem_shared>> -> memref<128x128xf32, #tpu.memory_space<vmem_shared>>
        tpu.wait_dma2 semaphore(%run_scoped3A : memref<!tpu.dma_semaphore, #tpu.memory_space<semaphore_mem>>) src(%arg9 : memref<128x128xf32, #tpu.memory_space<vmem>>) dst(%dma_wait3A_71 : memref<128x128xf32, #tpu.memory_space<vmem_shared>>)
        tpu.yield
      }) : () -> ()
      %scan3A_63 = arith.constant 0 : i32
      scf.yield %scan3A_63 : i32
    }
    %scan3A_18 = arith.constant 5 : i32
    %dma_start3A = arith.constant 0 : i32
    %dma_start3A_19 = tpu.memref_slice %arg3[%add3A, %dma_start3A] : memref<2816x128xi32, #tpu.memory_space<hbm>> -> memref<128x128xi32, #tpu.memory_space<hbm>>
    %dma_start3A_20 = arith.constant 0 : i32
    %dma_start3A_21 = tpu.memref_slice %arg3[%add3A, %dma_start3A_20] : memref<2816x128xi32, #tpu.memory_space<hbm>> -> memref<128x128xi32, #tpu.memory_space<hbm>>
    tpu.enqueue_dma source(%dma_start3A_21 : memref<128x128xi32, #tpu.memory_space<hbm>>) target(%arg6 : memref<128x128xi32, #tpu.memory_space<vmem>>) target_semaphore(%arg11 : memref<!tpu.dma_semaphore, #tpu.memory_space<semaphore_mem>>)
    %dma_wait3A = arith.constant 0 : i32
    %dma_wait3A_22 = tpu.memref_slice %arg3[%add3A, %dma_wait3A] : memref<2816x128xi32, #tpu.memory_space<hbm>> -> memref<128x128xi32, #tpu.memory_space<hbm>>
    %dma_wait3A_23 = arith.constant 0 : i32
    %dma_wait3A_24 = tpu.memref_slice %arg3[%add3A, %dma_wait3A_23] : memref<2816x128xi32, #tpu.memory_space<hbm>> -> memref<128x128xi32, #tpu.memory_space<hbm>>
    tpu.wait_dma2 semaphore(%arg11 : memref<!tpu.dma_semaphore, #tpu.memory_space<semaphore_mem>>) src(%dma_wait3A_24 : memref<128x128xi32, #tpu.memory_space<hbm>>) dst(%arg6 : memref<128x128xi32, #tpu.memory_space<vmem>>)
    %dma_start3A_25 = arith.constant 0 : i32
    %dma_start3A_26 = tpu.memref_slice %arg4[%add3A, %dma_start3A_25] : memref<2816x128xi32, #tpu.memory_space<hbm>> -> memref<128x128xi32, #tpu.memory_space<hbm>>
    %dma_start3A_27 = arith.constant 0 : i32
    %dma_start3A_28 = tpu.memref_slice %arg4[%add3A, %dma_start3A_27] : memref<2816x128xi32, #tpu.memory_space<hbm>> -> memref<128x128xi32, #tpu.memory_space<hbm>>
    tpu.enqueue_dma source(%dma_start3A_28 : memref<128x128xi32, #tpu.memory_space<hbm>>) target(%arg7 : memref<128x128xi32, #tpu.memory_space<vmem>>) target_semaphore(%arg11 : memref<!tpu.dma_semaphore, #tpu.memory_space<semaphore_mem>>)
    %dma_wait3A_29 = arith.constant 0 : i32
    %dma_wait3A_30 = tpu.memref_slice %arg4[%add3A, %dma_wait3A_29] : memref<2816x128xi32, #tpu.memory_space<hbm>> -> memref<128x128xi32, #tpu.memory_space<hbm>>
    %dma_wait3A_31 = arith.constant 0 : i32
    %dma_wait3A_32 = tpu.memref_slice %arg4[%add3A, %dma_wait3A_31] : memref<2816x128xi32, #tpu.memory_space<hbm>> -> memref<128x128xi32, #tpu.memory_space<hbm>>
    tpu.wait_dma2 semaphore(%arg11 : memref<!tpu.dma_semaphore, #tpu.memory_space<semaphore_mem>>) src(%dma_wait3A_32 : memref<128x128xi32, #tpu.memory_space<hbm>>) dst(%arg7 : memref<128x128xi32, #tpu.memory_space<vmem>>)
    %barrier3A = arith.constant 0 : index
    tpu.barrier barrier_id(%barrier3A)
    %dma_start3A_33 = arith.constant 0 : i32
    %dma_start3A_34 = arith.constant 0 : i32
    %dma_start3A_35 = tpu.memref_slice %arg6[%dma_start3A_33, %dma_start3A_34] : memref<128x128xi32, #tpu.memory_space<vmem>> -> memref<1x128xi32, #tpu.memory_space<vmem>>
    %dma_start3A_36 = tpu.memref_squeeze %dma_start3A_35 : memref<1x128xi32, #tpu.memory_space<vmem>> -> memref<128xi32, #tpu.memory_space<vmem>>
    %dma_start3A_37 = arith.constant 0 : i32
    %dma_start3A_38 = arith.constant 0 : i32
    %dma_start3A_39 = tpu.memref_slice %arg2[%dma_start3A_37, %dma_start3A_38] : memref<10240x128xf32, #tpu.memory_space<hbm>> -> memref<10240x128xf32, #tpu.memory_space<hbm>>
    tpu.enqueue_indirect_dma source(%dma_start3A_39 : memref<10240x128xf32, #tpu.memory_space<hbm>>) target(%arg9 : memref<128x128xf32, #tpu.memory_space<vmem>>) offsets(%dma_start3A_36 : memref<128xi32, #tpu.memory_space<vmem>>) semaphore(%arg10 : memref<!tpu.dma_semaphore, #tpu.memory_space<semaphore_mem>>)
    %while3A = arith.constant 0 : i32
    %while3A_40 = arith.constant 0 : i32
    %while3A_41 = arith.subi %select_n3A, %while3A : i32
    %while3A_42 = arith.addi %while3A, %while3A_41 : i32
    %while3A_43 = arith.constant 1 : i32
    %while3A_44 = arith.divsi %while3A_41, %while3A_43 : i32
    %while3A_45 = arith.muli %while3A_44, %while3A_43 : i32
    %while3A_46 = arith.addi %while3A, %while3A_45 : i32
    %while3A_47 = arith.constant 1 : i32
    %while3A_48 = scf.for %while3A_56 = %while3A to %while3A_46 step %while3A_47 iter_args(%while3A_57 = %while3A_40) -> (i32)  : i32 {
      %dma_wait3A_58 = arith.constant 0 : i32
      %dma_wait3A_59 = arith.constant 0 : i32
      %dma_wait3A_60 = tpu.memref_slice %arg2[%dma_wait3A_58, %dma_wait3A_59] : memref<10240x128xf32, #tpu.memory_space<hbm>> -> memref<128x128xf32, #tpu.memory_space<hbm>>
      %dma_wait3A_61 = arith.constant 0 : i32
      %dma_wait3A_62 = arith.constant 0 : i32
      %dma_wait3A_63 = tpu.memref_slice %arg2[%dma_wait3A_61, %dma_wait3A_62] : memref<10240x128xf32, #tpu.memory_space<hbm>> -> memref<128x128xf32, #tpu.memory_space<hbm>>
      tpu.wait_dma2 semaphore(%arg10 : memref<!tpu.dma_semaphore, #tpu.memory_space<semaphore_mem>>) src(%dma_wait3A_63 : memref<128x128xf32, #tpu.memory_space<hbm>>) dst(%arg9 : memref<128x128xf32, #tpu.memory_space<vmem>>)
      "tpu.region"() ({
        %run_scoped3A = tpu.sem_alloc : memref<!tpu.dma_semaphore, #tpu.memory_space<semaphore_mem>>
        %dma_start3A_67 = arith.constant 0 : i32
        %dma_start3A_68 = tpu.memref_slice %arg7[%while3A_56, %dma_start3A_67] : memref<128x128xi32, #tpu.memory_space<vmem>> -> memref<1x128xi32, #tpu.memory_space<vmem>>
        %dma_start3A_69 = tpu.memref_squeeze %dma_start3A_68 : memref<1x128xi32, #tpu.memory_space<vmem>> -> memref<128xi32, #tpu.memory_space<vmem>>
        %dma_start3A_70 = arith.constant 0 : i32
        %dma_start3A_71 = arith.constant 0 : i32
        %dma_start3A_72 = tpu.memref_slice %arg8[%dma_start3A_70, %dma_start3A_71] : memref<10240x128xf32, #tpu.memory_space<vmem_shared>> -> memref<10240x128xf32, #tpu.memory_space<vmem_shared>>
        tpu.enqueue_indirect_dma source(%arg9 : memref<128x128xf32, #tpu.memory_space<vmem>>) target(%dma_start3A_72 : memref<10240x128xf32, #tpu.memory_space<vmem_shared>>) offsets(%dma_start3A_69 : memref<128xi32, #tpu.memory_space<vmem>>) semaphore(%run_scoped3A : memref<!tpu.dma_semaphore, #tpu.memory_space<semaphore_mem>>) {add = true}
        %dma_wait3A_73 = arith.constant 0 : i32
        %dma_wait3A_74 = tpu.memref_slice %arg7[%while3A_56, %dma_wait3A_73] : memref<128x128xi32, #tpu.memory_space<vmem>> -> memref<1x128xi32, #tpu.memory_space<vmem>>
        %dma_wait3A_75 = tpu.memref_squeeze %dma_wait3A_74 : memref<1x128xi32, #tpu.memory_space<vmem>> -> memref<128xi32, #tpu.memory_space<vmem>>
        %dma_wait3A_76 = arith.constant 0 : i32
        %dma_wait3A_77 = arith.constant 0 : i32
        %dma_wait3A_78 = tpu.memref_slice %arg8[%dma_wait3A_76, %dma_wait3A_77] : memref<10240x128xf32, #tpu.memory_space<vmem_shared>> -> memref<10240x128xf32, #tpu.memory_space<vmem_shared>>
        tpu.wait_indirect_dma semaphore(%run_scoped3A : memref<!tpu.dma_semaphore, #tpu.memory_space<semaphore_mem>>) src(%arg9 : memref<128x128xf32, #tpu.memory_space<vmem>>) dst(%dma_wait3A_78 : memref<10240x128xf32, #tpu.memory_space<vmem_shared>>)
        tpu.yield
      }) : () -> ()
      %sub3A = arith.constant 1 : i32
      %sub3A_64 = arith.subi %select_n3A, %sub3A : i32
      %lt3A = arith.cmpi slt, %while3A_56, %sub3A_64 : i32
      %convert_element_type3A = arith.extui %lt3A : i1 to i32
      %cond3A = arith.constant 0 : i32
      %cond3A_65 = arith.cmpi ne, %convert_element_type3A, %cond3A : i32
      scf.if %cond3A_65 {
        %add3A_67 = arith.constant 1 : i32
        %add3A_68 = arith.addi %while3A_56, %add3A_67 : i32
        %dma_start3A_69 = arith.constant 0 : i32
        %dma_start3A_70 = tpu.memref_slice %arg6[%add3A_68, %dma_start3A_69] : memref<128x128xi32, #tpu.memory_space<vmem>> -> memref<1x128xi32, #tpu.memory_space<vmem>>
        %dma_start3A_71 = tpu.memref_squeeze %dma_start3A_70 : memref<1x128xi32, #tpu.memory_space<vmem>> -> memref<128xi32, #tpu.memory_space<vmem>>
        %dma_start3A_72 = arith.constant 0 : i32
        %dma_start3A_73 = arith.constant 0 : i32
        %dma_start3A_74 = tpu.memref_slice %arg2[%dma_start3A_72, %dma_start3A_73] : memref<10240x128xf32, #tpu.memory_space<hbm>> -> memref<10240x128xf32, #tpu.memory_space<hbm>>
        tpu.enqueue_indirect_dma source(%dma_start3A_74 : memref<10240x128xf32, #tpu.memory_space<hbm>>) target(%arg9 : memref<128x128xf32, #tpu.memory_space<vmem>>) offsets(%dma_start3A_71 : memref<128xi32, #tpu.memory_space<vmem>>) semaphore(%arg10 : memref<!tpu.dma_semaphore, #tpu.memory_space<semaphore_mem>>)
      } else {
      }
      %while3A_66 = arith.constant 0 : i32
      scf.yield %while3A_66 : i32
    }
    %while3A_49 = arith.constant 1 : i32
    %while3A_50 = scf.for %while3A_56 = %while3A_46 to %while3A_42 step %while3A_49 iter_args(%while3A_57 = %while3A_48) -> (i32)  : i32 {
      %dma_wait3A_58 = arith.constant 0 : i32
      %dma_wait3A_59 = arith.constant 0 : i32
      %dma_wait3A_60 = tpu.memref_slice %arg2[%dma_wait3A_58, %dma_wait3A_59] : memref<10240x128xf32, #tpu.memory_space<hbm>> -> memref<128x128xf32, #tpu.memory_space<hbm>>
      %dma_wait3A_61 = arith.constant 0 : i32
      %dma_wait3A_62 = arith.constant 0 : i32
      %dma_wait3A_63 = tpu.memref_slice %arg2[%dma_wait3A_61, %dma_wait3A_62] : memref<10240x128xf32, #tpu.memory_space<hbm>> -> memref<128x128xf32, #tpu.memory_space<hbm>>
      tpu.wait_dma2 semaphore(%arg10 : memref<!tpu.dma_semaphore, #tpu.memory_space<semaphore_mem>>) src(%dma_wait3A_63 : memref<128x128xf32, #tpu.memory_space<hbm>>) dst(%arg9 : memref<128x128xf32, #tpu.memory_space<vmem>>)
      "tpu.region"() ({
        %run_scoped3A = tpu.sem_alloc : memref<!tpu.dma_semaphore, #tpu.memory_space<semaphore_mem>>
        %dma_start3A_67 = arith.constant 0 : i32
        %dma_start3A_68 = tpu.memref_slice %arg7[%while3A_56, %dma_start3A_67] : memref<128x128xi32, #tpu.memory_space<vmem>> -> memref<1x128xi32, #tpu.memory_space<vmem>>
        %dma_start3A_69 = tpu.memref_squeeze %dma_start3A_68 : memref<1x128xi32, #tpu.memory_space<vmem>> -> memref<128xi32, #tpu.memory_space<vmem>>
        %dma_start3A_70 = arith.constant 0 : i32
        %dma_start3A_71 = arith.constant 0 : i32
        %dma_start3A_72 = tpu.memref_slice %arg8[%dma_start3A_70, %dma_start3A_71] : memref<10240x128xf32, #tpu.memory_space<vmem_shared>> -> memref<10240x128xf32, #tpu.memory_space<vmem_shared>>
        tpu.enqueue_indirect_dma source(%arg9 : memref<128x128xf32, #tpu.memory_space<vmem>>) target(%dma_start3A_72 : memref<10240x128xf32, #tpu.memory_space<vmem_shared>>) offsets(%dma_start3A_69 : memref<128xi32, #tpu.memory_space<vmem>>) semaphore(%run_scoped3A : memref<!tpu.dma_semaphore, #tpu.memory_space<semaphore_mem>>) {add = true}
        %dma_wait3A_73 = arith.constant 0 : i32
        %dma_wait3A_74 = tpu.memref_slice %arg7[%while3A_56, %dma_wait3A_73] : memref<128x128xi32, #tpu.memory_space<vmem>> -> memref<1x128xi32, #tpu.memory_space<vmem>>
        %dma_wait3A_75 = tpu.memref_squeeze %dma_wait3A_74 : memref<1x128xi32, #tpu.memory_space<vmem>> -> memref<128xi32, #tpu.memory_space<vmem>>
        %dma_wait3A_76 = arith.constant 0 : i32
        %dma_wait3A_77 = arith.constant 0 : i32
        %dma_wait3A_78 = tpu.memref_slice %arg8[%dma_wait3A_76, %dma_wait3A_77] : memref<10240x128xf32, #tpu.memory_space<vmem_shared>> -> memref<10240x128xf32, #tpu.memory_space<vmem_shared>>
        tpu.wait_indirect_dma semaphore(%run_scoped3A : memref<!tpu.dma_semaphore, #tpu.memory_space<semaphore_mem>>) src(%arg9 : memref<128x128xf32, #tpu.memory_space<vmem>>) dst(%dma_wait3A_78 : memref<10240x128xf32, #tpu.memory_space<vmem_shared>>)
        tpu.yield
      }) : () -> ()
      %sub3A = arith.constant 1 : i32
      %sub3A_64 = arith.subi %select_n3A, %sub3A : i32
      %lt3A = arith.cmpi slt, %while3A_56, %sub3A_64 : i32
      %convert_element_type3A = arith.extui %lt3A : i1 to i32
      %cond3A = arith.constant 0 : i32
      %cond3A_65 = arith.cmpi ne, %convert_element_type3A, %cond3A : i32
      scf.if %cond3A_65 {
        %add3A_67 = arith.constant 1 : i32
        %add3A_68 = arith.addi %while3A_56, %add3A_67 : i32
        %dma_start3A_69 = arith.constant 0 : i32
        %dma_start3A_70 = tpu.memref_slice %arg6[%add3A_68, %dma_start3A_69] : memref<128x128xi32, #tpu.memory_space<vmem>> -> memref<1x128xi32, #tpu.memory_space<vmem>>
        %dma_start3A_71 = tpu.memref_squeeze %dma_start3A_70 : memref<1x128xi32, #tpu.memory_space<vmem>> -> memref<128xi32, #tpu.memory_space<vmem>>
        %dma_start3A_72 = arith.constant 0 : i32
        %dma_start3A_73 = arith.constant 0 : i32
        %dma_start3A_74 = tpu.memref_slice %arg2[%dma_start3A_72, %dma_start3A_73] : memref<10240x128xf32, #tpu.memory_space<hbm>> -> memref<10240x128xf32, #tpu.memory_space<hbm>>
        tpu.enqueue_indirect_dma source(%dma_start3A_74 : memref<10240x128xf32, #tpu.memory_space<hbm>>) target(%arg9 : memref<128x128xf32, #tpu.memory_space<vmem>>) offsets(%dma_start3A_71 : memref<128xi32, #tpu.memory_space<vmem>>) semaphore(%arg10 : memref<!tpu.dma_semaphore, #tpu.memory_space<semaphore_mem>>)
      } else {
      }
      %while3A_66 = arith.constant 0 : i32
      scf.yield %while3A_66 : i32
    }
    %barrier3A_51 = arith.constant 0 : index
    tpu.barrier barrier_id(%barrier3A_51)
    %mul3A_52 = arith.constant 640 : i32
    %mul3A_53 = arith.muli %arg1, %mul3A_52 : i32
    %mul3A_54 = arith.constant 640 : i32
    %mul3A_55 = arith.muli %arg1, %mul3A_54 : i32
    "tpu.region"() ({
      %run_scoped3A = tpu.sem_alloc : memref<!tpu.dma_semaphore, #tpu.memory_space<semaphore_mem>>
      %dma_start3A_56 = arith.constant 0 : i32
      %dma_start3A_57 = tpu.memref_slice %arg5[%arg0, %mul3A_55, %dma_start3A_56] : memref<2x10240x128xf32, #tpu.memory_space<hbm>> -> memref<1x640x128xf32, #tpu.memory_space<hbm>>
      %dma_start3A_58 = tpu.memref_squeeze %dma_start3A_57 : memref<1x640x128xf32, #tpu.memory_space<hbm>> -> memref<640x128xf32, #tpu.memory_space<hbm>>
      %dma_start3A_59 = arith.constant 0 : i32
      %dma_start3A_60 = tpu.memref_slice %arg8[%mul3A_53, %dma_start3A_59] : memref<10240x128xf32, #tpu.memory_space<vmem_shared>> -> memref<640x128xf32, #tpu.memory_space<vmem_shared>>
      tpu.enqueue_dma source(%dma_start3A_60 : memref<640x128xf32, #tpu.memory_space<vmem_shared>>) target(%dma_start3A_58 : memref<640x128xf32, #tpu.memory_space<hbm>>) target_semaphore(%run_scoped3A : memref<!tpu.dma_semaphore, #tpu.memory_space<semaphore_mem>>)
      %dma_wait3A_61 = arith.constant 0 : i32
      %dma_wait3A_62 = tpu.memref_slice %arg5[%arg0, %mul3A_55, %dma_wait3A_61] : memref<2x10240x128xf32, #tpu.memory_space<hbm>> -> memref<1x640x128xf32, #tpu.memory_space<hbm>>
      %dma_wait3A_63 = tpu.memref_squeeze %dma_wait3A_62 : memref<1x640x128xf32, #tpu.memory_space<hbm>> -> memref<640x128xf32, #tpu.memory_space<hbm>>
      %dma_wait3A_64 = arith.constant 0 : i32
      %dma_wait3A_65 = tpu.memref_slice %arg8[%mul3A_53, %dma_wait3A_64] : memref<10240x128xf32, #tpu.memory_space<vmem_shared>> -> memref<640x128xf32, #tpu.memory_space<vmem_shared>>
      tpu.wait_dma2 semaphore(%run_scoped3A : memref<!tpu.dma_semaphore, #tpu.memory_space<semaphore_mem>>) src(%dma_wait3A_65 : memref<640x128xf32, #tpu.memory_space<vmem_shared>>) dst(%dma_wait3A_63 : memref<640x128xf32, #tpu.memory_space<hbm>>)
      tpu.yield
    }) : () -> ()
    return
  }
}

#map = affine_map<(d0, d1) -> (0, 0)>
#map1 = affine_map<(d0, d1) -> (0, 0, 0)>
module attributes {stable_mosaic.version = 14 : i64} {
  func.func @k(%arg0: i32, %arg1: i32, %arg2: memref<10240x128xf32, #tpu.memory_space<hbm>>, %arg3: memref<2816x128xi32, #tpu.memory_space<hbm>>, %arg4: memref<2816x128xi32, #tpu.memory_space<hbm>>, %arg5: memref<2x10240x128xf32, #tpu.memory_space<hbm>>, %arg6: memref<128x128xi32, #tpu.memory_space<vmem>>, %arg7: memref<128x128xi32, #tpu.memory_space<vmem>>, %arg8: memref<10240x128xf32, #tpu.memory_space<vmem_shared>>, %arg9: memref<128x128xf32, #tpu.memory_space<vmem>>, %arg10: memref<!tpu.dma_semaphore, #tpu.memory_space<semaphore_mem>>, %arg11: memref<!tpu.dma_semaphore, #tpu.memory_space<semaphore_mem>>) attributes {dimension_semantics = [#tpu.dimension_semantics<core_parallel>, #tpu.dimension_semantics<subcore_parallel>], iteration_bounds = array<i64: 2, 16>, scalar_prefetch = 0 : i64, scratch_operands = 6 : i64, tpu.core_type = #tpu.core_type<sc_vector_subcore>, window_params = [{transform_indices = #map}, {transform_indices = #map}, {transform_indices = #map}, {transform_indices = #map1}]} {
    %eq3A = arith.constant 0 : i32
    %eq3A_0 = arith.cmpi eq, %arg0, %eq3A : i32
    %jit3A = arith.constant 128 : i32
    %jit3A_1 = arith.constant 32 : i32
    %select_n3A = arith.select %eq3A_0, %jit3A, %jit3A_1 : i32
    %mul3A = arith.constant 16 : i32
    %mul3A_2 = arith.muli %arg0, %mul3A : i32
    %mul3A_3 = arith.constant 128 : i32
    %mul3A_4 = arith.muli %mul3A_2, %mul3A_3 : i32
    %mul3A_5 = arith.muli %arg1, %select_n3A : i32
    %add3A = arith.addi %mul3A_4, %mul3A_5 : i32
    %scan3A = arith.constant 0 : i32
    %scan3A_6 = arith.constant 0 : i32
    %scan3A_7 = arith.constant 128 : i32
    %scan3A_8 = arith.addi %scan3A_6, %scan3A_7 : i32
    %scan3A_9 = arith.constant 1 : i32
    %scan3A_10 = scf.for %scan3A_56 = %scan3A_6 to %scan3A_8 step %scan3A_9 iter_args(%scan3A_57 = %scan3A) -> (i32)  : i32 {
      %broadcast_in_dim3A = arith.constant 0.000000e+00 : f32
      %broadcast_in_dim3A_58 = vector.broadcast %broadcast_in_dim3A : f32 to vector<16xf32>
      %swap3A = arith.index_cast %scan3A_56 : i32 to index
      %swap3A_59 = arith.constant 0 : index
      %swap3A_60 = tpu.vector_load %arg9[%swap3A, %swap3A_59] {strides = array<i32>} : memref<128x128xf32, #tpu.memory_space<vmem>>, vector<1x16xf32>,
      %swap3A_61 = vector.shape_cast %swap3A_60 : vector<1x16xf32> to vector<16xf32>
      %swap3A_62 = vector.shape_cast %broadcast_in_dim3A_58 : vector<16xf32> to vector<1x16xf32>
      tpu.vector_store %arg9[%swap3A, %swap3A_59], %swap3A_62 {strides = array<i32>} : memref<128x128xf32, #tpu.memory_space<vmem>>, vector<1x16xf32>,
      %broadcast_in_dim3A_63 = arith.constant 0.000000e+00 : f32
      %broadcast_in_dim3A_64 = vector.broadcast %broadcast_in_dim3A_63 : f32 to vector<16xf32>
      %swap3A_65 = arith.index_cast %scan3A_56 : i32 to index
      %swap3A_66 = arith.constant 16 : index
      %swap3A_67 = tpu.vector_load %arg9[%swap3A_65, %swap3A_66] {strides = array<i32>} : memref<128x128xf32, #tpu.memory_space<vmem>>, vector<1x16xf32>,
      %swap3A_68 = vector.shape_cast %swap3A_67 : vector<1x16xf32> to vector<16xf32>
      %swap3A_69 = vector.shape_cast %broadcast_in_dim3A_64 : vector<16xf32> to vector<1x16xf32>
      tpu.vector_store %arg9[%swap3A_65, %swap3A_66], %swap3A_69 {strides = array<i32>} : memref<128x128xf32, #tpu.memory_space<vmem>>, vector<1x16xf32>,
      %broadcast_in_dim3A_70 = arith.constant 0.000000e+00 : f32
      %broadcast_in_dim3A_71 = vector.broadcast %broadcast_in_dim3A_70 : f32 to vector<16xf32>
      %swap3A_72 = arith.index_cast %scan3A_56 : i32 to index
      %swap3A_73 = arith.constant 32 : index
      %swap3A_74 = tpu.vector_load %arg9[%swap3A_72, %swap3A_73] {strides = array<i32>} : memref<128x128xf32, #tpu.memory_space<vmem>>, vector<1x16xf32>,
      %swap3A_75 = vector.shape_cast %swap3A_74 : vector<1x16xf32> to vector<16xf32>
      %swap3A_76 = vector.shape_cast %broadcast_in_dim3A_71 : vector<16xf32> to vector<1x16xf32>
      tpu.vector_store %arg9[%swap3A_72, %swap3A_73], %swap3A_76 {strides = array<i32>} : memref<128x128xf32, #tpu.memory_space<vmem>>, vector<1x16xf32>,
      %broadcast_in_dim3A_77 = arith.constant 0.000000e+00 : f32
      %broadcast_in_dim3A_78 = vector.broadcast %broadcast_in_dim3A_77 : f32 to vector<16xf32>
      %swap3A_79 = arith.index_cast %scan3A_56 : i32 to index
      %swap3A_80 = arith.constant 48 : index
      %swap3A_81 = tpu.vector_load %arg9[%swap3A_79, %swap3A_80] {strides = array<i32>} : memref<128x128xf32, #tpu.memory_space<vmem>>, vector<1x16xf32>,
      %swap3A_82 = vector.shape_cast %swap3A_81 : vector<1x16xf32> to vector<16xf32>
      %swap3A_83 = vector.shape_cast %broadcast_in_dim3A_78 : vector<16xf32> to vector<1x16xf32>
      tpu.vector_store %arg9[%swap3A_79, %swap3A_80], %swap3A_83 {strides = array<i32>} : memref<128x128xf32, #tpu.memory_space<vmem>>, vector<1x16xf32>,
      %broadcast_in_dim3A_84 = arith.constant 0.000000e+00 : f32
      %broadcast_in_dim3A_85 = vector.broadcast %broadcast_in_dim3A_84 : f32 to vector<16xf32>
      %swap3A_86 = arith.index_cast %scan3A_56 : i32 to index
      %swap3A_87 = arith.constant 64 : index
      %swap3A_88 = tpu.vector_load %arg9[%swap3A_86, %swap3A_87] {strides = array<i32>} : memref<128x128xf32, #tpu.memory_space<vmem>>, vector<1x16xf32>,
      %swap3A_89 = vector.shape_cast %swap3A_88 : vector<1x16xf32> to vector<16xf32>
      %swap3A_90 = vector.shape_cast %broadcast_in_dim3A_85 : vector<16xf32> to vector<1x16xf32>
      tpu.vector_store %arg9[%swap3A_86, %swap3A_87], %swap3A_90 {strides = array<i32>} : memref<128x128xf32, #tpu.memory_space<vmem>>, vector<1x16xf32>,
      %broadcast_in_dim3A_91 = arith.constant 0.000000e+00 : f32
      %broadcast_in_dim3A_92 = vector.broadcast %broadcast_in_dim3A_91 : f32 to vector<16xf32>
      %swap3A_93 = arith.index_cast %scan3A_56 : i32 to index
      %swap3A_94 = arith.constant 80 : index
      %swap3A_95 = tpu.vector_load %arg9[%swap3A_93, %swap3A_94] {strides = array<i32>} : memref<128x128xf32, #tpu.memory_space<vmem>>, vector<1x16xf32>,
      %swap3A_96 = vector.shape_cast %swap3A_95 : vector<1x16xf32> to vector<16xf32>
      %swap3A_97 = vector.shape_cast %broadcast_in_dim3A_92 : vector<16xf32> to vector<1x16xf32>
      tpu.vector_store %arg9[%swap3A_93, %swap3A_94], %swap3A_97 {strides = array<i32>} : memref<128x128xf32, #tpu.memory_space<vmem>>, vector<1x16xf32>,
      %broadcast_in_dim3A_98 = arith.constant 0.000000e+00 : f32
      %broadcast_in_dim3A_99 = vector.broadcast %broadcast_in_dim3A_98 : f32 to vector<16xf32>
      %swap3A_100 = arith.index_cast %scan3A_56 : i32 to index
      %swap3A_101 = arith.constant 96 : index
      %swap3A_102 = tpu.vector_load %arg9[%swap3A_100, %swap3A_101] {strides = array<i32>} : memref<128x128xf32, #tpu.memory_space<vmem>>, vector<1x16xf32>,
      %swap3A_103 = vector.shape_cast %swap3A_102 : vector<1x16xf32> to vector<16xf32>
      %swap3A_104 = vector.shape_cast %broadcast_in_dim3A_99 : vector<16xf32> to vector<1x16xf32>
      tpu.vector_store %arg9[%swap3A_100, %swap3A_101], %swap3A_104 {strides = array<i32>} : memref<128x128xf32, #tpu.memory_space<vmem>>, vector<1x16xf32>,
      %broadcast_in_dim3A_105 = arith.constant 0.000000e+00 : f32
      %broadcast_in_dim3A_106 = vector.broadcast %broadcast_in_dim3A_105 : f32 to vector<16xf32>
      %swap3A_107 = arith.index_cast %scan3A_56 : i32 to index
      %swap3A_108 = arith.constant 112 : index
      %swap3A_109 = tpu.vector_load %arg9[%swap3A_107, %swap3A_108] {strides = array<i32>} : memref<128x128xf32, #tpu.memory_space<vmem>>, vector<1x16xf32>,
      %swap3A_110 = vector.shape_cast %swap3A_109 : vector<1x16xf32> to vector<16xf32>
      %swap3A_111 = vector.shape_cast %broadcast_in_dim3A_106 : vector<16xf32> to vector<1x16xf32>
      tpu.vector_store %arg9[%swap3A_107, %swap3A_108], %swap3A_111 {strides = array<i32>} : memref<128x128xf32, #tpu.memory_space<vmem>>, vector<1x16xf32>,
      %scan3A_112 = arith.constant 0 : i32
      scf.yield %scan3A_112 : i32
    }
    %scan3A_11 = arith.constant 128 : i32
    %scan3A_12 = arith.constant 0 : i32
    %scan3A_13 = arith.constant 0 : i32
    %scan3A_14 = arith.constant 5 : i32
    %scan3A_15 = arith.addi %scan3A_13, %scan3A_14 : i32
    %scan3A_16 = arith.constant 1 : i32
    %scan3A_17 = scf.for %scan3A_56 = %scan3A_13 to %scan3A_15 step %scan3A_16 iter_args(%scan3A_57 = %scan3A_12) -> (i32)  : i32 {
      %mul3A_58 = arith.constant 640 : i32
      %mul3A_59 = arith.muli %arg1, %mul3A_58 : i32
      %mul3A_60 = arith.constant 128 : i32
      %mul3A_61 = arith.muli %scan3A_56, %mul3A_60 : i32
      %add3A_62 = arith.addi %mul3A_59, %mul3A_61 : i32
      "tpu.region"() ({
        %run_scoped3A = tpu.sem_alloc : memref<!tpu.dma_semaphore, #tpu.memory_space<semaphore_mem>>
        %dma_start3A_64 = arith.constant 0 : i32
        %dma_start3A_65 = tpu.memref_slice %arg8[%add3A_62, %dma_start3A_64] : memref<10240x128xf32, #tpu.memory_space<vmem_shared>> -> memref<128x128xf32, #tpu.memory_space<vmem_shared>>
        %dma_start3A_66 = arith.constant 0 : i32
        %dma_start3A_67 = tpu.memref_slice %arg8[%add3A_62, %dma_start3A_66] : memref<10240x128xf32, #tpu.memory_space<vmem_shared>> -> memref<128x128xf32, #tpu.memory_space<vmem_shared>>
        tpu.enqueue_dma source(%arg9 : memref<128x128xf32, #tpu.memory_space<vmem>>) target(%dma_start3A_67 : memref<128x128xf32, #tpu.memory_space<vmem_shared>>) target_semaphore(%run_scoped3A : memref<!tpu.dma_semaphore, #tpu.memory_space<semaphore_mem>>)
        %dma_wait3A_68 = arith.constant 0 : i32
        %dma_wait3A_69 = tpu.memref_slice %arg8[%add3A_62, %dma_wait3A_68] : memref<10240x128xf32, #tpu.memory_space<vmem_shared>> -> memref<128x128xf32, #tpu.memory_space<vmem_shared>>
        %dma_wait3A_70 = arith.constant 0 : i32
        %dma_wait3A_71 = tpu.memref_slice %arg8[%add3A_62, %dma_wait3A_70] : memref<10240x128xf32, #tpu.memory_space<vmem_shared>> -> memref<128x128xf32, #tpu.memory_space<vmem_shared>>
        tpu.wait_dma2 semaphore(%run_scoped3A : memref<!tpu.dma_semaphore, #tpu.memory_space<semaphore_mem>>) src(%arg9 : memref<128x128xf32, #tpu.memory_space<vmem>>) dst(%dma_wait3A_71 : memref<128x128xf32, #tpu.memory_space<vmem_shared>>)
        tpu.yield
      }) : () -> ()
      %scan3A_63 = arith.constant 0 : i32
      scf.yield %scan3A_63 : i32
    }
    %scan3A_18 = arith.constant 5 : i32
    %dma_start3A = arith.constant 0 : i32
    %dma_start3A_19 = tpu.memref_slice %arg3[%add3A, %dma_start3A] : memref<2816x128xi32, #tpu.memory_space<hbm>> -> memref<128x128xi32, #tpu.memory_space<hbm>>
    %dma_start3A_20 = arith.constant 0 : i32
    %dma_start3A_21 = tpu.memref_slice %arg3[%add3A, %dma_start3A_20] : memref<2816x128xi32, #tpu.memory_space<hbm>> -> memref<128x128xi32, #tpu.memory_space<hbm>>
    tpu.enqueue_dma source(%dma_start3A_21 : memref<128x128xi32, #tpu.memory_space<hbm>>) target(%arg6 : memref<128x128xi32, #tpu.memory_space<vmem>>) target_semaphore(%arg11 : memref<!tpu.dma_semaphore, #tpu.memory_space<semaphore_mem>>)
    %dma_wait3A = arith.constant 0 : i32
    %dma_wait3A_22 = tpu.memref_slice %arg3[%add3A, %dma_wait3A] : memref<2816x128xi32, #tpu.memory_space<hbm>> -> memref<128x128xi32, #tpu.memory_space<hbm>>
    %dma_wait3A_23 = arith.constant 0 : i32
    %dma_wait3A_24 = tpu.memref_slice %arg3[%add3A, %dma_wait3A_23] : memref<2816x128xi32, #tpu.memory_space<hbm>> -> memref<128x128xi32, #tpu.memory_space<hbm>>
    tpu.wait_dma2 semaphore(%arg11 : memref<!tpu.dma_semaphore, #tpu.memory_space<semaphore_mem>>) src(%dma_wait3A_24 : memref<128x128xi32, #tpu.memory_space<hbm>>) dst(%arg6 : memref<128x128xi32, #tpu.memory_space<vmem>>)
    %dma_start3A_25 = arith.constant 0 : i32
    %dma_start3A_26 = tpu.memref_slice %arg4[%add3A, %dma_start3A_25] : memref<2816x128xi32, #tpu.memory_space<hbm>> -> memref<128x128xi32, #tpu.memory_space<hbm>>
    %dma_start3A_27 = arith.constant 0 : i32
    %dma_start3A_28 = tpu.memref_slice %arg4[%add3A, %dma_start3A_27] : memref<2816x128xi32, #tpu.memory_space<hbm>> -> memref<128x128xi32, #tpu.memory_space<hbm>>
    tpu.enqueue_dma source(%dma_start3A_28 : memref<128x128xi32, #tpu.memory_space<hbm>>) target(%arg7 : memref<128x128xi32, #tpu.memory_space<vmem>>) target_semaphore(%arg11 : memref<!tpu.dma_semaphore, #tpu.memory_space<semaphore_mem>>)
    %dma_wait3A_29 = arith.constant 0 : i32
    %dma_wait3A_30 = tpu.memref_slice %arg4[%add3A, %dma_wait3A_29] : memref<2816x128xi32, #tpu.memory_space<hbm>> -> memref<128x128xi32, #tpu.memory_space<hbm>>
    %dma_wait3A_31 = arith.constant 0 : i32
    %dma_wait3A_32 = tpu.memref_slice %arg4[%add3A, %dma_wait3A_31] : memref<2816x128xi32, #tpu.memory_space<hbm>> -> memref<128x128xi32, #tpu.memory_space<hbm>>
    tpu.wait_dma2 semaphore(%arg11 : memref<!tpu.dma_semaphore, #tpu.memory_space<semaphore_mem>>) src(%dma_wait3A_32 : memref<128x128xi32, #tpu.memory_space<hbm>>) dst(%arg7 : memref<128x128xi32, #tpu.memory_space<vmem>>)
    %barrier3A = arith.constant 0 : index
    tpu.barrier barrier_id(%barrier3A)
    %dma_start3A_33 = arith.constant 0 : i32
    %dma_start3A_34 = arith.constant 0 : i32
    %dma_start3A_35 = tpu.memref_slice %arg6[%dma_start3A_33, %dma_start3A_34] : memref<128x128xi32, #tpu.memory_space<vmem>> -> memref<1x128xi32, #tpu.memory_space<vmem>>
    %dma_start3A_36 = tpu.memref_squeeze %dma_start3A_35 : memref<1x128xi32, #tpu.memory_space<vmem>> -> memref<128xi32, #tpu.memory_space<vmem>>
    %dma_start3A_37 = arith.constant 0 : i32
    %dma_start3A_38 = arith.constant 0 : i32
    %dma_start3A_39 = tpu.memref_slice %arg2[%dma_start3A_37, %dma_start3A_38] : memref<10240x128xf32, #tpu.memory_space<hbm>> -> memref<10240x128xf32, #tpu.memory_space<hbm>>
    tpu.enqueue_indirect_dma source(%dma_start3A_39 : memref<10240x128xf32, #tpu.memory_space<hbm>>) target(%arg9 : memref<128x128xf32, #tpu.memory_space<vmem>>) offsets(%dma_start3A_36 : memref<128xi32, #tpu.memory_space<vmem>>) semaphore(%arg10 : memref<!tpu.dma_semaphore, #tpu.memory_space<semaphore_mem>>)
    %while3A = arith.constant 0 : i32
    %while3A_40 = arith.constant 0 : i32
    %while3A_41 = arith.subi %select_n3A, %while3A : i32
    %while3A_42 = arith.addi %while3A, %while3A_41 : i32
    %while3A_43 = arith.constant 1 : i32
    %while3A_44 = arith.divsi %while3A_41, %while3A_43 : i32
    %while3A_45 = arith.muli %while3A_44, %while3A_43 : i32
    %while3A_46 = arith.addi %while3A, %while3A_45 : i32
    %while3A_47 = arith.constant 1 : i32
    %while3A_48 = scf.for %while3A_56 = %while3A to %while3A_46 step %while3A_47 iter_args(%while3A_57 = %while3A_40) -> (i32)  : i32 {
      %dma_wait3A_58 = arith.constant 0 : i32
      %dma_wait3A_59 = arith.constant 0 : i32
      %dma_wait3A_60 = tpu.memref_slice %arg2[%dma_wait3A_58, %dma_wait3A_59] : memref<10240x128xf32, #tpu.memory_space<hbm>> -> memref<128x128xf32, #tpu.memory_space<hbm>>
      %dma_wait3A_61 = arith.constant 0 : i32
      %dma_wait3A_62 = arith.constant 0 : i32
      %dma_wait3A_63 = tpu.memref_slice %arg2[%dma_wait3A_61, %dma_wait3A_62] : memref<10240x128xf32, #tpu.memory_space<hbm>> -> memref<128x128xf32, #tpu.memory_space<hbm>>
      tpu.wait_dma2 semaphore(%arg10 : memref<!tpu.dma_semaphore, #tpu.memory_space<semaphore_mem>>) src(%dma_wait3A_63 : memref<128x128xf32, #tpu.memory_space<hbm>>) dst(%arg9 : memref<128x128xf32, #tpu.memory_space<vmem>>)
      "tpu.region"() ({
        %run_scoped3A = tpu.sem_alloc : memref<!tpu.dma_semaphore, #tpu.memory_space<semaphore_mem>>
        %dma_start3A_67 = arith.constant 0 : i32
        %dma_start3A_68 = tpu.memref_slice %arg7[%while3A_56, %dma_start3A_67] : memref<128x128xi32, #tpu.memory_space<vmem>> -> memref<1x128xi32, #tpu.memory_space<vmem>>
        %dma_start3A_69 = tpu.memref_squeeze %dma_start3A_68 : memref<1x128xi32, #tpu.memory_space<vmem>> -> memref<128xi32, #tpu.memory_space<vmem>>
        %dma_start3A_70 = arith.constant 0 : i32
        %dma_start3A_71 = arith.constant 0 : i32
        %dma_start3A_72 = tpu.memref_slice %arg8[%dma_start3A_70, %dma_start3A_71] : memref<10240x128xf32, #tpu.memory_space<vmem_shared>> -> memref<10240x128xf32, #tpu.memory_space<vmem_shared>>
        tpu.enqueue_indirect_dma source(%arg9 : memref<128x128xf32, #tpu.memory_space<vmem>>) target(%dma_start3A_72 : memref<10240x128xf32, #tpu.memory_space<vmem_shared>>) offsets(%dma_start3A_69 : memref<128xi32, #tpu.memory_space<vmem>>) semaphore(%run_scoped3A : memref<!tpu.dma_semaphore, #tpu.memory_space<semaphore_mem>>) {add = true}
        %dma_wait3A_73 = arith.constant 0 : i32
        %dma_wait3A_74 = tpu.memref_slice %arg7[%while3A_56, %dma_wait3A_73] : memref<128x128xi32, #tpu.memory_space<vmem>> -> memref<1x128xi32, #tpu.memory_space<vmem>>
        %dma_wait3A_75 = tpu.memref_squeeze %dma_wait3A_74 : memref<1x128xi32, #tpu.memory_space<vmem>> -> memref<128xi32, #tpu.memory_space<vmem>>
        %dma_wait3A_76 = arith.constant 0 : i32
        %dma_wait3A_77 = arith.constant 0 : i32
        %dma_wait3A_78 = tpu.memref_slice %arg8[%dma_wait3A_76, %dma_wait3A_77] : memref<10240x128xf32, #tpu.memory_space<vmem_shared>> -> memref<10240x128xf32, #tpu.memory_space<vmem_shared>>
        tpu.wait_indirect_dma semaphore(%run_scoped3A : memref<!tpu.dma_semaphore, #tpu.memory_space<semaphore_mem>>) src(%arg9 : memref<128x128xf32, #tpu.memory_space<vmem>>) dst(%dma_wait3A_78 : memref<10240x128xf32, #tpu.memory_space<vmem_shared>>)
        tpu.yield
      }) : () -> ()
      %sub3A = arith.constant 1 : i32
      %sub3A_64 = arith.subi %select_n3A, %sub3A : i32
      %lt3A = arith.cmpi slt, %while3A_56, %sub3A_64 : i32
      %convert_element_type3A = arith.extui %lt3A : i1 to i32
      %cond3A = arith.constant 0 : i32
      %cond3A_65 = arith.cmpi ne, %convert_element_type3A, %cond3A : i32
      scf.if %cond3A_65 {
        %add3A_67 = arith.constant 1 : i32
        %add3A_68 = arith.addi %while3A_56, %add3A_67 : i32
        %dma_start3A_69 = arith.constant 0 : i32
        %dma_start3A_70 = tpu.memref_slice %arg6[%add3A_68, %dma_start3A_69] : memref<128x128xi32, #tpu.memory_space<vmem>> -> memref<1x128xi32, #tpu.memory_space<vmem>>
        %dma_start3A_71 = tpu.memref_squeeze %dma_start3A_70 : memref<1x128xi32, #tpu.memory_space<vmem>> -> memref<128xi32, #tpu.memory_space<vmem>>
        %dma_start3A_72 = arith.constant 0 : i32
        %dma_start3A_73 = arith.constant 0 : i32
        %dma_start3A_74 = tpu.memref_slice %arg2[%dma_start3A_72, %dma_start3A_73] : memref<10240x128xf32, #tpu.memory_space<hbm>> -> memref<10240x128xf32, #tpu.memory_space<hbm>>
        tpu.enqueue_indirect_dma source(%dma_start3A_74 : memref<10240x128xf32, #tpu.memory_space<hbm>>) target(%arg9 : memref<128x128xf32, #tpu.memory_space<vmem>>) offsets(%dma_start3A_71 : memref<128xi32, #tpu.memory_space<vmem>>) semaphore(%arg10 : memref<!tpu.dma_semaphore, #tpu.memory_space<semaphore_mem>>)
      } else {
      }
      %while3A_66 = arith.constant 0 : i32
      scf.yield %while3A_66 : i32
    }
    %while3A_49 = arith.constant 1 : i32
    %while3A_50 = scf.for %while3A_56 = %while3A_46 to %while3A_42 step %while3A_49 iter_args(%while3A_57 = %while3A_48) -> (i32)  : i32 {
      %dma_wait3A_58 = arith.constant 0 : i32
      %dma_wait3A_59 = arith.constant 0 : i32
      %dma_wait3A_60 = tpu.memref_slice %arg2[%dma_wait3A_58, %dma_wait3A_59] : memref<10240x128xf32, #tpu.memory_space<hbm>> -> memref<128x128xf32, #tpu.memory_space<hbm>>
      %dma_wait3A_61 = arith.constant 0 : i32
      %dma_wait3A_62 = arith.constant 0 : i32
      %dma_wait3A_63 = tpu.memref_slice %arg2[%dma_wait3A_61, %dma_wait3A_62] : memref<10240x128xf32, #tpu.memory_space<hbm>> -> memref<128x128xf32, #tpu.memory_space<hbm>>
      tpu.wait_dma2 semaphore(%arg10 : memref<!tpu.dma_semaphore, #tpu.memory_space<semaphore_mem>>) src(%dma_wait3A_63 : memref<128x128xf32, #tpu.memory_space<hbm>>) dst(%arg9 : memref<128x128xf32, #tpu.memory_space<vmem>>)
      "tpu.region"() ({
        %run_scoped3A = tpu.sem_alloc : memref<!tpu.dma_semaphore, #tpu.memory_space<semaphore_mem>>
        %dma_start3A_67 = arith.constant 0 : i32
        %dma_start3A_68 = tpu.memref_slice %arg7[%while3A_56, %dma_start3A_67] : memref<128x128xi32, #tpu.memory_space<vmem>> -> memref<1x128xi32, #tpu.memory_space<vmem>>
        %dma_start3A_69 = tpu.memref_squeeze %dma_start3A_68 : memref<1x128xi32, #tpu.memory_space<vmem>> -> memref<128xi32, #tpu.memory_space<vmem>>
        %dma_start3A_70 = arith.constant 0 : i32
        %dma_start3A_71 = arith.constant 0 : i32
        %dma_start3A_72 = tpu.memref_slice %arg8[%dma_start3A_70, %dma_start3A_71] : memref<10240x128xf32, #tpu.memory_space<vmem_shared>> -> memref<10240x128xf32, #tpu.memory_space<vmem_shared>>
        tpu.enqueue_indirect_dma source(%arg9 : memref<128x128xf32, #tpu.memory_space<vmem>>) target(%dma_start3A_72 : memref<10240x128xf32, #tpu.memory_space<vmem_shared>>) offsets(%dma_start3A_69 : memref<128xi32, #tpu.memory_space<vmem>>) semaphore(%run_scoped3A : memref<!tpu.dma_semaphore, #tpu.memory_space<semaphore_mem>>) {add = true}
        %dma_wait3A_73 = arith.constant 0 : i32
        %dma_wait3A_74 = tpu.memref_slice %arg7[%while3A_56, %dma_wait3A_73] : memref<128x128xi32, #tpu.memory_space<vmem>> -> memref<1x128xi32, #tpu.memory_space<vmem>>
        %dma_wait3A_75 = tpu.memref_squeeze %dma_wait3A_74 : memref<1x128xi32, #tpu.memory_space<vmem>> -> memref<128xi32, #tpu.memory_space<vmem>>
        %dma_wait3A_76 = arith.constant 0 : i32
        %dma_wait3A_77 = arith.constant 0 : i32
        %dma_wait3A_78 = tpu.memref_slice %arg8[%dma_wait3A_76, %dma_wait3A_77] : memref<10240x128xf32, #tpu.memory_space<vmem_shared>> -> memref<10240x128xf32, #tpu.memory_space<vmem_shared>>
        tpu.wait_indirect_dma semaphore(%run_scoped3A : memref<!tpu.dma_semaphore, #tpu.memory_space<semaphore_mem>>) src(%arg9 : memref<128x128xf32, #tpu.memory_space<vmem>>) dst(%dma_wait3A_78 : memref<10240x128xf32, #tpu.memory_space<vmem_shared>>)
        tpu.yield
      }) : () -> ()
      %sub3A = arith.constant 1 : i32
      %sub3A_64 = arith.subi %select_n3A, %sub3A : i32
      %lt3A = arith.cmpi slt, %while3A_56, %sub3A_64 : i32
      %convert_element_type3A = arith.extui %lt3A : i1 to i32
      %cond3A = arith.constant 0 : i32
      %cond3A_65 = arith.cmpi ne, %convert_element_type3A, %cond3A : i32
      scf.if %cond3A_65 {
        %add3A_67 = arith.constant 1 : i32
        %add3A_68 = arith.addi %while3A_56, %add3A_67 : i32
        %dma_start3A_69 = arith.constant 0 : i32
        %dma_start3A_70 = tpu.memref_slice %arg6[%add3A_68, %dma_start3A_69] : memref<128x128xi32, #tpu.memory_space<vmem>> -> memref<1x128xi32, #tpu.memory_space<vmem>>
        %dma_start3A_71 = tpu.memref_squeeze %dma_start3A_70 : memref<1x128xi32, #tpu.memory_space<vmem>> -> memref<128xi32, #tpu.memory_space<vmem>>
        %dma_start3A_72 = arith.constant 0 : i32
        %dma_start3A_73 = arith.constant 0 : i32
        %dma_start3A_74 = tpu.memref_slice %arg2[%dma_start3A_72, %dma_start3A_73] : memref<10240x128xf32, #tpu.memory_space<hbm>> -> memref<10240x128xf32, #tpu.memory_space<hbm>>
        tpu.enqueue_indirect_dma source(%dma_start3A_74 : memref<10240x128xf32, #tpu.memory_space<hbm>>) target(%arg9 : memref<128x128xf32, #tpu.memory_space<vmem>>) offsets(%dma_start3A_71 : memref<128xi32, #tpu.memory_space<vmem>>) semaphore(%arg10 : memref<!tpu.dma_semaphore, #tpu.memory_space<semaphore_mem>>)
      } else {
      }
      %while3A_66 = arith.constant 0 : i32
      scf.yield %while3A_66 : i32
    }
    %barrier3A_51 = arith.constant 0 : index
    tpu.barrier barrier_id(%barrier3A_51)
    %mul3A_52 = arith.constant 640 : i32
    %mul3A_53 = arith.muli %arg1, %mul3A_52 : i32
    %mul3A_54 = arith.constant 640 : i32
    %mul3A_55 = arith.muli %arg1, %mul3A_54 : i32
    "tpu.region"() ({
      %run_scoped3A = tpu.sem_alloc : memref<!tpu.dma_semaphore, #tpu.memory_space<semaphore_mem>>
      %dma_start3A_56 = arith.constant 0 : i32
      %dma_start3A_57 = tpu.memref_slice %arg5[%arg0, %mul3A_55, %dma_start3A_56] : memref<2x10240x128xf32, #tpu.memory_space<hbm>> -> memref<1x640x128xf32, #tpu.memory_space<hbm>>
      %dma_start3A_58 = tpu.memref_squeeze %dma_start3A_57 : memref<1x640x128xf32, #tpu.memory_space<hbm>> -> memref<640x128xf32, #tpu.memory_space<hbm>>
      %dma_start3A_59 = arith.constant 0 : i32
      %dma_start3A_60 = tpu.memref_slice %arg8[%mul3A_53, %dma_start3A_59] : memref<10240x128xf32, #tpu.memory_space<vmem_shared>> -> memref<640x128xf32, #tpu.memory_space<vmem_shared>>
      tpu.enqueue_dma source(%dma_start3A_60 : memref<640x128xf32, #tpu.memory_space<vmem_shared>>) target(%dma_start3A_58 : memref<640x128xf32, #tpu.memory_space<hbm>>) target_semaphore(%run_scoped3A : memref<!tpu.dma_semaphore, #tpu.memory_space<semaphore_mem>>)
      %dma_wait3A_61 = arith.constant 0 : i32
      %dma_wait3A_62 = tpu.memref_slice %arg5[%arg0, %mul3A_55, %dma_wait3A_61] : memref<2x10240x128xf32, #tpu.memory_space<hbm>> -> memref<1x640x128xf32, #tpu.memory_space<hbm>>
      %dma_wait3A_63 = tpu.memref_squeeze %dma_wait3A_62 : memref<1x640x128xf32, #tpu.memory_space<hbm>> -> memref<640x128xf32, #tpu.memory_space<hbm>>
      %dma_wait3A_64 = arith.constant 0 : i32
      %dma_wait3A_65 = tpu.memref_slice %arg8[%mul3A_53, %dma_wait3A_64] : memref<10240x128xf32, #tpu.memory_space<vmem_shared>> -> memref<640x128xf32, #tpu.memory_space<vmem_shared>>
      tpu.wait_dma2 semaphore(%run_scoped3A : memref<!tpu.dma_semaphore, #tpu.memory_space<semaphore_mem>>) src(%dma_wait3A_65 : memref<640x128xf32, #tpu.memory_space<vmem_shared>>) dst(%dma_wait3A_63 : memref<640x128xf32, #tpu.memory_space<hbm>>)
      tpu.yield
    }) : () -> ()
    return
  }
}

#map = affine_map<(d0, d1) -> (0, 0)>
#map1 = affine_map<(d0, d1) -> (0, 0, 0)>
module attributes {stable_mosaic.version = 14 : i64} {
  func.func @k(%arg0: i32, %arg1: i32, %arg2: memref<10240x128xf32, #tpu.memory_space<hbm>>, %arg3: memref<32x2x128xi32, #tpu.memory_space<hbm>>, %arg4: memref<8192x128xf32, #tpu.memory_space<hbm>>, %arg5: memref<2x128xi32, #tpu.memory_space<vmem>>, %arg6: memref<128x128xf32, #tpu.memory_space<vmem>>, %arg7: memref<!tpu.dma_semaphore, #tpu.memory_space<semaphore_mem>>) attributes {dimension_semantics = [#tpu.dimension_semantics<core_parallel>, #tpu.dimension_semantics<subcore_parallel>], iteration_bounds = array<i64: 2, 16>, scalar_prefetch = 0 : i64, scratch_operands = 3 : i64, tpu.core_type = #tpu.core_type<sc_vector_subcore>, window_params = [{transform_indices = #map}, {transform_indices = #map1}, {transform_indices = #map}]} {
    %mul3A = arith.constant 16 : i32
    %mul3A_0 = arith.muli %arg0, %mul3A : i32
    %add3A = arith.addi %mul3A_0, %arg1 : i32
    %dma_start3A = arith.constant 0 : i32
    %dma_start3A_1 = arith.constant 0 : i32
    %dma_start3A_2 = tpu.memref_slice %arg3[%add3A, %dma_start3A, %dma_start3A_1] : memref<32x2x128xi32, #tpu.memory_space<hbm>> -> memref<1x2x128xi32, #tpu.memory_space<hbm>>
    %dma_start3A_3 = tpu.memref_squeeze %dma_start3A_2 : memref<1x2x128xi32, #tpu.memory_space<hbm>> -> memref<2x128xi32, #tpu.memory_space<hbm>>
    %dma_start3A_4 = arith.constant 0 : i32
    %dma_start3A_5 = arith.constant 0 : i32
    %dma_start3A_6 = tpu.memref_slice %arg3[%add3A, %dma_start3A_4, %dma_start3A_5] : memref<32x2x128xi32, #tpu.memory_space<hbm>> -> memref<1x2x128xi32, #tpu.memory_space<hbm>>
    %dma_start3A_7 = tpu.memref_squeeze %dma_start3A_6 : memref<1x2x128xi32, #tpu.memory_space<hbm>> -> memref<2x128xi32, #tpu.memory_space<hbm>>
    tpu.enqueue_dma source(%dma_start3A_7 : memref<2x128xi32, #tpu.memory_space<hbm>>) target(%arg5 : memref<2x128xi32, #tpu.memory_space<vmem>>) target_semaphore(%arg7 : memref<!tpu.dma_semaphore, #tpu.memory_space<semaphore_mem>>)
    %dma_wait3A = arith.constant 0 : i32
    %dma_wait3A_8 = arith.constant 0 : i32
    %dma_wait3A_9 = tpu.memref_slice %arg3[%add3A, %dma_wait3A, %dma_wait3A_8] : memref<32x2x128xi32, #tpu.memory_space<hbm>> -> memref<1x2x128xi32, #tpu.memory_space<hbm>>
    %dma_wait3A_10 = tpu.memref_squeeze %dma_wait3A_9 : memref<1x2x128xi32, #tpu.memory_space<hbm>> -> memref<2x128xi32, #tpu.memory_space<hbm>>
    %dma_wait3A_11 = arith.constant 0 : i32
    %dma_wait3A_12 = arith.constant 0 : i32
    %dma_wait3A_13 = tpu.memref_slice %arg3[%add3A, %dma_wait3A_11, %dma_wait3A_12] : memref<32x2x128xi32, #tpu.memory_space<hbm>> -> memref<1x2x128xi32, #tpu.memory_space<hbm>>
    %dma_wait3A_14 = tpu.memref_squeeze %dma_wait3A_13 : memref<1x2x128xi32, #tpu.memory_space<hbm>> -> memref<2x128xi32, #tpu.memory_space<hbm>>
    tpu.wait_dma2 semaphore(%arg7 : memref<!tpu.dma_semaphore, #tpu.memory_space<semaphore_mem>>) src(%dma_wait3A_14 : memref<2x128xi32, #tpu.memory_space<hbm>>) dst(%arg5 : memref<2x128xi32, #tpu.memory_space<vmem>>)
    %dma_start3A_15 = arith.constant 0 : i32
    %dma_start3A_16 = arith.constant 0 : i32
    %dma_start3A_17 = tpu.memref_slice %arg5[%dma_start3A_15, %dma_start3A_16] : memref<2x128xi32, #tpu.memory_space<vmem>> -> memref<1x128xi32, #tpu.memory_space<vmem>>
    %dma_start3A_18 = tpu.memref_squeeze %dma_start3A_17 : memref<1x128xi32, #tpu.memory_space<vmem>> -> memref<128xi32, #tpu.memory_space<vmem>>
    %dma_start3A_19 = arith.constant 0 : i32
    %dma_start3A_20 = arith.constant 0 : i32
    %dma_start3A_21 = tpu.memref_slice %arg2[%dma_start3A_19, %dma_start3A_20] : memref<10240x128xf32, #tpu.memory_space<hbm>> -> memref<10240x128xf32, #tpu.memory_space<hbm>>
    tpu.enqueue_indirect_dma source(%dma_start3A_21 : memref<10240x128xf32, #tpu.memory_space<hbm>>) target(%arg6 : memref<128x128xf32, #tpu.memory_space<vmem>>) offsets(%dma_start3A_18 : memref<128xi32, #tpu.memory_space<vmem>>) semaphore(%arg7 : memref<!tpu.dma_semaphore, #tpu.memory_space<semaphore_mem>>)
    %dma_wait3A_22 = arith.constant 0 : i32
    %dma_wait3A_23 = arith.constant 0 : i32
    %dma_wait3A_24 = tpu.memref_slice %arg5[%dma_wait3A_22, %dma_wait3A_23] : memref<2x128xi32, #tpu.memory_space<vmem>> -> memref<1x128xi32, #tpu.memory_space<vmem>>
    %dma_wait3A_25 = tpu.memref_squeeze %dma_wait3A_24 : memref<1x128xi32, #tpu.memory_space<vmem>> -> memref<128xi32, #tpu.memory_space<vmem>>
    %dma_wait3A_26 = arith.constant 0 : i32
    %dma_wait3A_27 = arith.constant 0 : i32
    %dma_wait3A_28 = tpu.memref_slice %arg2[%dma_wait3A_26, %dma_wait3A_27] : memref<10240x128xf32, #tpu.memory_space<hbm>> -> memref<10240x128xf32, #tpu.memory_space<hbm>>
    tpu.wait_indirect_dma semaphore(%arg7 : memref<!tpu.dma_semaphore, #tpu.memory_space<semaphore_mem>>) src(%dma_wait3A_28 : memref<10240x128xf32, #tpu.memory_space<hbm>>) dst(%arg6 : memref<128x128xf32, #tpu.memory_space<vmem>>)
    %mul3A_29 = arith.constant 256 : i32
    %mul3A_30 = arith.muli %add3A, %mul3A_29 : i32
    %add3A_31 = arith.constant 0 : i32
    %add3A_32 = arith.addi %mul3A_30, %add3A_31 : i32
    "tpu.region"() ({
      %run_scoped3A = tpu.sem_alloc : memref<!tpu.dma_semaphore, #tpu.memory_space<semaphore_mem>>
      %dma_start3A_51 = arith.constant 0 : i32
      %dma_start3A_52 = tpu.memref_slice %arg4[%add3A_32, %dma_start3A_51] : memref<8192x128xf32, #tpu.memory_space<hbm>> -> memref<128x128xf32, #tpu.memory_space<hbm>>
      %dma_start3A_53 = arith.constant 0 : i32
      %dma_start3A_54 = tpu.memref_slice %arg4[%add3A_32, %dma_start3A_53] : memref<8192x128xf32, #tpu.memory_space<hbm>> -> memref<128x128xf32, #tpu.memory_space<hbm>>
      tpu.enqueue_dma source(%arg6 : memref<128x128xf32, #tpu.memory_space<vmem>>) target(%dma_start3A_54 : memref<128x128xf32, #tpu.memory_space<hbm>>) target_semaphore(%run_scoped3A : memref<!tpu.dma_semaphore, #tpu.memory_space<semaphore_mem>>)
      %dma_wait3A_55 = arith.constant 0 : i32
      %dma_wait3A_56 = tpu.memref_slice %arg4[%add3A_32, %dma_wait3A_55] : memref<8192x128xf32, #tpu.memory_space<hbm>> -> memref<128x128xf32, #tpu.memory_space<hbm>>
      %dma_wait3A_57 = arith.constant 0 : i32
      %dma_wait3A_58 = tpu.memref_slice %arg4[%add3A_32, %dma_wait3A_57] : memref<8192x128xf32, #tpu.memory_space<hbm>> -> memref<128x128xf32, #tpu.memory_space<hbm>>
      tpu.wait_dma2 semaphore(%run_scoped3A : memref<!tpu.dma_semaphore, #tpu.memory_space<semaphore_mem>>) src(%arg6 : memref<128x128xf32, #tpu.memory_space<vmem>>) dst(%dma_wait3A_58 : memref<128x128xf32, #tpu.memory_space<hbm>>)
      tpu.yield
    }) : () -> ()
    %dma_start3A_33 = arith.constant 1 : i32
    %dma_start3A_34 = arith.constant 0 : i32
    %dma_start3A_35 = tpu.memref_slice %arg5[%dma_start3A_33, %dma_start3A_34] : memref<2x128xi32, #tpu.memory_space<vmem>> -> memref<1x128xi32, #tpu.memory_space<vmem>>
    %dma_start3A_36 = tpu.memref_squeeze %dma_start3A_35 : memref<1x128xi32, #tpu.memory_space<vmem>> -> memref<128xi32, #tpu.memory_space<vmem>>
    %dma_start3A_37 = arith.constant 0 : i32
    %dma_start3A_38 = arith.constant 0 : i32
    %dma_start3A_39 = tpu.memref_slice %arg2[%dma_start3A_37, %dma_start3A_38] : memref<10240x128xf32, #tpu.memory_space<hbm>> -> memref<10240x128xf32, #tpu.memory_space<hbm>>
    tpu.enqueue_indirect_dma source(%dma_start3A_39 : memref<10240x128xf32, #tpu.memory_space<hbm>>) target(%arg6 : memref<128x128xf32, #tpu.memory_space<vmem>>) offsets(%dma_start3A_36 : memref<128xi32, #tpu.memory_space<vmem>>) semaphore(%arg7 : memref<!tpu.dma_semaphore, #tpu.memory_space<semaphore_mem>>)
    %dma_wait3A_40 = arith.constant 1 : i32
    %dma_wait3A_41 = arith.constant 0 : i32
    %dma_wait3A_42 = tpu.memref_slice %arg5[%dma_wait3A_40, %dma_wait3A_41] : memref<2x128xi32, #tpu.memory_space<vmem>> -> memref<1x128xi32, #tpu.memory_space<vmem>>
    %dma_wait3A_43 = tpu.memref_squeeze %dma_wait3A_42 : memref<1x128xi32, #tpu.memory_space<vmem>> -> memref<128xi32, #tpu.memory_space<vmem>>
    %dma_wait3A_44 = arith.constant 0 : i32
    %dma_wait3A_45 = arith.constant 0 : i32
    %dma_wait3A_46 = tpu.memref_slice %arg2[%dma_wait3A_44, %dma_wait3A_45] : memref<10240x128xf32, #tpu.memory_space<hbm>> -> memref<10240x128xf32, #tpu.memory_space<hbm>>
    tpu.wait_indirect_dma semaphore(%arg7 : memref<!tpu.dma_semaphore, #tpu.memory_space<semaphore_mem>>) src(%dma_wait3A_46 : memref<10240x128xf32, #tpu.memory_space<hbm>>) dst(%arg6 : memref<128x128xf32, #tpu.memory_space<vmem>>)
    %mul3A_47 = arith.constant 256 : i32
    %mul3A_48 = arith.muli %add3A, %mul3A_47 : i32
    %add3A_49 = arith.constant 128 : i32
    %add3A_50 = arith.addi %mul3A_48, %add3A_49 : i32
    "tpu.region"() ({
      %run_scoped3A = tpu.sem_alloc : memref<!tpu.dma_semaphore, #tpu.memory_space<semaphore_mem>>
      %dma_start3A_51 = arith.constant 0 : i32
      %dma_start3A_52 = tpu.memref_slice %arg4[%add3A_50, %dma_start3A_51] : memref<8192x128xf32, #tpu.memory_space<hbm>> -> memref<128x128xf32, #tpu.memory_space<hbm>>
      %dma_start3A_53 = arith.constant 0 : i32
      %dma_start3A_54 = tpu.memref_slice %arg4[%add3A_50, %dma_start3A_53] : memref<8192x128xf32, #tpu.memory_space<hbm>> -> memref<128x128xf32, #tpu.memory_space<hbm>>
      tpu.enqueue_dma source(%arg6 : memref<128x128xf32, #tpu.memory_space<vmem>>) target(%dma_start3A_54 : memref<128x128xf32, #tpu.memory_space<hbm>>) target_semaphore(%run_scoped3A : memref<!tpu.dma_semaphore, #tpu.memory_space<semaphore_mem>>)
      %dma_wait3A_55 = arith.constant 0 : i32
      %dma_wait3A_56 = tpu.memref_slice %arg4[%add3A_50, %dma_wait3A_55] : memref<8192x128xf32, #tpu.memory_space<hbm>> -> memref<128x128xf32, #tpu.memory_space<hbm>>
      %dma_wait3A_57 = arith.constant 0 : i32
      %dma_wait3A_58 = tpu.memref_slice %arg4[%add3A_50, %dma_wait3A_57] : memref<8192x128xf32, #tpu.memory_space<hbm>> -> memref<128x128xf32, #tpu.memory_space<hbm>>
      tpu.wait_dma2 semaphore(%run_scoped3A : memref<!tpu.dma_semaphore, #tpu.memory_space<semaphore_mem>>) src(%arg6 : memref<128x128xf32, #tpu.memory_space<vmem>>) dst(%dma_wait3A_58 : memref<128x128xf32, #tpu.memory_space<hbm>>)
      tpu.yield
    }) : () -> ()
    return
  }
}

module attributes {stable_mosaic.version = 14 : i64} {
  func.func @body(%arg0: memref<80x128xf32, #tpu.memory_space<vmem>>, %arg1: memref<80x128xf32, #tpu.memory_space<vmem>>, %arg2: memref<80x128xf32, #tpu.memory_space<vmem>>) attributes {dimension_semantics = [], scalar_prefetch = 0 : i64, scratch_operands = 0 : i64, tpu.core_type = #tpu.core_type<tc>} {
    %get3A = arith.constant 0 : index
    %get3A_0 = arith.constant 0 : index
    %get3A_1 = vector.load %arg0[%get3A, %get3A_0] : memref<80x128xf32, #tpu.memory_space<vmem>>, vector<80x128xf32>
    %get3A_2 = arith.constant 0 : index
    %get3A_3 = arith.constant 0 : index
    %get3A_4 = vector.load %arg1[%get3A_2, %get3A_3] : memref<80x128xf32, #tpu.memory_space<vmem>>, vector<80x128xf32>
    %add3A = arith.addf %get3A_1, %get3A_4 : vector<80x128xf32>
    %gt3A = arith.constant 0.000000e+00 : f32
    %gt3A_5 = vector.broadcast %gt3A : f32 to vector<80x128xf32>
    %gt3A_6 = arith.cmpf ogt, %add3A, %gt3A_5 : vector<80x128xf32>
    %max3A = arith.constant 1.000000e+00 : f32
    %max3A_7 = vector.broadcast %max3A : f32 to vector<80x128xf32>
    %max3A_8 = arith.maximumf %add3A, %max3A_7 : vector<80x128xf32>
    %rsqrt3A = math.rsqrt %max3A_8 : vector<80x128xf32>
    %jit3A = arith.constant 0.000000e+00 : f32
    %broadcast_in_dim3A = vector.broadcast %jit3A : f32 to vector<80x128xf32>
    %select_n3A = arith.select %gt3A_6, %rsqrt3A, %broadcast_in_dim3A : vector<80x128xi1>, vector<80x128xf32>
    %swap3A = arith.constant 0 : index
    %swap3A_9 = arith.constant 0 : index
    %swap3A_10 = vector.load %arg2[%swap3A, %swap3A_9] : memref<80x128xf32, #tpu.memory_space<vmem>>, vector<80x128xf32>
    tpu.vector_store %arg2[%swap3A, %swap3A_9], %select_n3A {strides = array<i32>} : memref<80x128xf32, #tpu.memory_space<vmem>>, vector<80x128xf32>,
    return
  }
}

module attributes {stable_mosaic.version = 14 : i64} {
  func.func @body(%arg0: i32, %arg1: memref<1280x128xf32, #tpu.memory_space<vmem>>, %arg2: memref<1280x1xf32, #tpu.memory_space<vmem>>, %arg3: memref<1280x128xf32, #tpu.memory_space<vmem>>, %arg4: memref<1280x128xf32, #tpu.memory_space<vmem>>) attributes {dimension_semantics = [#tpu.dimension_semantics<arbitrary>], iteration_bounds = array<i64: 8>, scalar_prefetch = 0 : i64, scratch_operands = 0 : i64, tpu.core_type = #tpu.core_type<tc>, window_params = [{transform_indices = @transform_0, window_bounds = array<i64: 1280, 128>}, {transform_indices = @transform_1, window_bounds = array<i64: 1280, 1>}, {transform_indices = @transform_2, window_bounds = array<i64: 1280, 128>}, {transform_indices = @transform_3, window_bounds = array<i64: 1280, 128>}]} {
    %get3A = arith.constant 0 : index
    %get3A_0 = arith.constant 0 : index
    %get3A_1 = vector.load %arg1[%get3A, %get3A_0] : memref<1280x128xf32, #tpu.memory_space<vmem>>, vector<1280x128xf32>
    %get3A_2 = arith.constant 0 : index
    %get3A_3 = arith.constant 0 : index
    %get3A_4 = vector.load %arg2[%get3A_2, %get3A_3] : memref<1280x1xf32, #tpu.memory_space<vmem>>, vector<1280x1xf32>
    %mul3A = vector.broadcast %get3A_4 : vector<1280x1xf32> to vector<1280x128xf32>
    %mul3A_5 = arith.mulf %get3A_1, %mul3A : vector<1280x128xf32>
    %swap3A = arith.constant 0 : index
    %swap3A_6 = arith.constant 0 : index
    %swap3A_7 = vector.load %arg3[%swap3A, %swap3A_6] : memref<1280x128xf32, #tpu.memory_space<vmem>>, vector<1280x128xf32>
    tpu.vector_store %arg3[%swap3A, %swap3A_6], %mul3A_5 {strides = array<i32>} : memref<1280x128xf32, #tpu.memory_space<vmem>>, vector<1280x128xf32>,
    %mul3A_8 = arith.mulf %get3A_1, %get3A_1 : vector<1280x128xf32>
    %reduce_sum3A = arith.constant dense<0.000000e+00> : vector<1280xf32>
    %reduce_sum3A_9 = vector.multi_reduction <add>, %mul3A_8, %reduce_sum3A [1] : vector<1280x128xf32> to vector<1280xf32>
    %broadcast_in_dim3A = vector.shape_cast %reduce_sum3A_9 : vector<1280xf32> to vector<1280x1xf32>
    %sqrt3A = math.sqrt %broadcast_in_dim3A : vector<1280x1xf32>
    %max3A = arith.constant 9.99999996E-13 : f32
    %max3A_10 = vector.broadcast %max3A : f32 to vector<1280x1xf32>
    %max3A_11 = arith.maximumf %sqrt3A, %max3A_10 : vector<1280x1xf32>
    %div3A = vector.broadcast %max3A_11 : vector<1280x1xf32> to vector<1280x128xf32>
    %div3A_12 = arith.divf %get3A_1, %div3A : vector<1280x128xf32>
    %swap3A_13 = arith.constant 0 : index
    %swap3A_14 = arith.constant 0 : index
    %swap3A_15 = vector.load %arg4[%swap3A_13, %swap3A_14] : memref<1280x128xf32, #tpu.memory_space<vmem>>, vector<1280x128xf32>
    tpu.vector_store %arg4[%swap3A_13, %swap3A_14], %div3A_12 {strides = array<i32>} : memref<1280x128xf32, #tpu.memory_space<vmem>>, vector<1280x128xf32>,
    return
  }
  func.func @transform_0(%arg0: i32) -> (i32, i32) {
    %c0_i32 = arith.constant 0 : i32
    %c0_i32_0 = arith.constant 0 : i32
    return %arg0, %c0_i32 : i32, i32
  }
  func.func @transform_1(%arg0: i32) -> (i32, i32) {
    %c0_i32 = arith.constant 0 : i32
    %c0_i32_0 = arith.constant 0 : i32
    return %arg0, %c0_i32 : i32, i32
  }
  func.func @transform_2(%arg0: i32) -> (i32, i32) {
    %c0_i32 = arith.constant 0 : i32
    %c0_i32_0 = arith.constant 0 : i32
    return %arg0, %c0_i32 : i32, i32
  }
  func.func @transform_3(%arg0: i32) -> (i32, i32) {
    %c0_i32 = arith.constant 0 : i32
    %c0_i32_0 = arith.constant 0 : i32
    return %arg0, %c0_i32 : i32, i32
  }
}

module attributes {stable_mosaic.version = 14 : i64} {
  func.func @body(%arg0: i32, %arg1: memref<2x1280x128xf32, #tpu.memory_space<vmem>>, %arg2: memref<1280x1xf32, #tpu.memory_space<vmem>>, %arg3: memref<1280x128xf32, #tpu.memory_space<vmem>>, %arg4: memref<1280x128xf32, #tpu.memory_space<vmem>>, %arg5: memref<1280x128xf32, #tpu.memory_space<vmem>>) attributes {dimension_semantics = [#tpu.dimension_semantics<arbitrary>], iteration_bounds = array<i64: 8>, scalar_prefetch = 0 : i64, scratch_operands = 0 : i64, tpu.core_type = #tpu.core_type<tc>, window_params = [{transform_indices = @transform_0, window_bounds = array<i64: 2, 1280, 128>}, {transform_indices = @transform_1, window_bounds = array<i64: 1280, 1>}, {transform_indices = @transform_2, window_bounds = array<i64: 1280, 128>}, {transform_indices = @transform_3, window_bounds = array<i64: 1280, 128>}, {transform_indices = @transform_4, window_bounds = array<i64: 1280, 128>}]} {
    %get3A = arith.constant 0 : index
    %get3A_0 = arith.constant 0 : index
    %get3A_1 = arith.constant 0 : index
    %get3A_2 = vector.load %arg1[%get3A, %get3A_0, %get3A_1] : memref<2x1280x128xf32, #tpu.memory_space<vmem>>, vector<1x1280x128xf32>
    %get3A_3 = vector.shape_cast %get3A_2 : vector<1x1280x128xf32> to vector<1280x128xf32>
    %get3A_4 = arith.constant 1 : index
    %get3A_5 = arith.constant 0 : index
    %get3A_6 = arith.constant 0 : index
    %get3A_7 = vector.load %arg1[%get3A_4, %get3A_5, %get3A_6] : memref<2x1280x128xf32, #tpu.memory_space<vmem>>, vector<1x1280x128xf32>
    %get3A_8 = vector.shape_cast %get3A_7 : vector<1x1280x128xf32> to vector<1280x128xf32>
    %add3A = arith.addf %get3A_3, %get3A_8 : vector<1280x128xf32>
    %get3A_9 = arith.constant 0 : index
    %get3A_10 = arith.constant 0 : index
    %get3A_11 = vector.load %arg2[%get3A_9, %get3A_10] : memref<1280x1xf32, #tpu.memory_space<vmem>>, vector<1280x1xf32>
    %mul3A = vector.broadcast %get3A_11 : vector<1280x1xf32> to vector<1280x128xf32>
    %mul3A_12 = arith.mulf %add3A, %mul3A : vector<1280x128xf32>
    %mul3A_13 = arith.mulf %mul3A_12, %mul3A_12 : vector<1280x128xf32>
    %reduce_sum3A = arith.constant dense<0.000000e+00> : vector<1280xf32>
    %reduce_sum3A_14 = vector.multi_reduction <add>, %mul3A_13, %reduce_sum3A [1] : vector<1280x128xf32> to vector<1280xf32>
    %broadcast_in_dim3A = vector.shape_cast %reduce_sum3A_14 : vector<1280xf32> to vector<1280x1xf32>
    %sqrt3A = math.sqrt %broadcast_in_dim3A : vector<1280x1xf32>
    %get3A_15 = arith.constant 0 : index
    %get3A_16 = arith.constant 0 : index
    %get3A_17 = vector.load %arg3[%get3A_15, %get3A_16] : memref<1280x128xf32, #tpu.memory_space<vmem>>, vector<1280x128xf32>
    %max3A = arith.constant 9.99999996E-13 : f32
    %max3A_18 = vector.broadcast %max3A : f32 to vector<1280x1xf32>
    %max3A_19 = arith.maximumf %sqrt3A, %max3A_18 : vector<1280x1xf32>
    %div3A = vector.broadcast %max3A_19 : vector<1280x1xf32> to vector<1280x128xf32>
    %div3A_20 = arith.divf %mul3A_12, %div3A : vector<1280x128xf32>
    %add3A_21 = arith.addf %get3A_17, %div3A_20 : vector<1280x128xf32>
    %swap3A = arith.constant 0 : index
    %swap3A_22 = arith.constant 0 : index
    %swap3A_23 = vector.load %arg5[%swap3A, %swap3A_22] : memref<1280x128xf32, #tpu.memory_space<vmem>>, vector<1280x128xf32>
    tpu.vector_store %arg5[%swap3A, %swap3A_22], %add3A_21 {strides = array<i32>} : memref<1280x128xf32, #tpu.memory_space<vmem>>, vector<1280x128xf32>,
    %get3A_24 = arith.constant 0 : index
    %get3A_25 = arith.constant 0 : index
    %get3A_26 = vector.load %arg2[%get3A_24, %get3A_25] : memref<1280x1xf32, #tpu.memory_space<vmem>>, vector<1280x1xf32>
    %mul3A_27 = vector.broadcast %get3A_26 : vector<1280x1xf32> to vector<1280x128xf32>
    %mul3A_28 = arith.mulf %mul3A_12, %mul3A_27 : vector<1280x128xf32>
    %swap3A_29 = arith.constant 0 : index
    %swap3A_30 = arith.constant 0 : index
    %swap3A_31 = vector.load %arg4[%swap3A_29, %swap3A_30] : memref<1280x128xf32, #tpu.memory_space<vmem>>, vector<1280x128xf32>
    tpu.vector_store %arg4[%swap3A_29, %swap3A_30], %mul3A_28 {strides = array<i32>} : memref<1280x128xf32, #tpu.memory_space<vmem>>, vector<1280x128xf32>,
    return
  }
  func.func @transform_0(%arg0: i32) -> (i32, i32, i32) {
    %c0_i32 = arith.constant 0 : i32
    %c0_i32_0 = arith.constant 0 : i32
    %c0_i32_1 = arith.constant 0 : i32
    return %c0_i32, %arg0, %c0_i32_0 : i32, i32, i32
  }
  func.func @transform_1(%arg0: i32) -> (i32, i32) {
    %c0_i32 = arith.constant 0 : i32
    %c0_i32_0 = arith.constant 0 : i32
    return %arg0, %c0_i32 : i32, i32
  }
  func.func @transform_2(%arg0: i32) -> (i32, i32) {
    %c0_i32 = arith.constant 0 : i32
    %c0_i32_0 = arith.constant 0 : i32
    return %arg0, %c0_i32 : i32, i32
  }
  func.func @transform_3(%arg0: i32) -> (i32, i32) {
    %c0_i32 = arith.constant 0 : i32
    %c0_i32_0 = arith.constant 0 : i32
    return %arg0, %c0_i32 : i32, i32
  }
  func.func @transform_4(%arg0: i32) -> (i32, i32) {
    %c0_i32 = arith.constant 0 : i32
    %c0_i32_0 = arith.constant 0 : i32
    return %arg0, %c0_i32 : i32, i32
  }
}

module attributes {stable_mosaic.version = 14 : i64} {
  func.func @body(%arg0: i32, %arg1: memref<2x1280x128xf32, #tpu.memory_space<vmem>>, %arg2: memref<1280x1xf32, #tpu.memory_space<vmem>>, %arg3: memref<1280x128xf32, #tpu.memory_space<vmem>>, %arg4: memref<128x128xf32, #tpu.memory_space<vmem>>, %arg5: memref<1x128xf32, #tpu.memory_space<vmem>>, %arg6: memref<1280x128xf32, #tpu.memory_space<vmem>>) attributes {dimension_semantics = [#tpu.dimension_semantics<arbitrary>], iteration_bounds = array<i64: 8>, scalar_prefetch = 0 : i64, scratch_operands = 0 : i64, tpu.core_type = #tpu.core_type<tc>, window_params = [{transform_indices = @transform_0, window_bounds = array<i64: 2, 1280, 128>}, {transform_indices = @transform_1, window_bounds = array<i64: 1280, 1>}, {transform_indices = @transform_2, window_bounds = array<i64: 1280, 128>}, {pipeline_mode = #tpu.pipeline_mode<synchronous>, transform_indices = @transform_3, window_bounds = array<i64: 128, 128>}, {pipeline_mode = #tpu.pipeline_mode<synchronous>, transform_indices = @transform_4, window_bounds = array<i64: 1, 128>}, {transform_indices = @transform_5, window_bounds = array<i64: 1280, 128>}]} {
    %get3A = arith.constant 0 : index
    %get3A_0 = arith.constant 0 : index
    %get3A_1 = arith.constant 0 : index
    %get3A_2 = vector.load %arg1[%get3A, %get3A_0, %get3A_1] : memref<2x1280x128xf32, #tpu.memory_space<vmem>>, vector<1x1280x128xf32>
    %get3A_3 = vector.shape_cast %get3A_2 : vector<1x1280x128xf32> to vector<1280x128xf32>
    %get3A_4 = arith.constant 1 : index
    %get3A_5 = arith.constant 0 : index
    %get3A_6 = arith.constant 0 : index
    %get3A_7 = vector.load %arg1[%get3A_4, %get3A_5, %get3A_6] : memref<2x1280x128xf32, #tpu.memory_space<vmem>>, vector<1x1280x128xf32>
    %get3A_8 = vector.shape_cast %get3A_7 : vector<1x1280x128xf32> to vector<1280x128xf32>
    %add3A = arith.addf %get3A_3, %get3A_8 : vector<1280x128xf32>
    %get3A_9 = arith.constant 0 : index
    %get3A_10 = arith.constant 0 : index
    %get3A_11 = vector.load %arg2[%get3A_9, %get3A_10] : memref<1280x1xf32, #tpu.memory_space<vmem>>, vector<1280x1xf32>
    %mul3A = vector.broadcast %get3A_11 : vector<1280x1xf32> to vector<1280x128xf32>
    %mul3A_12 = arith.mulf %add3A, %mul3A : vector<1280x128xf32>
    %mul3A_13 = arith.mulf %mul3A_12, %mul3A_12 : vector<1280x128xf32>
    %reduce_sum3A = arith.constant dense<0.000000e+00> : vector<1280xf32>
    %reduce_sum3A_14 = vector.multi_reduction <add>, %mul3A_13, %reduce_sum3A [1] : vector<1280x128xf32> to vector<1280xf32>
    %broadcast_in_dim3A = vector.shape_cast %reduce_sum3A_14 : vector<1280xf32> to vector<1280x1xf32>
    %sqrt3A = math.sqrt %broadcast_in_dim3A : vector<1280x1xf32>
    %get3A_15 = arith.constant 0 : index
    %get3A_16 = arith.constant 0 : index
    %get3A_17 = vector.load %arg3[%get3A_15, %get3A_16] : memref<1280x128xf32, #tpu.memory_space<vmem>>, vector<1280x128xf32>
    %max3A = arith.constant 9.99999996E-13 : f32
    %max3A_18 = vector.broadcast %max3A : f32 to vector<1280x1xf32>
    %max3A_19 = arith.maximumf %sqrt3A, %max3A_18 : vector<1280x1xf32>
    %div3A = vector.broadcast %max3A_19 : vector<1280x1xf32> to vector<1280x128xf32>
    %div3A_20 = arith.divf %mul3A_12, %div3A : vector<1280x128xf32>
    %add3A_21 = arith.addf %get3A_17, %div3A_20 : vector<1280x128xf32>
    %mul3A_22 = arith.constant 2.500000e-01 : f32
    %mul3A_23 = vector.broadcast %mul3A_22 : f32 to vector<1280x128xf32>
    %mul3A_24 = arith.mulf %add3A_21, %mul3A_23 : vector<1280x128xf32>
    %get3A_25 = arith.constant 0 : index
    %get3A_26 = arith.constant 0 : index
    %get3A_27 = vector.load %arg4[%get3A_25, %get3A_26] : memref<128x128xf32, #tpu.memory_space<vmem>>, vector<128x128xf32>
    %dot_general3A = arith.constant dense<0.000000e+00> : vector<1280x128xf32>
    %dot_general3A_28 = tpu.matmul %mul3A_24, %get3A_27, %dot_general3A {dimension_numbers = #tpu.dot_dimension_numbers<[1], [1], [0], [0], [0, 0, 1, 0], [], []>, transpose_lhs_hint = false} : vector<1280x128xf32>, vector<128x128xf32>, vector<1280x128xf32> -> vector<1280x128xf32>
    %get3A_29 = arith.constant 0 : index
    %get3A_30 = arith.constant 0 : index
    %get3A_31 = vector.load %arg5[%get3A_29, %get3A_30] : memref<1x128xf32, #tpu.memory_space<vmem>>, vector<1x128xf32>
    %add3A_32 = vector.broadcast %get3A_31 : vector<1x128xf32> to vector<1280x128xf32>
    %add3A_33 = arith.addf %dot_general3A_28, %add3A_32 : vector<1280x128xf32>
    %swap3A = arith.constant 0 : index
    %swap3A_34 = arith.constant 0 : index
    %swap3A_35 = vector.load %arg6[%swap3A, %swap3A_34] : memref<1280x128xf32, #tpu.memory_space<vmem>>, vector<1280x128xf32>
    tpu.vector_store %arg6[%swap3A, %swap3A_34], %add3A_33 {strides = array<i32>} : memref<1280x128xf32, #tpu.memory_space<vmem>>, vector<1280x128xf32>,
    return
  }
  func.func @transform_0(%arg0: i32) -> (i32, i32, i32) {
    %c0_i32 = arith.constant 0 : i32
    %c0_i32_0 = arith.constant 0 : i32
    %c0_i32_1 = arith.constant 0 : i32
    return %c0_i32, %arg0, %c0_i32_0 : i32, i32, i32
  }
  func.func @transform_1(%arg0: i32) -> (i32, i32) {
    %c0_i32 = arith.constant 0 : i32
    %c0_i32_0 = arith.constant 0 : i32
    return %arg0, %c0_i32 : i32, i32
  }
  func.func @transform_2(%arg0: i32) -> (i32, i32) {
    %c0_i32 = arith.constant 0 : i32
    %c0_i32_0 = arith.constant 0 : i32
    return %arg0, %c0_i32 : i32, i32
  }
  func.func @transform_3(%arg0: i32) -> (i32, i32) {
    %c0_i32 = arith.constant 0 : i32
    %c0_i32_0 = arith.constant 0 : i32
    %c0_i32_1 = arith.constant 0 : i32
    return %c0_i32, %c0_i32_0 : i32, i32
  }
  func.func @transform_4(%arg0: i32) -> (i32, i32) {
    %c0_i32 = arith.constant 0 : i32
    %c0_i32_0 = arith.constant 0 : i32
    %c0_i32_1 = arith.constant 0 : i32
    return %c0_i32, %c0_i32_0 : i32, i32
  }
  func.func @transform_5(%arg0: i32) -> (i32, i32) {
    %c0_i32 = arith.constant 0 : i32
    %c0_i32_0 = arith.constant 0 : i32
    return %arg0, %c0_i32 : i32, i32
  }
}

</mosaic_0001>

<sc_bundles>
// kernel: kernel.12.cloned.1.call-start
scs
__scs_entry_jumppad:
0x0: {  	(pc) =	sbr.rel $0x88, $3  }
0x1: {  	(tag) =	ssettag $0x0;
	lr =	simm.s32 $0x1  }
0x2: {  	[smem:$0x3F9B] =	sst lr;
	_ =	strace $0xD0000000  }
0x3: {  	_ = 	snop  }
0x4: {  	_ = 	snop  }
0x5: {  	_ = 	snop  }
0x6: {  	_ = 	snop  }
0x7: {  	_ = 	snop  }
__scs_overlays_trampoline_lowered:
0x8: {  	[smem:$0x3FAA] =	sst s0  }
0x9: {  	[smem:$0x3FAB] =	sst s1  }
0xa: {  	[smem:$0x3FAC] =	sst s2  }
0xb: {  	[smem:$0x3FAD] =	sst s3  }
0xc: {  	[smem:$0x3FAE] =	sst s4  }
0xd: {  	[smem:$0x3FAF] =	sst s5  }
0xe: {  	[smem:$0x3FB0] =	sst s6  }
0xf: {  	[smem:$0x3FB1] =	sst s7  }
0x10: {  	[smem:$0x3FB2] =	sst s8  }
0x11: {  	[smem:$0x3FB3] =	sst s9;
	s0 =	simm.s32 @!p0 $0x0  }
0x12: {  	s1 =	sld [smem:$0x3F99];
	s0 =	simm.s32 @p0 $0x1  }
0x13: {  	[smem:$0x3FB4] =	sst s0;
	s0 =	simm.s32 @!p1 $0x0  }
0x14: {  	s2 =	sld [smem:$0x3F98];
	s0 =	simm.s32 @p1 $0x1  }
0x15: {  	[smem:$0x3FB5] =	sst s0;
	s0 =	simm.s32 @!p2 $0x0  }
0x16: {  	s3 =	sld [smem:$0x3FDB];
	s0 =	simm.s32 @p2 $0x1  }
0x17: {  	s4 =	simm.s32 $0x1BF5;
	[smem:$0x3FB7] =	sst s0  }
0x18: {  	s0 =	sld [smem:$0x3F9A];
	_ =	swait.ge [sflag:s4], $0x0  }
0x19: {  	s7 =	sld [smem:$0x3F9B]  }
0x1a: {  	s8 =	sadd.s32 $0xFFFFE003, lr  }
0x1b: {  	s9 =	sadd.s32 $0xFFFFFEF7, lr;
	s5 =	simm.s32 $0xFFFFFFFF;
	p2 =	slt.u32 s8, $0xFFFFF086  }
0x1c: {  	p1 =	slt.u32 s9, $0xF7A;
	s5 =	simm.s32 @!p2 $0x0  }
0x1d: {  	s5 =	simm.s32 @p1 $0x1;
	p0 =	seq.s32 s7, s2  }
0x1e: {  	s7 =	smul.u32 @!p0 $0xF7A, s2;
	p2 =	seq.s32 @!p0 s5, $0x0  }
0x1f: {  	s9 =	smul.u32 $0xF7A, s1;
	s8 =	simm.s32 @!p0 $0x1BF5;
	p2 =	por !p2, p0  }
0x20: {  	[sflag:s8] =	ssyncset.s32 @!p0 $0xFFFFF086;
	s6 =	sadd.s32 @!p0 s3, s7;
	s7 =	simm.s32 @!p0 $0x108  }
0x21: {  	s3 =	sadd.s32 s3, s9;
	s6 =	sadd.s32 @!p0 $0x88, s6;
	s7 =	simm.s32 @p2 $0x1082  }
0x22: {  	[simem:s7], [sflag:s8] =	dma.local @!p0 [hbm:s6], $0xF7A  }
0x23: {  	s9 =	sor.u32 $0xD0000000, s2;
	s6 =	simm.s32 $0x108;
	_ =	swait.ge @!p0 [sflag:s8], $0x0  }
0x24: {  	s3 =	sadd.s32 $0x88, s3;
	s6 =	simm.s32 @!p1 $0x1082;
	[sflag:s4] =	ssyncset.s32 $0xFFFFF086  }
0x25: {  	[simem:s6], [sflag:s4] =	dma.local [hbm:s3], $0xF7A  }
0x26: {  	[smem:$0x3F9B] =	sst s1;
	(tag) =	ssettag s2;
	_ =	strace s9  }
0x27: {  	s1 =	sld [smem:$0x3FAB]  }
0x28: {  	s2 =	sld [smem:$0x3FAC]  }
0x29: {  	s4 =	sld [smem:$0x3FAE]  }
0x2a: {  	p0 =	seq.s32 s5, $0x0;
	s5 =	sld [smem:$0x3FAF]  }
0x2b: {  	s6 =	sld [smem:$0x3FB0]  }
0x2c: {  	s7 =	sld [smem:$0x3FB1]  }
0x2d: {  	s3 =	simm.s32 $0x108;
	s8 =	sld [smem:$0x3FB2]  }
0x2e: {  	s3 =	simm.s32 @!p0 $0x1082;
	s9 =	sld [smem:$0x3FB3]  }
0x2f: {  	lr =	sadd.s32 s0, s3;
	s0 =	sld [smem:$0x3FAA]  }
0x30: {  	s3 =	sld [smem:$0x3FAD]  }
0x31: {  	[smem:$0x3FB6] =	sst s10  }
0x32: {  	s10 =	sld [smem:$0x3FB4];
	_ =	sdelay $0x3  }
0x33: {  	p0 =	seq.s32 s10, $0x1;
	s10 =	sld [smem:$0x3FB6];
	_ =	sdelay $0x3  }
0x34: {  	[smem:$0x3FB6] =	sst s10  }
0x35: {  	s10 =	sld [smem:$0x3FB5];
	_ =	sdelay $0x3  }
0x36: {  	p1 =	seq.s32 s10, $0x1;
	s10 =	sld [smem:$0x3FB6];
	_ =	sdelay $0x3  }
0x37: {  	[smem:$0x3FB6] =	sst s10  }
0x38: {  	s10 =	sld [smem:$0x3FB7]  }
0x39: {  	_ = 	snop;
	(pc) =	sbr.ind lr, $3  }
0x3a: {  	_ = 	snop  }
0x3b: {  	_ = 	snop  }
0x3c: {  	p2 =	seq.s32 s10, $0x1;
	s10 =	sld [smem:$0x3FB6]  }
0x3d: {  	_ =	shalt  }
0x3e: {  	_ =	shalt  }
0x3f: {  	_ =	shalt  }
0x40: {  	_ =	shalt  }
0x41: {  	_ =	shalt  }
0x42: {  	_ =	shalt  }
0x43: {  	_ =	shalt  }
0x44: {  	_ =	shalt  }
0x45: {  	_ =	shalt  }
0x46: {  	_ =	shalt  }
0x47: {  	_ =	shalt  }
0x48: {  	_ =	shalt  }
0x49: {  	_ =	shalt  }
0x4a: {  	_ =	shalt  }
0x4b: {  	_ =	shalt  }
0x4c: {  	_ =	shalt  }
0x4d: {  	_ =	shalt  }
0x4e: {  	_ =	shalt  }
0x4f: {  	_ =	shalt  }
0x50: {  	_ =	shalt  }
0x51: {  	_ =	shalt  }
0x52: {  	_ =	shalt  }
0x53: {  	_ =	shalt  }
0x54: {  	_ =	shalt  }
0x55: {  	_ =	shalt  }
0x56: {  	_ =	shalt  }
0x57: {  	_ =	shalt  }
0x58: {  	_ =	shalt  }
0x59: {  	_ =	shalt  }
0x5a: {  	_ =	shalt  }
0x5b: {  	_ =	shalt  }
0x5c: {  	_ =	shalt  }
0x5d: {  	_ =	shalt  }
0x5e: {  	_ =	shalt  }
0x5f: {  	_ =	shalt  }
0x60: {  	_ =	shalt  }
0x61: {  	_ =	shalt  }
0x62: {  	_ =	shalt  }
0x63: {  	_ =	shalt  }
0x64: {  	_ =	shalt  }
0x65: {  	_ =	shalt  }
0x66: {  	_ =	shalt  }
0x67: {  	_ =	shalt  }
0x68: {  	_ =	shalt  }
0x69: {  	_ =	shalt  }
0x6a: {  	_ =	shalt  }
0x6b: {  	_ =	shalt  }
0x6c: {  	_ =	shalt  }
0x6d: {  	_ =	shalt  }
0x6e: {  	_ =	shalt  }
0x6f: {  	_ =	shalt  }
0x70: {  	_ =	shalt  }
0x71: {  	_ =	shalt  }
0x72: {  	_ =	shalt  }
0x73: {  	_ =	shalt  }
0x74: {  	_ =	shalt  }
0x75: {  	_ =	shalt  }
0x76: {  	_ =	shalt  }
0x77: {  	_ =	shalt  }
0x78: {  	_ =	shalt  }
0x79: {  	_ =	shalt  }
0x7a: {  	_ =	shalt  }
0x7b: {  	_ =	shalt  }
0x7c: {  	_ =	shalt  }
0x7d: {  	_ =	shalt  }
0x7e: {  	_ =	shalt  }
0x7f: {  	_ =	shalt  }
0x80: {  	_ =	shalt  }
0x81: {  	_ =	shalt  }
0x82: {  	_ =	shalt  }
0x83: {  	_ =	shalt  }
0x84: {  	_ =	shalt  }
0x85: {  	_ =	shalt  }
0x86: {  	_ =	shalt  }
0x87: {  	_ =	shalt  }
.Lfunc_end0:
.L_simem_size_0:
called_computation_lowered:
.L_overlay_start_0:
0x88: {  	s2 =	sld [smem:$0x3FD9]  }
0x89: {  	s3 =	sld [smem:$0x3FFE];
	_ =	sdelay $0x1  }
0x8a: {  	s1 =	srdreg.scid  }
0x8b: {  	s0 =	sand.u32 $0x1, s1  }
0x8c: {  	s14 =	sshll.u32 s0, $0xA;
	s2 =	sadd.s32 s3, s2  }
0x8d: {  	s2 =	sadd.s32 s2, s14  }
0x8e: {  	[smem:$0x3FC2] =	sst s2  }
0x8f: {  	_ = 	snop  }
0x90: {  	s2 =	sld [smem:$0x3FD0];
	_ =	sdelay $0x2  }
0x91: {  	s15 =	simm.s32 $0xA;
	s4 =	simm.s32 $0x10  }
0x92: {  	[smem:s4], [sflag:s15] =	dma.local [hbm:s2], $0x1  }
0x93: {  	_ =	swait.eq [sflag:s15], $0x1  }
0x94: {  	[sflag:s15] =	ssyncset.done $0x0  }
0x95: {  	[sflag:s15] =	ssyncadd.s32 $0xFFFFFFFF  }
0x96: {  	s16 =	sld [smem:$0x10];
	(tm) =	ssettm $0x1  }
0x97: {  	s17 =	sld [smem:$0x3FFB];
	_ =	sdelay $0x3  }
0x98: {  	_ =	strace s17  }
0x99: {  	s3 =	sld [smem:$0x3FFC];
	_ =	sdelay $0x3  }
0x9a: {  	_ =	strace s3  }
0x9b: {  	s3 =	sld [smem:$0x3FFD];
	_ =	sdelay $0x3  }
0x9c: {  	_ =	strace s3  }
0x9d: {  	_ =	strace $0x8FFFFFFF  }
0x9e: {  	s18 =	sld [smem:$0x3FDB];
	_ =	sdelay $0x1  }
0x9f: {  	s19 =	simm.s32 $_scs_section_size  }
0xa0: {  	s5 =	simm.s32 $_size__tile_overlayer_lowered;
	s6 =	simm.s32 $_tile_overlayer_lowered  }
0xa1: {  	s22 =	simm.s32 $0x1BFF;
	s21 =	sshll.u32 s6, $0x1;
	s3 =	sadd.s32 s19, s18  }
0xa2: {  	s7 =	simm.s32 $0x0;
	s20 =	sshll.u32 s5, $0x1;
	s5 =	sadd.s32 s21, s3  }
0xa3: {  	[timem:s7], [sflag:s22] =	dma.local [hbm:s5], s20  }
0xa4: {  	_ =	swait.ge [sflag:s22], s20  }
0xa5: {  	s4 =	ssub.s32 $0x0, s20;
	[sflag:s22] =	ssyncset.done $0x0  }
0xa6: {  	[sflag:s22] =	ssyncadd.s32 s4;
	_ =	sdelay $0x1  }
0xa7: {  	s23 =	simm.s32 $0x1B8B  }
0xa8: {  	_ =	swait.ge [sflag:s23], $0x1  }
0xa9: {  	[sflag:s23] =	ssyncset.done $0x0  }
0xaa: {  	s25 =	simm.s32 $0x1B8E;
	s24 =	sld [smem:$0x3FFE];
	[sflag:s23] =	ssyncadd.s32 $0xFFFFFFFF  }
0xab: {  	s26 =	simm.s32 $execute0_lowered;
	[smem:$0x3FD2] =	sst s25  }
0xac: {  	s5 =	sshll.u32 s26, $0x1;
	_ =	strace $0x80000046;
	[dreg:$0x1] =	wrdreg $0xFFFFFFFF  }
0xad: {  	s28 =	simm.s32 $_size_execute0_lowered;
	s3 =	sadd.s32 s3, s5;
	[dreg:$0x0] =	wrdreg $0x0  }
0xae: {  	s5 =	sshll.u32 s28, $0x1;
	[dreg:$0x2] =	wrdreg s3  }
0xaf: {  	[dreg:$0x3] =	wrdreg s5  }
0xb0: {  	[dreg:$0x4] =	wrdreg $0xC0  }
0xb1: {  	_ =	task [dreg:s7], $0x5FFFF  }
0xb2: {  	[dreg:$0x1] =	wrdreg $0xFFFFFFFF  }
0xb3: {  	[dreg:$0x0] =	wrdreg $0x60  }
0xb4: {  	[dreg:$0x2] =	wrdreg s16  }
0xb5: {  	[dreg:$0x3] =	wrdreg s24  }
0xb6: {  	[dreg:$0x4] =	wrdreg $0x2F000  }
0xb7: {  	[dreg:$0x5] =	wrdreg $0x9  }
0xb8: {  	_ =	task.clear_ibuf [dreg:s7], $0x6FFFF;
	_ =	strace $0x90000046  }
0xb9: {  	s29 =	simm.s32 $0x9;
	_ =	strace $0x80000048  }
0xba: {  	_ =	swait.ge [sflag:s29], $0x1  }
0xbb: {  	[sflag:s29] =	ssyncadd.s32 $0xFFFFFFFF  }
0xbc: {  	_ =	strace $0x90000048  }
0xbd: {  	_ =	sfence  }
0xbe: {  	s30 =	sld [smem:$0x0];
	_ =	sdelay $0x2  }
0xbf: {  	s31 =	sshll.u32 s1, $0xD;
	s1 =	sshrl.u32 s1, $0x2  }
0xc0: {  	s3 =	sand.u32 $0x4000, s31;
	s1 =	sadd.s32 s1, s30  }
0xc1: {  	s0 =	sor.u32 s3, s0;
	s1 =	sshll.u32 s1, $0x11  }
0xc2: {  	s0 =	sor.u32 s1, s0  }
0xc3: {  	s0 =	sadd.s32 $0x8F2B, s0  }
0xc4: {  	[sflag:s0] =	ssyncadd.remote.s32 $0x1  }
0xc5: {  	_ =	sfence.sel $0xFFFF  }
0xc6: {  	[dreg:$0x0] =	wrdreg $0xFFFFFFFF;
	(pc) =	sbr.abs _section_cstart, $3  }
0xc7: {  	[dreg:$0x1] =	wrdreg $0xFFFFFFFF  }
0xc8: {  	_ =	task.clear_ibuf [dreg:s7], $0x2FFFF;
	_ =	strace $0x9FFFFFFF  }
0xc9: {  	(tm) =	ssettm $0x7FFFFFFF  }
tec
execute0_lowered:
.L_overlay_start_1:
0x0: {  	(tag) =	ssettag $0x1  }
0x1: {  	s5 =	rddreg [dreg:$0x0]  }
0x2: {  	s6 =	rddreg [dreg:$0x1]  }
0x3: {  	s1 =	rddreg [dreg:$0x2]  }
0x4: {  	s0 =	rddreg [dreg:$0x3];
	s3 =	simm.s32 $0x0  }
0x5: {  	s2 =	srdreg.scid;
	s11 =	simm.s32 $0x3A00;
	s12 =	simm.s32 $0x2C00  }
0x6: {  	s13 =	simm.s32 $0x0;
	[smem:$0x7FF] =	sst s3;
	s4 =	sand.u32 $0x1, s2  }
0x7: {  	s2 =	stileid.u32;
	s7 =	ssub.s32 $0x2, s4;
	s8 =	sshll.u32 s4, $0x4  }
0x8: {  	_ =	strace $0x80000047;
	s10 =	smul.u32 $0x280, s2;
	p0 =	seq.s32 s4, $0x1  }
0x9: {  	s9 =	sshrl.u32 s7, $0x1;
	s8 =	sor.u32 s2, s8;
	s11 =	simm.s32 @!p0 $0x3400  }
0xa: {  	s7 =	ssub.s32 s7, s9;
	s8 =	smul.u32 $0x580, s8;
	s4 =	sadd.s32 s10, s1  }
0xb: {  	s30 =	sshrl.u32 s10, $0x3;
	s31 =	sadd.s32 s11, s6;
	s9 =	simm.s32 $0x2  }
0xc: {  	s10 =	simm.s32 $0x1;
	s11 =	simm.s32 $0x80;
	s6 =	smax.u32 s7, $0x1  }
0xd: {  	v0 =	vimm.f32 $1.000000000e+00;
	v1 =	vimm.f32 $0.0e+00;
	s7 =	sadd.s32 s31, s30;
	s5 =	sadd.s32 s5, s8;
	s8 =	simm.s32 $0x2C80  }
.LBB2_1:
0xe: {  	[tilespmem:$0x2C00] =	vst v0  }
0xf: {  	[tilespmem:$0x2C10] =	vst v0  }
0x10: {  	[tilespmem:$0x2C20] =	vst v0  }
0x11: {  	[tilespmem:$0x2C30] =	vst v0  }
0x12: {  	[tilespmem:$0x2C40] =	vst v0  }
0x13: {  	[tilespmem:$0x2C50] =	vst v0  }
0x14: {  	[tilespmem:$0x2C60] =	vst v0  }
0x15: {  	[tilespmem:$0x2C70] =	vst v0  }
0x16: {  	[tilespmem:$0x2C80] =	vst v1  }
0x17: {  	[tilespmem:$0x2C90] =	vst v1  }
0x18: {  	[tilespmem:$0x2CA0] =	vst v1  }
0x19: {  	[tilespmem:$0x2CB0] =	vst v1  }
0x1a: {  	[tilespmem:$0x2CC0] =	vst v1  }
0x1b: {  	[tilespmem:$0x2CD0] =	vst v1  }
0x1c: {  	[tilespmem:$0x2CE0] =	vst v1  }
0x1d: {  	[tilespmem:$0x2CF0] =	vst v1  }
0x1e: {  	[tilespmem:$0x2D00] =	vst v1  }
0x1f: {  	[tilespmem:$0x2D10] =	vst v1  }
0x20: {  	[tilespmem:$0x2D20] =	vst v1  }
0x21: {  	[tilespmem:$0x2D30] =	vst v1  }
0x22: {  	[tilespmem:$0x2D40] =	vst v1  }
0x23: {  	[tilespmem:$0x2D50] =	vst v1  }
0x24: {  	[tilespmem:$0x2D60] =	vst v1  }
0x25: {  	[tilespmem:$0x2D70] =	vst v1  }
0x26: {  	[tilespmem:$0x2D80] =	vst v1  }
0x27: {  	[tilespmem:$0x2D90] =	vst v1  }
0x28: {  	[tilespmem:$0x2DA0] =	vst v1  }
0x29: {  	[tilespmem:$0x2DB0] =	vst v1  }
0x2a: {  	[tilespmem:$0x2DC0] =	vst v1  }
0x2b: {  	[tilespmem:$0x2DD0] =	vst v1  }
0x2c: {  	[tilespmem:$0x2DE0] =	vst v1  }
0x2d: {  	[tilespmem:$0x2DF0] =	vst v1  }
0x2e: {  	[tilespmem:$0x2E00] =	vst v1  }
0x2f: {  	[tilespmem:$0x2E10] =	vst v1  }
0x30: {  	[tilespmem:$0x2E20] =	vst v1  }
0x31: {  	[tilespmem:$0x2E30] =	vst v1  }
0x32: {  	[tilespmem:$0x2E40] =	vst v1  }
0x33: {  	[tilespmem:$0x2E50] =	vst v1  }
0x34: {  	[tilespmem:$0x2E60] =	vst v1  }
0x35: {  	[tilespmem:$0x2E70] =	vst v1  }
0x36: {  	[tilespmem:$0x2E80] =	vst v1  }
0x37: {  	[tilespmem:$0x2E90] =	vst v1  }
0x38: {  	[tilespmem:$0x2EA0] =	vst v1  }
0x39: {  	[tilespmem:$0x2EB0] =	vst v1  }
0x3a: {  	[tilespmem:$0x2EC0] =	vst v1  }
0x3b: {  	[tilespmem:$0x2ED0] =	vst v1  }
0x3c: {  	[tilespmem:$0x2EE0] =	vst v1  }
0x3d: {  	[tilespmem:$0x2EF0] =	vst v1  }
0x3e: {  	[spmem:s4] =	stream.linear.scatter [tilespmem:s8], [sflag:$0x2], $0x280, $0x38;
	[tilespmem:$0x3180] =	vst v63  }
0x3f: {  	_ =	swait.ge [sflag:s9], $0x280  }
0x40: {  	[sflag:s9] =	ssyncset.done $0x0  }
0x41: {  	[sflag:s9] =	ssyncadd.s32 $0xFFFFFD80  }
0x42: {  	[tilespmem:s3], [sflag:$0x1] =	stream.linear.gather [hbm4b:s5+s3], $0x2C00, $0x38;
	[tilespmem:$0x3180] =	vst v63  }
0x43: {  	_ =	swait.ge [sflag:s10], $0x2C00  }
0x44: {  	[sflag:s10] =	ssyncset.done $0x0  }
0x45: {  	[sflag:s10] =	ssyncadd.s32 $0xFFFFD400  }
0x46: {  	s14 =	simm.s32 $0x0;
	[bflag:$0x0] =	sbarrier.arrive $0xFFFF  }
0x47: {  	[spmem:s1] =	stream.indirect.scatter.add.f32 [tilespmem:s12], [sflag:$0x1], $0x1, s14, s11, $0xb8;
	[tilespmem:$0x3180] =	vst v63  }
0x48: {  	s29 =	simm.s32 $0x80  }
0x49: {  	[spmem:s1] =	stream.indirect.scatter.add.f32 [tilespmem:s12], [sflag:$0x1], $0x1, s29, s11, $0xb8;
	[tilespmem:$0x3180] =	vst v63  }
0x4a: {  	s30 =	simm.s32 $0x100  }
0x4b: {  	[spmem:s1] =	stream.indirect.scatter.add.f32 [tilespmem:s12], [sflag:$0x1], $0x1, s30, s11, $0xb8;
	[tilespmem:$0x3180] =	vst v63  }
0x4c: {  	s31 =	simm.s32 $0x180  }
0x4d: {  	[spmem:s1] =	stream.indirect.scatter.add.f32 [tilespmem:s12], [sflag:$0x1], $0x1, s31, s11, $0xb8;
	[tilespmem:$0x3180] =	vst v63  }
0x4e: {  	_ =	swait.ge [sflag:s10], $0x80  }
0x4f: {  	[sflag:s10] =	ssyncset.done $0x0  }
0x50: {  	[sflag:s10] =	ssyncadd.s32 $0xFFFFFF80  }
0x51: {  	_ =	swait.ge [sflag:s10], $0x80  }
0x52: {  	[sflag:s10] =	ssyncset.done $0x0  }
0x53: {  	[sflag:s10] =	ssyncadd.s32 $0xFFFFFF80  }
0x54: {  	_ =	swait.ge [sflag:s10], $0x80  }
0x55: {  	[sflag:s10] =	ssyncset.done $0x0  }
0x56: {  	[sflag:s10] =	ssyncadd.s32 $0xFFFFFF80  }
0x57: {  	_ =	swait.ge [sflag:s10], $0x80  }
0x58: {  	s15 =	simm.s32 $0x1000;
	s14 =	simm.s32 $0x800;
	[sflag:s10] =	ssyncset.done $0x0  }
.LBB2_2:
0x59: {  	s16 =	sshra.s32 s14, $0x2  }
0x5a: {  	[sflag:s10] =	ssyncadd.s32 $0xFFFFFF80;
	s14 =	smov.u32 s15;
	s17 =	sadd.s32 $0x800, s15  }
0x5b: {  	[spmem:s1] =	stream.indirect.scatter.add.f32 [tilespmem:s12], [sflag:$0x1], $0x1, s16, s11, $0xb8;
	[tilespmem:$0x3180] =	vst v63  }
0x5c: {  	p0 =	sne.s32 s15, $0xA800;
	s15 =	sadd.s32 $0x80, s16  }
0x5d: {  	[spmem:s1] =	stream.indirect.scatter.add.f32 [tilespmem:s12], [sflag:$0x1], $0x1, s15, s11, $0xb8;
	[tilespmem:$0x3180] =	vst v63  }
0x5e: {  	s15 =	sadd.s32 $0x100, s16  }
0x5f: {  	[spmem:s1] =	stream.indirect.scatter.add.f32 [tilespmem:s12], [sflag:$0x1], $0x1, s15, s11, $0xb8;
	[tilespmem:$0x3180] =	vst v63  }
0x60: {  	s15 =	sadd.s32 $0x180, s16  }
0x61: {  	[spmem:s1] =	stream.indirect.scatter.add.f32 [tilespmem:s12], [sflag:$0x1], $0x1, s15, s11, $0xb8;
	[tilespmem:$0x3180] =	vst v63  }
0x62: {  	_ =	swait.ge [sflag:s10], $0x80  }
0x63: {  	[sflag:s10] =	ssyncset.done $0x0  }
0x64: {  	[sflag:s10] =	ssyncadd.s32 $0xFFFFFF80  }
0x65: {  	_ =	swait.ge [sflag:s10], $0x80  }
0x66: {  	[sflag:s10] =	ssyncset.done $0x0  }
0x67: {  	[sflag:s10] =	ssyncadd.s32 $0xFFFFFF80  }
.Ltmp0:
0x68: {  	_ =	swait.ge [sflag:s10], $0x80;
	(pc) =	sbr.rel @p0 .LBB2_2-.Ltmp0, $4  }
0x69: {  	[sflag:s10] =	ssyncset.done $0x0  }
0x6a: {  	[sflag:s10] =	ssyncadd.s32 $0xFFFFFF80  }
0x6b: {  	_ =	swait.ge [sflag:s10], $0x80  }
0x6c: {  	s15 =	smov.u32 s17;
	[sflag:s10] =	ssyncset.done $0x0  }
0x6d: {  	s14 =	sshra.s32 s14, $0x2;
	[sflag:s10] =	ssyncadd.s32 $0xFFFFFF80  }
0x6e: {  	[spmem:s1] =	stream.indirect.scatter.add.f32 [tilespmem:s12], [sflag:$0x1], $0x1, s14, s11, $0xb8;
	[tilespmem:$0x3180] =	vst v63  }
0x6f: {  	s15 =	sadd.s32 $0x80, s14  }
0x70: {  	[spmem:s1] =	stream.indirect.scatter.add.f32 [tilespmem:s12], [sflag:$0x1], $0x1, s15, s11, $0xb8;
	[tilespmem:$0x3180] =	vst v63  }
0x71: {  	s31 =	sadd.s32 $0x100, s14  }
0x72: {  	[spmem:s1] =	stream.indirect.scatter.add.f32 [tilespmem:s12], [sflag:$0x1], $0x1, s31, s11, $0xb8;
	[tilespmem:$0x3180] =	vst v63  }
0x73: {  	s14 =	sadd.s32 $0x180, s14  }
0x74: {  	[spmem:s1] =	stream.indirect.scatter.add.f32 [tilespmem:s12], [sflag:$0x1], $0x1, s14, s11, $0xb8;
	[tilespmem:$0x3180] =	vst v63  }
0x75: {  	_ =	swait.ge [sflag:s10], $0x80  }
0x76: {  	[sflag:s10] =	ssyncset.done $0x0  }
0x77: {  	[sflag:s10] =	ssyncadd.s32 $0xFFFFFF80  }
0x78: {  	_ =	swait.ge [sflag:s10], $0x80  }
0x79: {  	[sflag:s10] =	ssyncset.done $0x0  }
0x7a: {  	[sflag:s10] =	ssyncadd.s32 $0xFFFFFF80  }
0x7b: {  	_ =	swait.ge [sflag:s10], $0x80  }
0x7c: {  	[sflag:s10] =	ssyncset.done $0x0  }
0x7d: {  	[sflag:s10] =	ssyncadd.s32 $0xFFFFFF80  }
0x7e: {  	_ =	swait.ge [sflag:s10], $0x80  }
0x7f: {  	[sflag:s10] =	ssyncset.done $0x0  }
0x80: {  	[sflag:s10] =	ssyncadd.s32 $0xFFFFFF80  }
0x81: {  	[bflag:$0x0] =	sbarrier.arrive $0xFFFF  }
0x82: {  	[tilespmem:s8], [sflag:$0x2] =	stream.linear.gather [spmem:s4], $0x280, $0x38;
	[tilespmem:$0x3180] =	vst v63  }
0x83: {  	s13 =	sadd.s32 $0x1, s13;
	_ =	swait.ge [sflag:s9], $0x280  }
0x84: {  	p0 =	sne.s32 s13, s6;
	[sflag:s9] =	ssyncset.done $0x0  }
.Ltmp1:
0x85: {  	[sflag:s9] =	ssyncadd.s32 $0xFFFFFD80;
	(pc) =	sbr.rel @p0 .LBB2_1-.Ltmp1, $4  }
0x86: {  	[hbm4b:s7+s3] =	stream.linear.scatter [tilespmem:s8], [sflag:$0x2], $0x280, $0x38;
	[tilespmem:$0x3180] =	vst v63  }
0x87: {  	_ =	swait.ge [sflag:s9], $0x280  }
0x88: {  	[sflag:s9] =	ssyncset.done $0x0  }
0x89: {  	[sflag:s9] =	ssyncadd.s32 $0xFFFFFD80  }
0x8a: {  	_ =	sfence.sel $0x180000  }
0x8b: {  	[bflag:$0x0] =	sbarrier.arrive $0xFFFF  }
0x8c: {  	p0 =	sne.s32 s2, $0x0;
	_ =	strace $0x90000047  }
0x8d: {  	s0 =	sadd.s32 @!p0 $0x100000, s0;
	[bflag:$0x2] =	sbarrier.arrive $0xFFFF  }
0x8e: {  	[sflag:s0] =	ssyncadd.tile.s32 @!p0 $0x1;
	_ =	shalt  }
.Lfunc_end2:
_tile_overlayer_lowered:
.L_overlay_start_2:
0x8f: {  	(tag) =	ssettag $0x2  }
0x90: {  	s0 =	rddreg [dreg:$0x0];
	s2 =	stileid.u32  }
0x91: {  	s1 =	rddreg [dreg:$0x1];
	p0 =	sne.s32 s2, $0x0  }
0x92: {  	s3 =	rddreg [dreg:$0x2];
	[bflag:$0x3] =	sbarrier.arrive $0xFFFF;
	s2 =	simm.s32 @!p0 $0x1C02  }
0x93: {  	[timem:s3], [sflag:s2] =	dma.local @!p0 [hbm:s0], s1  }
0x94: {  	s0 =	simm.s32 @!p0 $0x2  }
0x95: {  	_ =	swait.ge @!p0 [sflag:s0], s1  }
0x96: {  	s1 =	ssub.s32 @!p0 $0x0, s1;
	[sflag:s0] =	ssyncset.done @!p0 $0x0  }
0x97: {  	[sflag:s0] =	ssyncadd.s32 @!p0 s1  }
0x98: {  	[bflag:$0x3] =	sbarrier.arrive $0xFFFF  }
0x99: {  	_ =	shalt  }

// kernel: kernel.15.cloned.1.call-start
scs
__scs_entry_jumppad:
0x0: {  	(pc) =	sbr.rel $0x88, $3  }
0x1: {  	(tag) =	ssettag $0x0;
	lr =	simm.s32 $0x1  }
0x2: {  	[smem:$0x3F9B] =	sst lr;
	_ =	strace $0xD0000000  }
0x3: {  	_ = 	snop  }
0x4: {  	_ = 	snop  }
0x5: {  	_ = 	snop  }
0x6: {  	_ = 	snop  }
0x7: {  	_ = 	snop  }
__scs_overlays_trampoline_lowered:
0x8: {  	[smem:$0x3FAA] =	sst s0  }
0x9: {  	[smem:$0x3FAB] =	sst s1  }
0xa: {  	[smem:$0x3FAC] =	sst s2  }
0xb: {  	[smem:$0x3FAD] =	sst s3  }
0xc: {  	[smem:$0x3FAE] =	sst s4  }
0xd: {  	[smem:$0x3FAF] =	sst s5  }
0xe: {  	[smem:$0x3FB0] =	sst s6  }
0xf: {  	[smem:$0x3FB1] =	sst s7  }
0x10: {  	[smem:$0x3FB2] =	sst s8  }
0x11: {  	[smem:$0x3FB3] =	sst s9;
	s0 =	simm.s32 @!p0 $0x0  }
0x12: {  	s1 =	sld [smem:$0x3F99];
	s0 =	simm.s32 @p0 $0x1  }
0x13: {  	[smem:$0x3FB4] =	sst s0;
	s0 =	simm.s32 @!p1 $0x0  }
0x14: {  	s2 =	sld [smem:$0x3F98];
	s0 =	simm.s32 @p1 $0x1  }
0x15: {  	[smem:$0x3FB5] =	sst s0;
	s0 =	simm.s32 @!p2 $0x0  }
0x16: {  	s3 =	sld [smem:$0x3FDB];
	s0 =	simm.s32 @p2 $0x1  }
0x17: {  	s4 =	simm.s32 $0x1BF5;
	[smem:$0x3FB7] =	sst s0  }
0x18: {  	s0 =	sld [smem:$0x3F9A];
	_ =	swait.ge [sflag:s4], $0x0  }
0x19: {  	s7 =	sld [smem:$0x3F9B]  }
0x1a: {  	s8 =	sadd.s32 $0xFFFFE003, lr  }
0x1b: {  	s9 =	sadd.s32 $0xFFFFFEF7, lr;
	s5 =	simm.s32 $0xFFFFFFFF;
	p2 =	slt.u32 s8, $0xFFFFF086  }
0x1c: {  	p1 =	slt.u32 s9, $0xF7A;
	s5 =	simm.s32 @!p2 $0x0  }
0x1d: {  	s5 =	simm.s32 @p1 $0x1;
	p0 =	seq.s32 s7, s2  }
0x1e: {  	s7 =	smul.u32 @!p0 $0xF7A, s2;
	p2 =	seq.s32 @!p0 s5, $0x0  }
0x1f: {  	s9 =	smul.u32 $0xF7A, s1;
	s8 =	simm.s32 @!p0 $0x1BF5;
	p2 =	por !p2, p0  }
0x20: {  	[sflag:s8] =	ssyncset.s32 @!p0 $0xFFFFF086;
	s6 =	sadd.s32 @!p0 s3, s7;
	s7 =	simm.s32 @!p0 $0x108  }
0x21: {  	s3 =	sadd.s32 s3, s9;
	s6 =	sadd.s32 @!p0 $0x88, s6;
	s7 =	simm.s32 @p2 $0x1082  }
0x22: {  	[simem:s7], [sflag:s8] =	dma.local @!p0 [hbm:s6], $0xF7A  }
0x23: {  	s9 =	sor.u32 $0xD0000000, s2;
	s6 =	simm.s32 $0x108;
	_ =	swait.ge @!p0 [sflag:s8], $0x0  }
0x24: {  	s3 =	sadd.s32 $0x88, s3;
	s6 =	simm.s32 @!p1 $0x1082;
	[sflag:s4] =	ssyncset.s32 $0xFFFFF086  }
0x25: {  	[simem:s6], [sflag:s4] =	dma.local [hbm:s3], $0xF7A  }
0x26: {  	[smem:$0x3F9B] =	sst s1;
	(tag) =	ssettag s2;
	_ =	strace s9  }
0x27: {  	s1 =	sld [smem:$0x3FAB]  }
0x28: {  	s2 =	sld [smem:$0x3FAC]  }
0x29: {  	s4 =	sld [smem:$0x3FAE]  }
0x2a: {  	p0 =	seq.s32 s5, $0x0;
	s5 =	sld [smem:$0x3FAF]  }
0x2b: {  	s6 =	sld [smem:$0x3FB0]  }
0x2c: {  	s7 =	sld [smem:$0x3FB1]  }
0x2d: {  	s3 =	simm.s32 $0x108;
	s8 =	sld [smem:$0x3FB2]  }
0x2e: {  	s3 =	simm.s32 @!p0 $0x1082;
	s9 =	sld [smem:$0x3FB3]  }
0x2f: {  	lr =	sadd.s32 s0, s3;
	s0 =	sld [smem:$0x3FAA]  }
0x30: {  	s3 =	sld [smem:$0x3FAD]  }
0x31: {  	[smem:$0x3FB6] =	sst s10  }
0x32: {  	s10 =	sld [smem:$0x3FB4];
	_ =	sdelay $0x3  }
0x33: {  	p0 =	seq.s32 s10, $0x1;
	s10 =	sld [smem:$0x3FB6];
	_ =	sdelay $0x3  }
0x34: {  	[smem:$0x3FB6] =	sst s10  }
0x35: {  	s10 =	sld [smem:$0x3FB5];
	_ =	sdelay $0x3  }
0x36: {  	p1 =	seq.s32 s10, $0x1;
	s10 =	sld [smem:$0x3FB6];
	_ =	sdelay $0x3  }
0x37: {  	[smem:$0x3FB6] =	sst s10  }
0x38: {  	s10 =	sld [smem:$0x3FB7]  }
0x39: {  	_ = 	snop;
	(pc) =	sbr.ind lr, $3  }
0x3a: {  	_ = 	snop  }
0x3b: {  	_ = 	snop  }
0x3c: {  	p2 =	seq.s32 s10, $0x1;
	s10 =	sld [smem:$0x3FB6]  }
0x3d: {  	_ =	shalt  }
0x3e: {  	_ =	shalt  }
0x3f: {  	_ =	shalt  }
0x40: {  	_ =	shalt  }
0x41: {  	_ =	shalt  }
0x42: {  	_ =	shalt  }
0x43: {  	_ =	shalt  }
0x44: {  	_ =	shalt  }
0x45: {  	_ =	shalt  }
0x46: {  	_ =	shalt  }
0x47: {  	_ =	shalt  }
0x48: {  	_ =	shalt  }
0x49: {  	_ =	shalt  }
0x4a: {  	_ =	shalt  }
0x4b: {  	_ =	shalt  }
0x4c: {  	_ =	shalt  }
0x4d: {  	_ =	shalt  }
0x4e: {  	_ =	shalt  }
0x4f: {  	_ =	shalt  }
0x50: {  	_ =	shalt  }
0x51: {  	_ =	shalt  }
0x52: {  	_ =	shalt  }
0x53: {  	_ =	shalt  }
0x54: {  	_ =	shalt  }
0x55: {  	_ =	shalt  }
0x56: {  	_ =	shalt  }
0x57: {  	_ =	shalt  }
0x58: {  	_ =	shalt  }
0x59: {  	_ =	shalt  }
0x5a: {  	_ =	shalt  }
0x5b: {  	_ =	shalt  }
0x5c: {  	_ =	shalt  }
0x5d: {  	_ =	shalt  }
0x5e: {  	_ =	shalt  }
0x5f: {  	_ =	shalt  }
0x60: {  	_ =	shalt  }
0x61: {  	_ =	shalt  }
0x62: {  	_ =	shalt  }
0x63: {  	_ =	shalt  }
0x64: {  	_ =	shalt  }
0x65: {  	_ =	shalt  }
0x66: {  	_ =	shalt  }
0x67: {  	_ =	shalt  }
0x68: {  	_ =	shalt  }
0x69: {  	_ =	shalt  }
0x6a: {  	_ =	shalt  }
0x6b: {  	_ =	shalt  }
0x6c: {  	_ =	shalt  }
0x6d: {  	_ =	shalt  }
0x6e: {  	_ =	shalt  }
0x6f: {  	_ =	shalt  }
0x70: {  	_ =	shalt  }
0x71: {  	_ =	shalt  }
0x72: {  	_ =	shalt  }
0x73: {  	_ =	shalt  }
0x74: {  	_ =	shalt  }
0x75: {  	_ =	shalt  }
0x76: {  	_ =	shalt  }
0x77: {  	_ =	shalt  }
0x78: {  	_ =	shalt  }
0x79: {  	_ =	shalt  }
0x7a: {  	_ =	shalt  }
0x7b: {  	_ =	shalt  }
0x7c: {  	_ =	shalt  }
0x7d: {  	_ =	shalt  }
0x7e: {  	_ =	shalt  }
0x7f: {  	_ =	shalt  }
0x80: {  	_ =	shalt  }
0x81: {  	_ =	shalt  }
0x82: {  	_ =	shalt  }
0x83: {  	_ =	shalt  }
0x84: {  	_ =	shalt  }
0x85: {  	_ =	shalt  }
0x86: {  	_ =	shalt  }
0x87: {  	_ =	shalt  }
.Lfunc_end0:
.L_simem_size_0:
called_computation.1_lowered:
.L_overlay_start_0:
0x88: {  	s2 =	sld [smem:$0x3FD9]  }
0x89: {  	s3 =	sld [smem:$0x3FFE];
	_ =	sdelay $0x1  }
0x8a: {  	s1 =	srdreg.scid  }
0x8b: {  	s0 =	sand.u32 $0x1, s1  }
0x8c: {  	s14 =	sshll.u32 s0, $0xA;
	s2 =	sadd.s32 s3, s2  }
0x8d: {  	s2 =	sadd.s32 s2, s14  }
0x8e: {  	[smem:$0x3FC2] =	sst s2  }
0x8f: {  	_ = 	snop  }
0x90: {  	s2 =	sld [smem:$0x3FD0];
	_ =	sdelay $0x2  }
0x91: {  	s15 =	simm.s32 $0xA;
	s4 =	simm.s32 $0x10  }
0x92: {  	[smem:s4], [sflag:s15] =	dma.local [hbm:s2], $0x1  }
0x93: {  	_ =	swait.eq [sflag:s15], $0x1  }
0x94: {  	[sflag:s15] =	ssyncset.done $0x0  }
0x95: {  	s16 =	sld [smem:$0x10];
	[sflag:s15] =	ssyncadd.s32 $0xFFFFFFFF  }
0x96: {  	s17 =	sld [smem:$0x11];
	(tm) =	ssettm $0x1  }
0x97: {  	s18 =	sld [smem:$0x3FFB];
	_ =	sdelay $0x3  }
0x98: {  	_ =	strace s18  }
0x99: {  	s4 =	sld [smem:$0x3FFC];
	_ =	sdelay $0x3  }
0x9a: {  	_ =	strace s4  }
0x9b: {  	s4 =	sld [smem:$0x3FFD];
	_ =	sdelay $0x3  }
0x9c: {  	_ =	strace s4  }
0x9d: {  	_ =	strace $0x8FFFFFFF  }
0x9e: {  	s19 =	sld [smem:$0x3FDB];
	_ =	sdelay $0x1  }
0x9f: {  	s5 =	simm.s32 $_scs_section_size  }
0xa0: {  	s6 =	simm.s32 $_size__tile_overlayer_lowered;
	s7 =	simm.s32 $_tile_overlayer_lowered  }
0xa1: {  	s22 =	simm.s32 $0x1BFF;
	s21 =	sshll.u32 s7, $0x1;
	s4 =	sadd.s32 s5, s19  }
0xa2: {  	s8 =	simm.s32 $0x0;
	s20 =	sshll.u32 s6, $0x1;
	s6 =	sadd.s32 s21, s4  }
0xa3: {  	[timem:s8], [sflag:s22] =	dma.local [hbm:s6], s20  }
0xa4: {  	_ =	swait.ge [sflag:s22], s20  }
0xa5: {  	s5 =	ssub.s32 $0x0, s20;
	[sflag:s22] =	ssyncset.done $0x0  }
0xa6: {  	[sflag:s22] =	ssyncadd.s32 s5;
	_ =	sdelay $0x1  }
0xa7: {  	s23 =	simm.s32 $0x1B8B  }
0xa8: {  	_ =	swait.ge [sflag:s23], $0x1  }
0xa9: {  	[sflag:s23] =	ssyncset.done $0x0  }
0xaa: {  	s25 =	simm.s32 $0x1B8E;
	s24 =	sld [smem:$0x3FFE];
	[sflag:s23] =	ssyncadd.s32 $0xFFFFFFFF  }
0xab: {  	s26 =	simm.s32 $execute0_lowered;
	[smem:$0x3FD2] =	sst s25  }
0xac: {  	s6 =	sshll.u32 s26, $0x1;
	_ =	strace $0x80000049;
	[dreg:$0x1] =	wrdreg $0xFFFFFFFF  }
0xad: {  	s28 =	simm.s32 $_size_execute0_lowered;
	s4 =	sadd.s32 s4, s6;
	[dreg:$0x0] =	wrdreg $0x0  }
0xae: {  	s6 =	sshll.u32 s28, $0x1;
	[dreg:$0x2] =	wrdreg s4  }
0xaf: {  	[dreg:$0x3] =	wrdreg s6  }
0xb0: {  	[dreg:$0x4] =	wrdreg $0xC0  }
0xb1: {  	_ =	task [dreg:s8], $0x5FFFF  }
0xb2: {  	[dreg:$0x1] =	wrdreg $0xFFFFFFFF  }
0xb3: {  	[dreg:$0x0] =	wrdreg $0x60  }
0xb4: {  	[dreg:$0x2] =	wrdreg s24  }
0xb5: {  	[dreg:$0x3] =	wrdreg s17  }
0xb6: {  	[dreg:$0x4] =	wrdreg s16  }
0xb7: {  	[dreg:$0x5] =	wrdreg $0x80000  }
0xb8: {  	[dreg:$0x6] =	wrdreg $0x9  }
0xb9: {  	_ =	task.clear_ibuf [dreg:s8], $0x7FFFF;
	_ =	strace $0x90000049  }
0xba: {  	s29 =	simm.s32 $0x9;
	_ =	strace $0x8000004B  }
0xbb: {  	_ =	swait.ge [sflag:s29], $0x1  }
0xbc: {  	[sflag:s29] =	ssyncadd.s32 $0xFFFFFFFF  }
0xbd: {  	_ =	strace $0x9000004B  }
0xbe: {  	_ =	sfence  }
0xbf: {  	s30 =	sld [smem:$0x0];
	_ =	sdelay $0x2  }
0xc0: {  	s31 =	sshll.u32 s1, $0xD;
	s1 =	sshrl.u32 s1, $0x2  }
0xc1: {  	s3 =	sand.u32 $0x4000, s31;
	s1 =	sadd.s32 s1, s30  }
0xc2: {  	s0 =	sor.u32 s3, s0;
	s1 =	sshll.u32 s1, $0x11  }
0xc3: {  	s0 =	sor.u32 s1, s0  }
0xc4: {  	s0 =	sadd.s32 $0x8F2B, s0  }
0xc5: {  	[sflag:s0] =	ssyncadd.remote.s32 $0x1  }
0xc6: {  	_ =	sfence.sel $0xFFFF  }
0xc7: {  	[dreg:$0x0] =	wrdreg $0xFFFFFFFF;
	(pc) =	sbr.abs _section_cstart, $3  }
0xc8: {  	[dreg:$0x1] =	wrdreg $0xFFFFFFFF  }
0xc9: {  	_ =	task.clear_ibuf [dreg:s8], $0x2FFFF;
	_ =	strace $0x9FFFFFFF  }
0xca: {  	(tm) =	ssettm $0x7FFFFFFF  }
0xcb: {  	_ =	shalt  }
tec
execute0_lowered:
.L_overlay_start_1:
0x0: {  	(tag) =	ssettag $0x1  }
0x1: {  	s5 =	rddreg [dreg:$0x0]  }
0x2: {  	s8 =	rddreg [dreg:$0x1]  }
0x3: {  	s9 =	rddreg [dreg:$0x2]  }
0x4: {  	s2 =	rddreg [dreg:$0x3]  }
0x5: {  	s0 =	srdreg.scid;
	s1 =	rddreg [dreg:$0x4];
	s3 =	simm.s32 $0x0  }
0x6: {  	s11 =	simm.s32 $0x7;
	s17 =	simm.s32 $0x1C000;
	s18 =	simm.s32 $0x3  }
0x7: {  	s19 =	simm.s32 $0x2;
	s6 =	sand.u32 $0x1, s0;
	s0 =	stileid.u32  }
0x8: {  	s20 =	simm.s32 $0x1;
	[smem:$0x7FF] =	sst s3;
	s4 =	smul.u32 $0x140000, s6  }
0x9: {  	s7 =	smul.u32 $0x14000, s0;
	_ =	strace $0x8000004A;
	s10 =	ssub.s32 $0x2, s6  }
0xa: {  	p0 =	seq.s32 s6, $0x0;
	s30 =	smul.u32 $0x50000, s0;
	s31 =	sshll.u32 s6, $0xF  }
0xb: {  	s6 =	simm.s32 $0x80;
	s28 =	sshrl.u32 s10, $0x1;
	s11 =	simm.s32 @!p0 $0x5  }
0xc: {  	s6 =	simm.s32 @!p0 $0x20;
	s7 =	sadd.s32 s7, s4;
	s4 =	sadd.s32 $0x3400, s5  }
0xd: {  	s13 =	ssub.s32 s10, s28;
	s29 =	sshll.u32 s0, s11;
	s7 =	sshrl.u32 s7, $0x3  }
0xe: {  	s10 =	sshrl.u32 s30, $0x2;
	s12 =	sadd.s32 s7, s5;
	s7 =	sshll.u32 s29, $0x4  }
0xf: {  	s5 =	simm.s32 $0x80;
	s11 =	sor.u32 s31, s7;
	s7 =	sadd.s32 s10, s2  }
0x10: {  	s10 =	sadd.s32 $0xFFFFFFFF, s6;
	s8 =	sadd.s32 s8, s11;
	s9 =	sadd.s32 s9, s11  }
0x11: {  	s11 =	sadd.s32 $0x2B400, s12;
	s12 =	smax.u32 s13, $0x1;
	s13 =	sadd.s32 $0x4000, s7  }
0x12: {  	v0 =	vimm.f32 $0.0e+00;
	s14 =	sadd.s32 $0x8000, s7;
	s15 =	sadd.s32 $0xC000, s7;
	s16 =	sadd.s32 $0x10000, s7  }
.LBB2_1:
0x13: {  	s21 =	simm.s32 $0x0;
	s22 =	simm.s32 $0x200  }
.LBB2_2:
0x14: {  	p0 =	sne.s32 s22, $0xFE00;
	[tilespmem:s21+$0x1C070] =	vst v0  }
0x15: {  	[tilespmem:s21+$0x1C000] =	vst v0  }
0x16: {  	[tilespmem:s21+$0x1C010] =	vst v0  }
.Ltmp0:
0x17: {  	[tilespmem:s21+$0x1C020] =	vst v0;
	(pc) =	sbr.rel @p0 .LBB2_2-.Ltmp0, $4  }
0x18: {  	[tilespmem:s21+$0x1C030] =	vst v0  }
0x19: {  	[tilespmem:s21+$0x1C040] =	vst v0  }
0x1a: {  	[tilespmem:s21+$0x1C050] =	vst v0  }
0x1b: {  	[tilespmem:s21+$0x1C060] =	vst v0;
	s21 =	sshra.s32 s22, $0x2;
	s22 =	sadd.s32 $0x200, s22  }
0x1c: {  	[tilespmem:s21+$0x1C070] =	vst v0  }
0x1d: {  	[tilespmem:s21+$0x1C000] =	vst v0  }
0x1e: {  	[tilespmem:s21+$0x1C010] =	vst v0  }
0x1f: {  	[tilespmem:s21+$0x1C020] =	vst v0  }
0x20: {  	[tilespmem:s21+$0x1C030] =	vst v0  }
0x21: {  	[tilespmem:s21+$0x1C040] =	vst v0  }
0x22: {  	[tilespmem:s21+$0x1C050] =	vst v0  }
0x23: {  	[tilespmem:s21+$0x1C060] =	vst v0  }
0x24: {  	[spmem:s7] =	stream.linear.scatter [tilespmem:s17], [sflag:$0x3], $0x4000, $0x38;
	v63 =	vld [tilespmem:$0x0]  }
0x25: {  	_ =	swait.ge [sflag:s18], $0x4000  }
0x26: {  	[sflag:s18] =	ssyncset.done $0x0  }
0x27: {  	[sflag:s18] =	ssyncadd.s32 $0xFFFFC000  }
0x28: {  	[spmem:s13] =	stream.linear.scatter [tilespmem:s17], [sflag:$0x3], $0x4000, $0x38;
	v63 =	vld [tilespmem:$0x0]  }
0x29: {  	_ =	swait.ge [sflag:s18], $0x4000  }
0x2a: {  	[sflag:s18] =	ssyncset.done $0x0  }
0x2b: {  	[sflag:s18] =	ssyncadd.s32 $0xFFFFC000  }
0x2c: {  	[spmem:s14] =	stream.linear.scatter [tilespmem:s17], [sflag:$0x3], $0x4000, $0x38;
	v63 =	vld [tilespmem:$0x0]  }
0x2d: {  	_ =	swait.ge [sflag:s18], $0x4000  }
0x2e: {  	[sflag:s18] =	ssyncset.done $0x0  }
0x2f: {  	[sflag:s18] =	ssyncadd.s32 $0xFFFFC000  }
0x30: {  	[spmem:s15] =	stream.linear.scatter [tilespmem:s17], [sflag:$0x3], $0x4000, $0x38;
	v63 =	vld [tilespmem:$0x0]  }
0x31: {  	_ =	swait.ge [sflag:s18], $0x4000  }
0x32: {  	[sflag:s18] =	ssyncset.done $0x0  }
0x33: {  	[sflag:s18] =	ssyncadd.s32 $0xFFFFC000  }
0x34: {  	[spmem:s16] =	stream.linear.scatter [tilespmem:s17], [sflag:$0x3], $0x4000, $0x38;
	v63 =	vld [tilespmem:$0x0]  }
0x35: {  	_ =	swait.ge [sflag:s18], $0x4000  }
0x36: {  	[sflag:s18] =	ssyncset.done $0x0  }
0x37: {  	s31 =	simm.s32 $0x0;
	[sflag:s18] =	ssyncadd.s32 $0xFFFFC000  }
0x38: {  	[tilespmem:s31], [sflag:$0x2] =	stream.linear.gather [hbm4b:s8+s31], $0x4000, $0x38;
	v63 =	vld [tilespmem:$0x0]  }
0x39: {  	_ =	swait.ge [sflag:s19], $0x4000  }
0x3a: {  	[sflag:s19] =	ssyncset.done $0x0  }
0x3b: {  	s23 =	simm.s32 $0x4000;
	[sflag:s19] =	ssyncadd.s32 $0xFFFFC000  }
0x3c: {  	[tilespmem:s23], [sflag:$0x2] =	stream.linear.gather [hbm4b:s9+s31], $0x4000, $0x38;
	v63 =	vld [tilespmem:$0x0]  }
0x3d: {  	_ =	swait.ge [sflag:s19], $0x4000  }
0x3e: {  	[sflag:s19] =	ssyncset.done $0x0  }
0x3f: {  	[sflag:s19] =	ssyncadd.s32 $0xFFFFC000  }
0x40: {  	s22 =	simm.s32 $0x80;
	[bflag:$0x0] =	sbarrier.arrive $0xFFFF  }
0x41: {  	[tilespmem:s17], [sflag:$0x1] =	stream.indirect.gather [hbm4b:s4+s22], $0x80, s31, s22, $0xb8;
	v63 =	vld [tilespmem:$0x0]  }
0x42: {  	_ =	swait.ge [sflag:s20], $0x4000  }
0x43: {  	p1 =	sne.s32 s6, $0x1;
	[sflag:s20] =	ssyncset.done $0x0  }
.Ltmp1:
0x44: {  	[sflag:s20] =	ssyncadd.s32 $0xFFFFC000;
	(pc) =	sbr.rel @!p1 .LBB2_5-.Ltmp1, $4  }
0x45: {  	[spmem:s2] =	stream.indirect.scatter.add.f32 [tilespmem:s17], [sflag:$0x3], $0x80, s23, s5, $0xb8;
	v63 =	vld [tilespmem:$0x0]  }
0x46: {  	s21 =	simm.s32 $0x1;
	p0 =	sle.s32 s10, $0x0;
	_ =	swait.ge [sflag:s18], $0x4000  }
0x47: {  	s24 =	simm.s32 $0x100;
	s25 =	simm.s32 @!p0 $0x80;
	[sflag:s18] =	ssyncset.done $0x0  }
0x48: {  	s26 =	simm.s32 @!p0 $0x1C000;
	s23 =	simm.s32 $0x4080;
	[sflag:s18] =	ssyncadd.s32 $0xFFFFC000  }
.LBB2_4:
0x49: {  	[tilespmem:s26], [sflag:$0x1] =	stream.indirect.gather @!p0 [hbm4b:s4+s25], $0x80, s22, s25, $0xb8;
	v63 =	vld [tilespmem:$0x0]  }
0x4a: {  	s25 =	smov.u32 s21;
	s21 =	sadd.s32 $0x1, s21;
	_ =	swait.ge [sflag:s20], $0x4000  }
0x4b: {  	s22 =	smov.u32 s24;
	p1 =	sne.s32 s6, s21;
	[sflag:s20] =	ssyncset.done $0x0  }
.Ltmp2:
0x4c: {  	[sflag:s20] =	ssyncadd.s32 $0xFFFFC000;
	(pc) =	sbr.rel @p1 .LBB2_4-.Ltmp2, $4  }
0x4d: {  	[spmem:s2] =	stream.indirect.scatter.add.f32 [tilespmem:s17], [sflag:$0x3], $0x80, s23, s5, $0xb8;
	v63 =	vld [tilespmem:$0x0]  }
0x4e: {  	s23 =	sadd.s32 $0x80, s23;
	_ =	swait.ge [sflag:s18], $0x4000  }
0x4f: {  	s24 =	sadd.s32 $0x80, s24;
	p0 =	sge.s32 s25, s10;
	[sflag:s18] =	ssyncset.done $0x0  }
0x50: {  	s25 =	simm.s32 @!p0 $0x80;
	s26 =	simm.s32 @!p0 $0x1C000;
	[sflag:s18] =	ssyncadd.s32 $0xFFFFC000  }
.LBB2_5:
0x51: {  	[tilespmem:s26], [sflag:$0x1] =	stream.indirect.gather @!p0 [hbm4b:s4+s25], $0x80, s22, s25, $0xb8;
	v63 =	vld [tilespmem:$0x0]  }
0x52: {  	s3 =	sadd.s32 $0x1, s3  }
0x53: {  	s21 =	sshll.u32 s0, $0x6;
	s31 =	sshrl.u32 s7, $0x3;
	p0 =	sne.s32 s3, s12  }
.Ltmp3:
0x54: {  	[bflag:$0x0] =	sbarrier.arrive $0xFFFF;
	s21 =	sor.u32 $0x1C03, s21;
	(pc) =	sbr.rel @p0 .LBB2_1-.Ltmp3, $4  }
0x55: {  	[hbm:s11], [sflag:s21] =	dma.local [spmem:s31], $0x2800  }
0x56: {  	_ =	swait.ge [sflag:s18], $0x2800  }
0x57: {  	[sflag:s18] =	ssyncset.done $0x0  }
0x58: {  	[sflag:s18] =	ssyncadd.s32 $0xFFFFD800  }
0x59: {  	_ =	sfence.sel $0x180000  }
0x5a: {  	[bflag:$0x0] =	sbarrier.arrive $0xFFFF  }
0x5b: {  	p0 =	sne.s32 s0, $0x0;
	_ =	strace $0x9000004A  }
0x5c: {  	s0 =	sadd.s32 @!p0 $0x100000, s1;
	[bflag:$0x2] =	sbarrier.arrive $0xFFFF  }
0x5d: {  	[sflag:s0] =	ssyncadd.tile.s32 @!p0 $0x1;
	_ =	shalt  }
.Lfunc_end2:
_tile_overlayer_lowered:
.L_overlay_start_2:
0x5e: {  	(tag) =	ssettag $0x2  }
0x5f: {  	s0 =	rddreg [dreg:$0x0];
	s2 =	stileid.u32  }
0x60: {  	s1 =	rddreg [dreg:$0x1];
	p0 =	sne.s32 s2, $0x0  }
0x61: {  	s3 =	rddreg [dreg:$0x2];
	[bflag:$0x3] =	sbarrier.arrive $0xFFFF;
	s2 =	simm.s32 @!p0 $0x1C03  }
0x62: {  	[timem:s3], [sflag:s2] =	dma.local @!p0 [hbm:s0], s1  }
0x63: {  	s0 =	simm.s32 @!p0 $0x3  }
0x64: {  	_ =	swait.ge @!p0 [sflag:s0], s1  }
0x65: {  	s1 =	ssub.s32 @!p0 $0x0, s1;
	[sflag:s0] =	ssyncset.done @!p0 $0x0  }
0x66: {  	[sflag:s0] =	ssyncadd.s32 @!p0 s1  }
0x67: {  	[bflag:$0x3] =	sbarrier.arrive $0xFFFF  }
0x68: {  	_ =	shalt  }

// kernel: kernel.18.cloned.1.call-start
scs
__scs_entry_jumppad:
0x0: {  	(pc) =	sbr.rel $0x88, $3  }
0x1: {  	(tag) =	ssettag $0x0;
	lr =	simm.s32 $0x1  }
0x2: {  	[smem:$0x3F9B] =	sst lr;
	_ =	strace $0xD0000000  }
0x3: {  	_ = 	snop  }
0x4: {  	_ = 	snop  }
0x5: {  	_ = 	snop  }
0x6: {  	_ = 	snop  }
0x7: {  	_ = 	snop  }
__scs_overlays_trampoline_lowered:
0x8: {  	[smem:$0x3FAA] =	sst s0  }
0x9: {  	[smem:$0x3FAB] =	sst s1  }
0xa: {  	[smem:$0x3FAC] =	sst s2  }
0xb: {  	[smem:$0x3FAD] =	sst s3  }
0xc: {  	[smem:$0x3FAE] =	sst s4  }
0xd: {  	[smem:$0x3FAF] =	sst s5  }
0xe: {  	[smem:$0x3FB0] =	sst s6  }
0xf: {  	[smem:$0x3FB1] =	sst s7  }
0x10: {  	[smem:$0x3FB2] =	sst s8  }
0x11: {  	[smem:$0x3FB3] =	sst s9;
	s0 =	simm.s32 @!p0 $0x0  }
0x12: {  	s1 =	sld [smem:$0x3F99];
	s0 =	simm.s32 @p0 $0x1  }
0x13: {  	[smem:$0x3FB4] =	sst s0;
	s0 =	simm.s32 @!p1 $0x0  }
0x14: {  	s2 =	sld [smem:$0x3F98];
	s0 =	simm.s32 @p1 $0x1  }
0x15: {  	[smem:$0x3FB5] =	sst s0;
	s0 =	simm.s32 @!p2 $0x0  }
0x16: {  	s3 =	sld [smem:$0x3FDB];
	s0 =	simm.s32 @p2 $0x1  }
0x17: {  	s4 =	simm.s32 $0x1BF5;
	[smem:$0x3FB7] =	sst s0  }
0x18: {  	s0 =	sld [smem:$0x3F9A];
	_ =	swait.ge [sflag:s4], $0x0  }
0x19: {  	s7 =	sld [smem:$0x3F9B]  }
0x1a: {  	s8 =	sadd.s32 $0xFFFFE003, lr  }
0x1b: {  	s9 =	sadd.s32 $0xFFFFFEF7, lr;
	s5 =	simm.s32 $0xFFFFFFFF;
	p2 =	slt.u32 s8, $0xFFFFF086  }
0x1c: {  	p1 =	slt.u32 s9, $0xF7A;
	s5 =	simm.s32 @!p2 $0x0  }
0x1d: {  	s5 =	simm.s32 @p1 $0x1;
	p0 =	seq.s32 s7, s2  }
0x1e: {  	s7 =	smul.u32 @!p0 $0xF7A, s2;
	p2 =	seq.s32 @!p0 s5, $0x0  }
0x1f: {  	s9 =	smul.u32 $0xF7A, s1;
	s8 =	simm.s32 @!p0 $0x1BF5;
	p2 =	por !p2, p0  }
0x20: {  	[sflag:s8] =	ssyncset.s32 @!p0 $0xFFFFF086;
	s6 =	sadd.s32 @!p0 s3, s7;
	s7 =	simm.s32 @!p0 $0x108  }
0x21: {  	s3 =	sadd.s32 s3, s9;
	s6 =	sadd.s32 @!p0 $0x88, s6;
	s7 =	simm.s32 @p2 $0x1082  }
0x22: {  	[simem:s7], [sflag:s8] =	dma.local @!p0 [hbm:s6], $0xF7A  }
0x23: {  	s9 =	sor.u32 $0xD0000000, s2;
	s6 =	simm.s32 $0x108;
	_ =	swait.ge @!p0 [sflag:s8], $0x0  }
0x24: {  	s3 =	sadd.s32 $0x88, s3;
	s6 =	simm.s32 @!p1 $0x1082;
	[sflag:s4] =	ssyncset.s32 $0xFFFFF086  }
0x25: {  	[simem:s6], [sflag:s4] =	dma.local [hbm:s3], $0xF7A  }
0x26: {  	[smem:$0x3F9B] =	sst s1;
	(tag) =	ssettag s2;
	_ =	strace s9  }
0x27: {  	s1 =	sld [smem:$0x3FAB]  }
0x28: {  	s2 =	sld [smem:$0x3FAC]  }
0x29: {  	s4 =	sld [smem:$0x3FAE]  }
0x2a: {  	p0 =	seq.s32 s5, $0x0;
	s5 =	sld [smem:$0x3FAF]  }
0x2b: {  	s6 =	sld [smem:$0x3FB0]  }
0x2c: {  	s7 =	sld [smem:$0x3FB1]  }
0x2d: {  	s3 =	simm.s32 $0x108;
	s8 =	sld [smem:$0x3FB2]  }
0x2e: {  	s3 =	simm.s32 @!p0 $0x1082;
	s9 =	sld [smem:$0x3FB3]  }
0x2f: {  	lr =	sadd.s32 s0, s3;
	s0 =	sld [smem:$0x3FAA]  }
0x30: {  	s3 =	sld [smem:$0x3FAD]  }
0x31: {  	[smem:$0x3FB6] =	sst s10  }
0x32: {  	s10 =	sld [smem:$0x3FB4];
	_ =	sdelay $0x3  }
0x33: {  	p0 =	seq.s32 s10, $0x1;
	s10 =	sld [smem:$0x3FB6];
	_ =	sdelay $0x3  }
0x34: {  	[smem:$0x3FB6] =	sst s10  }
0x35: {  	s10 =	sld [smem:$0x3FB5];
	_ =	sdelay $0x3  }
0x36: {  	p1 =	seq.s32 s10, $0x1;
	s10 =	sld [smem:$0x3FB6];
	_ =	sdelay $0x3  }
0x37: {  	[smem:$0x3FB6] =	sst s10  }
0x38: {  	s10 =	sld [smem:$0x3FB7]  }
0x39: {  	_ = 	snop;
	(pc) =	sbr.ind lr, $3  }
0x3a: {  	_ = 	snop  }
0x3b: {  	_ = 	snop  }
0x3c: {  	p2 =	seq.s32 s10, $0x1;
	s10 =	sld [smem:$0x3FB6]  }
0x3d: {  	_ =	shalt  }
0x3e: {  	_ =	shalt  }
0x3f: {  	_ =	shalt  }
0x40: {  	_ =	shalt  }
0x41: {  	_ =	shalt  }
0x42: {  	_ =	shalt  }
0x43: {  	_ =	shalt  }
0x44: {  	_ =	shalt  }
0x45: {  	_ =	shalt  }
0x46: {  	_ =	shalt  }
0x47: {  	_ =	shalt  }
0x48: {  	_ =	shalt  }
0x49: {  	_ =	shalt  }
0x4a: {  	_ =	shalt  }
0x4b: {  	_ =	shalt  }
0x4c: {  	_ =	shalt  }
0x4d: {  	_ =	shalt  }
0x4e: {  	_ =	shalt  }
0x4f: {  	_ =	shalt  }
0x50: {  	_ =	shalt  }
0x51: {  	_ =	shalt  }
0x52: {  	_ =	shalt  }
0x53: {  	_ =	shalt  }
0x54: {  	_ =	shalt  }
0x55: {  	_ =	shalt  }
0x56: {  	_ =	shalt  }
0x57: {  	_ =	shalt  }
0x58: {  	_ =	shalt  }
0x59: {  	_ =	shalt  }
0x5a: {  	_ =	shalt  }
0x5b: {  	_ =	shalt  }
0x5c: {  	_ =	shalt  }
0x5d: {  	_ =	shalt  }
0x5e: {  	_ =	shalt  }
0x5f: {  	_ =	shalt  }
0x60: {  	_ =	shalt  }
0x61: {  	_ =	shalt  }
0x62: {  	_ =	shalt  }
0x63: {  	_ =	shalt  }
0x64: {  	_ =	shalt  }
0x65: {  	_ =	shalt  }
0x66: {  	_ =	shalt  }
0x67: {  	_ =	shalt  }
0x68: {  	_ =	shalt  }
0x69: {  	_ =	shalt  }
0x6a: {  	_ =	shalt  }
0x6b: {  	_ =	shalt  }
0x6c: {  	_ =	shalt  }
0x6d: {  	_ =	shalt  }
0x6e: {  	_ =	shalt  }
0x6f: {  	_ =	shalt  }
0x70: {  	_ =	shalt  }
0x71: {  	_ =	shalt  }
0x72: {  	_ =	shalt  }
0x73: {  	_ =	shalt  }
0x74: {  	_ =	shalt  }
0x75: {  	_ =	shalt  }
0x76: {  	_ =	shalt  }
0x77: {  	_ =	shalt  }
0x78: {  	_ =	shalt  }
0x79: {  	_ =	shalt  }
0x7a: {  	_ =	shalt  }
0x7b: {  	_ =	shalt  }
0x7c: {  	_ =	shalt  }
0x7d: {  	_ =	shalt  }
0x7e: {  	_ =	shalt  }
0x7f: {  	_ =	shalt  }
0x80: {  	_ =	shalt  }
0x81: {  	_ =	shalt  }
0x82: {  	_ =	shalt  }
0x83: {  	_ =	shalt  }
0x84: {  	_ =	shalt  }
0x85: {  	_ =	shalt  }
0x86: {  	_ =	shalt  }
0x87: {  	_ =	shalt  }
.Lfunc_end0:
.L_simem_size_0:
called_computation.2_lowered:
.L_overlay_start_0:
0x88: {  	s2 =	sld [smem:$0x3FD9]  }
0x89: {  	s3 =	sld [smem:$0x3FFE];
	_ =	sdelay $0x1  }
0x8a: {  	s1 =	srdreg.scid  }
0x8b: {  	s0 =	sand.u32 $0x1, s1  }
0x8c: {  	s14 =	sshll.u32 s0, $0xA;
	s2 =	sadd.s32 s3, s2  }
0x8d: {  	s2 =	sadd.s32 s2, s14  }
0x8e: {  	[smem:$0x3FC2] =	sst s2  }
0x8f: {  	_ = 	snop  }
0x90: {  	s2 =	sld [smem:$0x3FD0];
	_ =	sdelay $0x2  }
0x91: {  	s15 =	simm.s32 $0xA;
	s4 =	simm.s32 $0x10  }
0x92: {  	[smem:s4], [sflag:s15] =	dma.local [hbm:s2], $0x1  }
0x93: {  	_ =	swait.eq [sflag:s15], $0x1  }
0x94: {  	[sflag:s15] =	ssyncset.done $0x0  }
0x95: {  	s16 =	sld [smem:$0x10];
	[sflag:s15] =	ssyncadd.s32 $0xFFFFFFFF  }
0x96: {  	s17 =	sld [smem:$0x11];
	(tm) =	ssettm $0x1  }
0x97: {  	s18 =	sld [smem:$0x3FFB];
	_ =	sdelay $0x3  }
0x98: {  	_ =	strace s18  }
0x99: {  	s4 =	sld [smem:$0x3FFC];
	_ =	sdelay $0x3  }
0x9a: {  	_ =	strace s4  }
0x9b: {  	s4 =	sld [smem:$0x3FFD];
	_ =	sdelay $0x3  }
0x9c: {  	_ =	strace s4  }
0x9d: {  	_ =	strace $0x8FFFFFFF  }
0x9e: {  	s19 =	sld [smem:$0x3FDB];
	_ =	sdelay $0x1  }
0x9f: {  	s5 =	simm.s32 $_scs_section_size  }
0xa0: {  	s6 =	simm.s32 $_size__tile_overlayer_lowered;
	s7 =	simm.s32 $_tile_overlayer_lowered  }
0xa1: {  	s22 =	simm.s32 $0x1BFF;
	s21 =	sshll.u32 s7, $0x1;
	s4 =	sadd.s32 s5, s19  }
0xa2: {  	s8 =	simm.s32 $0x0;
	s20 =	sshll.u32 s6, $0x1;
	s6 =	sadd.s32 s21, s4  }
0xa3: {  	[timem:s8], [sflag:s22] =	dma.local [hbm:s6], s20  }
0xa4: {  	_ =	swait.ge [sflag:s22], s20  }
0xa5: {  	s5 =	ssub.s32 $0x0, s20;
	[sflag:s22] =	ssyncset.done $0x0  }
0xa6: {  	[sflag:s22] =	ssyncadd.s32 s5;
	_ =	sdelay $0x1  }
0xa7: {  	s23 =	simm.s32 $0x1B8B  }
0xa8: {  	_ =	swait.ge [sflag:s23], $0x1  }
0xa9: {  	[sflag:s23] =	ssyncset.done $0x0  }
0xaa: {  	s25 =	simm.s32 $0x1B8E;
	s24 =	sld [smem:$0x3FFE];
	[sflag:s23] =	ssyncadd.s32 $0xFFFFFFFF  }
0xab: {  	s26 =	simm.s32 $execute0_lowered;
	[smem:$0x3FD2] =	sst s25  }
0xac: {  	s6 =	sshll.u32 s26, $0x1;
	_ =	strace $0x8000004C;
	[dreg:$0x1] =	wrdreg $0xFFFFFFFF  }
0xad: {  	s28 =	simm.s32 $_size_execute0_lowered;
	s4 =	sadd.s32 s4, s6;
	[dreg:$0x0] =	wrdreg $0x0  }
0xae: {  	s6 =	sshll.u32 s28, $0x1;
	[dreg:$0x2] =	wrdreg s4  }
0xaf: {  	[dreg:$0x3] =	wrdreg s6  }
0xb0: {  	[dreg:$0x4] =	wrdreg $0xC0  }
0xb1: {  	_ =	task [dreg:s8], $0x5FFFF  }
0xb2: {  	[dreg:$0x1] =	wrdreg $0xFFFFFFFF  }
0xb3: {  	[dreg:$0x0] =	wrdreg $0x60  }
0xb4: {  	[dreg:$0x2] =	wrdreg s24  }
0xb5: {  	[dreg:$0x3] =	wrdreg s17  }
0xb6: {  	[dreg:$0x4] =	wrdreg s16  }
0xb7: {  	[dreg:$0x5] =	wrdreg $0x80000  }
0xb8: {  	[dreg:$0x6] =	wrdreg $0x9  }
0xb9: {  	_ =	task.clear_ibuf [dreg:s8], $0x7FFFF;
	_ =	strace $0x9000004C  }
0xba: {  	s29 =	simm.s32 $0x9;
	_ =	strace $0x8000004E  }
0xbb: {  	_ =	swait.ge [sflag:s29], $0x1  }
0xbc: {  	[sflag:s29] =	ssyncadd.s32 $0xFFFFFFFF  }
0xbd: {  	_ =	strace $0x9000004E  }
0xbe: {  	_ =	sfence  }
0xbf: {  	s30 =	sld [smem:$0x0];
	_ =	sdelay $0x2  }
0xc0: {  	s31 =	sshll.u32 s1, $0xD;
	s1 =	sshrl.u32 s1, $0x2  }
0xc1: {  	s3 =	sand.u32 $0x4000, s31;
	s1 =	sadd.s32 s1, s30  }
0xc2: {  	s0 =	sor.u32 s3, s0;
	s1 =	sshll.u32 s1, $0x11  }
0xc3: {  	s0 =	sor.u32 s1, s0  }
0xc4: {  	s0 =	sadd.s32 $0x8F2B, s0  }
0xc5: {  	[sflag:s0] =	ssyncadd.remote.s32 $0x1  }
0xc6: {  	_ =	sfence.sel $0xFFFF  }
0xc7: {  	[dreg:$0x0] =	wrdreg $0xFFFFFFFF;
	(pc) =	sbr.abs _section_cstart, $3  }
0xc8: {  	[dreg:$0x1] =	wrdreg $0xFFFFFFFF  }
0xc9: {  	_ =	task.clear_ibuf [dreg:s8], $0x2FFFF;
	_ =	strace $0x9FFFFFFF  }
0xca: {  	(tm) =	ssettm $0x7FFFFFFF  }
0xcb: {  	_ =	shalt  }
tec
execute0_lowered:
.L_overlay_start_1:
0x0: {  	(tag) =	ssettag $0x1  }
0x1: {  	s5 =	rddreg [dreg:$0x0]  }
0x2: {  	s8 =	rddreg [dreg:$0x1]  }
0x3: {  	s9 =	rddreg [dreg:$0x2]  }
0x4: {  	s2 =	rddreg [dreg:$0x3]  }
0x5: {  	s0 =	srdreg.scid;
	s1 =	rddreg [dreg:$0x4];
	s3 =	simm.s32 $0x0  }
0x6: {  	s11 =	simm.s32 $0x7;
	s17 =	simm.s32 $0x1C000;
	s18 =	simm.s32 $0x3  }
0x7: {  	s19 =	simm.s32 $0x2;
	s6 =	sand.u32 $0x1, s0;
	s0 =	stileid.u32  }
0x8: {  	s20 =	simm.s32 $0x1;
	[smem:$0x7FF] =	sst s3;
	s4 =	smul.u32 $0x140000, s6  }
0x9: {  	s7 =	smul.u32 $0x14000, s0;
	_ =	strace $0x8000004D;
	s10 =	ssub.s32 $0x2, s6  }
0xa: {  	p0 =	seq.s32 s6, $0x0;
	s30 =	smul.u32 $0x50000, s0;
	s31 =	sshll.u32 s6, $0xF  }
0xb: {  	s6 =	simm.s32 $0x80;
	s28 =	sshrl.u32 s10, $0x1;
	s11 =	simm.s32 @!p0 $0x5  }
0xc: {  	s6 =	simm.s32 @!p0 $0x20;
	s7 =	sadd.s32 s7, s4;
	s4 =	sadd.s32 $0x3400, s5  }
0xd: {  	s13 =	ssub.s32 s10, s28;
	s29 =	sshll.u32 s0, s11;
	s7 =	sshrl.u32 s7, $0x3  }
0xe: {  	s10 =	sshrl.u32 s30, $0x2;
	s12 =	sadd.s32 s7, s5;
	s7 =	sshll.u32 s29, $0x4  }
0xf: {  	s5 =	simm.s32 $0x80;
	s11 =	sor.u32 s31, s7;
	s7 =	sadd.s32 s10, s2  }
0x10: {  	s10 =	sadd.s32 $0xFFFFFFFF, s6;
	s8 =	sadd.s32 s8, s11;
	s9 =	sadd.s32 s9, s11  }
0x11: {  	s11 =	sadd.s32 $0x2B400, s12;
	s12 =	smax.u32 s13, $0x1;
	s13 =	sadd.s32 $0x4000, s7  }
0x12: {  	v0 =	vimm.f32 $0.0e+00;
	s14 =	sadd.s32 $0x8000, s7;
	s15 =	sadd.s32 $0xC000, s7;
	s16 =	sadd.s32 $0x10000, s7  }
.LBB2_1:
0x13: {  	s21 =	simm.s32 $0x0;
	s22 =	simm.s32 $0x200  }
.LBB2_2:
0x14: {  	p0 =	sne.s32 s22, $0xFE00;
	[tilespmem:s21+$0x1C070] =	vst v0  }
0x15: {  	[tilespmem:s21+$0x1C000] =	vst v0  }
0x16: {  	[tilespmem:s21+$0x1C010] =	vst v0  }
.Ltmp0:
0x17: {  	[tilespmem:s21+$0x1C020] =	vst v0;
	(pc) =	sbr.rel @p0 .LBB2_2-.Ltmp0, $4  }
0x18: {  	[tilespmem:s21+$0x1C030] =	vst v0  }
0x19: {  	[tilespmem:s21+$0x1C040] =	vst v0  }
0x1a: {  	[tilespmem:s21+$0x1C050] =	vst v0  }
0x1b: {  	[tilespmem:s21+$0x1C060] =	vst v0;
	s21 =	sshra.s32 s22, $0x2;
	s22 =	sadd.s32 $0x200, s22  }
0x1c: {  	[tilespmem:s21+$0x1C070] =	vst v0  }
0x1d: {  	[tilespmem:s21+$0x1C000] =	vst v0  }
0x1e: {  	[tilespmem:s21+$0x1C010] =	vst v0  }
0x1f: {  	[tilespmem:s21+$0x1C020] =	vst v0  }
0x20: {  	[tilespmem:s21+$0x1C030] =	vst v0  }
0x21: {  	[tilespmem:s21+$0x1C040] =	vst v0  }
0x22: {  	[tilespmem:s21+$0x1C050] =	vst v0  }
0x23: {  	[tilespmem:s21+$0x1C060] =	vst v0  }
0x24: {  	[spmem:s7] =	stream.linear.scatter [tilespmem:s17], [sflag:$0x3], $0x4000, $0x38;
	v63 =	vld [tilespmem:$0x0]  }
0x25: {  	_ =	swait.ge [sflag:s18], $0x4000  }
0x26: {  	[sflag:s18] =	ssyncset.done $0x0  }
0x27: {  	[sflag:s18] =	ssyncadd.s32 $0xFFFFC000  }
0x28: {  	[spmem:s13] =	stream.linear.scatter [tilespmem:s17], [sflag:$0x3], $0x4000, $0x38;
	v63 =	vld [tilespmem:$0x0]  }
0x29: {  	_ =	swait.ge [sflag:s18], $0x4000  }
0x2a: {  	[sflag:s18] =	ssyncset.done $0x0  }
0x2b: {  	[sflag:s18] =	ssyncadd.s32 $0xFFFFC000  }
0x2c: {  	[spmem:s14] =	stream.linear.scatter [tilespmem:s17], [sflag:$0x3], $0x4000, $0x38;
	v63 =	vld [tilespmem:$0x0]  }
0x2d: {  	_ =	swait.ge [sflag:s18], $0x4000  }
0x2e: {  	[sflag:s18] =	ssyncset.done $0x0  }
0x2f: {  	[sflag:s18] =	ssyncadd.s32 $0xFFFFC000  }
0x30: {  	[spmem:s15] =	stream.linear.scatter [tilespmem:s17], [sflag:$0x3], $0x4000, $0x38;
	v63 =	vld [tilespmem:$0x0]  }
0x31: {  	_ =	swait.ge [sflag:s18], $0x4000  }
0x32: {  	[sflag:s18] =	ssyncset.done $0x0  }
0x33: {  	[sflag:s18] =	ssyncadd.s32 $0xFFFFC000  }
0x34: {  	[spmem:s16] =	stream.linear.scatter [tilespmem:s17], [sflag:$0x3], $0x4000, $0x38;
	v63 =	vld [tilespmem:$0x0]  }
0x35: {  	_ =	swait.ge [sflag:s18], $0x4000  }
0x36: {  	[sflag:s18] =	ssyncset.done $0x0  }
0x37: {  	s31 =	simm.s32 $0x0;
	[sflag:s18] =	ssyncadd.s32 $0xFFFFC000  }
0x38: {  	[tilespmem:s31], [sflag:$0x2] =	stream.linear.gather [hbm4b:s8+s31], $0x4000, $0x38;
	v63 =	vld [tilespmem:$0x0]  }
0x39: {  	_ =	swait.ge [sflag:s19], $0x4000  }
0x3a: {  	[sflag:s19] =	ssyncset.done $0x0  }
0x3b: {  	s23 =	simm.s32 $0x4000;
	[sflag:s19] =	ssyncadd.s32 $0xFFFFC000  }
0x3c: {  	[tilespmem:s23], [sflag:$0x2] =	stream.linear.gather [hbm4b:s9+s31], $0x4000, $0x38;
	v63 =	vld [tilespmem:$0x0]  }
0x3d: {  	_ =	swait.ge [sflag:s19], $0x4000  }
0x3e: {  	[sflag:s19] =	ssyncset.done $0x0  }
0x3f: {  	[sflag:s19] =	ssyncadd.s32 $0xFFFFC000  }
0x40: {  	s22 =	simm.s32 $0x80;
	[bflag:$0x0] =	sbarrier.arrive $0xFFFF  }
0x41: {  	[tilespmem:s17], [sflag:$0x1] =	stream.indirect.gather [hbm4b:s4+s22], $0x80, s31, s22, $0xb8;
	v63 =	vld [tilespmem:$0x0]  }
0x42: {  	_ =	swait.ge [sflag:s20], $0x4000  }
0x43: {  	p1 =	sne.s32 s6, $0x1;
	[sflag:s20] =	ssyncset.done $0x0  }
.Ltmp1:
0x44: {  	[sflag:s20] =	ssyncadd.s32 $0xFFFFC000;
	(pc) =	sbr.rel @!p1 .LBB2_5-.Ltmp1, $4  }
0x45: {  	[spmem:s2] =	stream.indirect.scatter.add.f32 [tilespmem:s17], [sflag:$0x3], $0x80, s23, s5, $0xb8;
	v63 =	vld [tilespmem:$0x0]  }
0x46: {  	s21 =	simm.s32 $0x1;
	p0 =	sle.s32 s10, $0x0;
	_ =	swait.ge [sflag:s18], $0x4000  }
0x47: {  	s24 =	simm.s32 $0x100;
	s25 =	simm.s32 @!p0 $0x80;
	[sflag:s18] =	ssyncset.done $0x0  }
0x48: {  	s26 =	simm.s32 @!p0 $0x1C000;
	s23 =	simm.s32 $0x4080;
	[sflag:s18] =	ssyncadd.s32 $0xFFFFC000  }
.LBB2_4:
0x49: {  	[tilespmem:s26], [sflag:$0x1] =	stream.indirect.gather @!p0 [hbm4b:s4+s25], $0x80, s22, s25, $0xb8;
	v63 =	vld [tilespmem:$0x0]  }
0x4a: {  	s25 =	smov.u32 s21;
	s21 =	sadd.s32 $0x1, s21;
	_ =	swait.ge [sflag:s20], $0x4000  }
0x4b: {  	s22 =	smov.u32 s24;
	p1 =	sne.s32 s6, s21;
	[sflag:s20] =	ssyncset.done $0x0  }
.Ltmp2:
0x4c: {  	[sflag:s20] =	ssyncadd.s32 $0xFFFFC000;
	(pc) =	sbr.rel @p1 .LBB2_4-.Ltmp2, $4  }
0x4d: {  	[spmem:s2] =	stream.indirect.scatter.add.f32 [tilespmem:s17], [sflag:$0x3], $0x80, s23, s5, $0xb8;
	v63 =	vld [tilespmem:$0x0]  }
0x4e: {  	s23 =	sadd.s32 $0x80, s23;
	_ =	swait.ge [sflag:s18], $0x4000  }
0x4f: {  	s24 =	sadd.s32 $0x80, s24;
	p0 =	sge.s32 s25, s10;
	[sflag:s18] =	ssyncset.done $0x0  }
0x50: {  	s25 =	simm.s32 @!p0 $0x80;
	s26 =	simm.s32 @!p0 $0x1C000;
	[sflag:s18] =	ssyncadd.s32 $0xFFFFC000  }
.LBB2_5:
0x51: {  	[tilespmem:s26], [sflag:$0x1] =	stream.indirect.gather @!p0 [hbm4b:s4+s25], $0x80, s22, s25, $0xb8;
	v63 =	vld [tilespmem:$0x0]  }
0x52: {  	s3 =	sadd.s32 $0x1, s3  }
0x53: {  	s21 =	sshll.u32 s0, $0x6;
	s31 =	sshrl.u32 s7, $0x3;
	p0 =	sne.s32 s3, s12  }
.Ltmp3:
0x54: {  	[bflag:$0x0] =	sbarrier.arrive $0xFFFF;
	s21 =	sor.u32 $0x1C03, s21;
	(pc) =	sbr.rel @p0 .LBB2_1-.Ltmp3, $4  }
0x55: {  	[hbm:s11], [sflag:s21] =	dma.local [spmem:s31], $0x2800  }
0x56: {  	_ =	swait.ge [sflag:s18], $0x2800  }
0x57: {  	[sflag:s18] =	ssyncset.done $0x0  }
0x58: {  	[sflag:s18] =	ssyncadd.s32 $0xFFFFD800  }
0x59: {  	_ =	sfence.sel $0x180000  }
0x5a: {  	[bflag:$0x0] =	sbarrier.arrive $0xFFFF  }
0x5b: {  	p0 =	sne.s32 s0, $0x0;
	_ =	strace $0x9000004D  }
0x5c: {  	s0 =	sadd.s32 @!p0 $0x100000, s1;
	[bflag:$0x2] =	sbarrier.arrive $0xFFFF  }
0x5d: {  	[sflag:s0] =	ssyncadd.tile.s32 @!p0 $0x1;
	_ =	shalt  }
.Lfunc_end2:
_tile_overlayer_lowered:
.L_overlay_start_2:
0x5e: {  	(tag) =	ssettag $0x2  }
0x5f: {  	s0 =	rddreg [dreg:$0x0];
	s2 =	stileid.u32  }
0x60: {  	s1 =	rddreg [dreg:$0x1];
	p0 =	sne.s32 s2, $0x0  }
0x61: {  	s3 =	rddreg [dreg:$0x2];
	[bflag:$0x3] =	sbarrier.arrive $0xFFFF;
	s2 =	simm.s32 @!p0 $0x1C03  }
0x62: {  	[timem:s3], [sflag:s2] =	dma.local @!p0 [hbm:s0], s1  }
0x63: {  	s0 =	simm.s32 @!p0 $0x3  }
0x64: {  	_ =	swait.ge @!p0 [sflag:s0], s1  }
0x65: {  	s1 =	ssub.s32 @!p0 $0x0, s1;
	[sflag:s0] =	ssyncset.done @!p0 $0x0  }
0x66: {  	[sflag:s0] =	ssyncadd.s32 @!p0 s1  }
0x67: {  	[bflag:$0x3] =	sbarrier.arrive $0xFFFF  }
0x68: {  	_ =	shalt  }

// kernel: kernel.21.cloned.1.call-start
scs
__scs_entry_jumppad:
0x0: {  	(pc) =	sbr.rel $0x88, $3  }
0x1: {  	(tag) =	ssettag $0x0;
	lr =	simm.s32 $0x1  }
0x2: {  	[smem:$0x3F9B] =	sst lr;
	_ =	strace $0xD0000000  }
0x3: {  	_ = 	snop  }
0x4: {  	_ = 	snop  }
0x5: {  	_ = 	snop  }
0x6: {  	_ = 	snop  }
0x7: {  	_ = 	snop  }
__scs_overlays_trampoline_lowered:
0x8: {  	[smem:$0x3FAA] =	sst s0  }
0x9: {  	[smem:$0x3FAB] =	sst s1  }
0xa: {  	[smem:$0x3FAC] =	sst s2  }
0xb: {  	[smem:$0x3FAD] =	sst s3  }
0xc: {  	[smem:$0x3FAE] =	sst s4  }
0xd: {  	[smem:$0x3FAF] =	sst s5  }
0xe: {  	[smem:$0x3FB0] =	sst s6  }
0xf: {  	[smem:$0x3FB1] =	sst s7  }
0x10: {  	[smem:$0x3FB2] =	sst s8  }
0x11: {  	[smem:$0x3FB3] =	sst s9;
	s0 =	simm.s32 @!p0 $0x0  }
0x12: {  	s1 =	sld [smem:$0x3F99];
	s0 =	simm.s32 @p0 $0x1  }
0x13: {  	[smem:$0x3FB4] =	sst s0;
	s0 =	simm.s32 @!p1 $0x0  }
0x14: {  	s2 =	sld [smem:$0x3F98];
	s0 =	simm.s32 @p1 $0x1  }
0x15: {  	[smem:$0x3FB5] =	sst s0;
	s0 =	simm.s32 @!p2 $0x0  }
0x16: {  	s3 =	sld [smem:$0x3FDB];
	s0 =	simm.s32 @p2 $0x1  }
0x17: {  	s4 =	simm.s32 $0x1BF5;
	[smem:$0x3FB7] =	sst s0  }
0x18: {  	s0 =	sld [smem:$0x3F9A];
	_ =	swait.ge [sflag:s4], $0x0  }
0x19: {  	s7 =	sld [smem:$0x3F9B]  }
0x1a: {  	s8 =	sadd.s32 $0xFFFFE003, lr  }
0x1b: {  	s9 =	sadd.s32 $0xFFFFFEF7, lr;
	s5 =	simm.s32 $0xFFFFFFFF;
	p2 =	slt.u32 s8, $0xFFFFF086  }
0x1c: {  	p1 =	slt.u32 s9, $0xF7A;
	s5 =	simm.s32 @!p2 $0x0  }
0x1d: {  	s5 =	simm.s32 @p1 $0x1;
	p0 =	seq.s32 s7, s2  }
0x1e: {  	s7 =	smul.u32 @!p0 $0xF7A, s2;
	p2 =	seq.s32 @!p0 s5, $0x0  }
0x1f: {  	s9 =	smul.u32 $0xF7A, s1;
	s8 =	simm.s32 @!p0 $0x1BF5;
	p2 =	por !p2, p0  }
0x20: {  	[sflag:s8] =	ssyncset.s32 @!p0 $0xFFFFF086;
	s6 =	sadd.s32 @!p0 s3, s7;
	s7 =	simm.s32 @!p0 $0x108  }
0x21: {  	s3 =	sadd.s32 s3, s9;
	s6 =	sadd.s32 @!p0 $0x88, s6;
	s7 =	simm.s32 @p2 $0x1082  }
0x22: {  	[simem:s7], [sflag:s8] =	dma.local @!p0 [hbm:s6], $0xF7A  }
0x23: {  	s9 =	sor.u32 $0xD0000000, s2;
	s6 =	simm.s32 $0x108;
	_ =	swait.ge @!p0 [sflag:s8], $0x0  }
0x24: {  	s3 =	sadd.s32 $0x88, s3;
	s6 =	simm.s32 @!p1 $0x1082;
	[sflag:s4] =	ssyncset.s32 $0xFFFFF086  }
0x25: {  	[simem:s6], [sflag:s4] =	dma.local [hbm:s3], $0xF7A  }
0x26: {  	[smem:$0x3F9B] =	sst s1;
	(tag) =	ssettag s2;
	_ =	strace s9  }
0x27: {  	s1 =	sld [smem:$0x3FAB]  }
0x28: {  	s2 =	sld [smem:$0x3FAC]  }
0x29: {  	s4 =	sld [smem:$0x3FAE]  }
0x2a: {  	p0 =	seq.s32 s5, $0x0;
	s5 =	sld [smem:$0x3FAF]  }
0x2b: {  	s6 =	sld [smem:$0x3FB0]  }
0x2c: {  	s7 =	sld [smem:$0x3FB1]  }
0x2d: {  	s3 =	simm.s32 $0x108;
	s8 =	sld [smem:$0x3FB2]  }
0x2e: {  	s3 =	simm.s32 @!p0 $0x1082;
	s9 =	sld [smem:$0x3FB3]  }
0x2f: {  	lr =	sadd.s32 s0, s3;
	s0 =	sld [smem:$0x3FAA]  }
0x30: {  	s3 =	sld [smem:$0x3FAD]  }
0x31: {  	[smem:$0x3FB6] =	sst s10  }
0x32: {  	s10 =	sld [smem:$0x3FB4];
	_ =	sdelay $0x3  }
0x33: {  	p0 =	seq.s32 s10, $0x1;
	s10 =	sld [smem:$0x3FB6];
	_ =	sdelay $0x3  }
0x34: {  	[smem:$0x3FB6] =	sst s10  }
0x35: {  	s10 =	sld [smem:$0x3FB5];
	_ =	sdelay $0x3  }
0x36: {  	p1 =	seq.s32 s10, $0x1;
	s10 =	sld [smem:$0x3FB6];
	_ =	sdelay $0x3  }
0x37: {  	[smem:$0x3FB6] =	sst s10  }
0x38: {  	s10 =	sld [smem:$0x3FB7]  }
0x39: {  	_ = 	snop;
	(pc) =	sbr.ind lr, $3  }
0x3a: {  	_ = 	snop  }
0x3b: {  	_ = 	snop  }
0x3c: {  	p2 =	seq.s32 s10, $0x1;
	s10 =	sld [smem:$0x3FB6]  }
0x3d: {  	_ =	shalt  }
0x3e: {  	_ =	shalt  }
0x3f: {  	_ =	shalt  }
0x40: {  	_ =	shalt  }
0x41: {  	_ =	shalt  }
0x42: {  	_ =	shalt  }
0x43: {  	_ =	shalt  }
0x44: {  	_ =	shalt  }
0x45: {  	_ =	shalt  }
0x46: {  	_ =	shalt  }
0x47: {  	_ =	shalt  }
0x48: {  	_ =	shalt  }
0x49: {  	_ =	shalt  }
0x4a: {  	_ =	shalt  }
0x4b: {  	_ =	shalt  }
0x4c: {  	_ =	shalt  }
0x4d: {  	_ =	shalt  }
0x4e: {  	_ =	shalt  }
0x4f: {  	_ =	shalt  }
0x50: {  	_ =	shalt  }
0x51: {  	_ =	shalt  }
0x52: {  	_ =	shalt  }
0x53: {  	_ =	shalt  }
0x54: {  	_ =	shalt  }
0x55: {  	_ =	shalt  }
0x56: {  	_ =	shalt  }
0x57: {  	_ =	shalt  }
0x58: {  	_ =	shalt  }
0x59: {  	_ =	shalt  }
0x5a: {  	_ =	shalt  }
0x5b: {  	_ =	shalt  }
0x5c: {  	_ =	shalt  }
0x5d: {  	_ =	shalt  }
0x5e: {  	_ =	shalt  }
0x5f: {  	_ =	shalt  }
0x60: {  	_ =	shalt  }
0x61: {  	_ =	shalt  }
0x62: {  	_ =	shalt  }
0x63: {  	_ =	shalt  }
0x64: {  	_ =	shalt  }
0x65: {  	_ =	shalt  }
0x66: {  	_ =	shalt  }
0x67: {  	_ =	shalt  }
0x68: {  	_ =	shalt  }
0x69: {  	_ =	shalt  }
0x6a: {  	_ =	shalt  }
0x6b: {  	_ =	shalt  }
0x6c: {  	_ =	shalt  }
0x6d: {  	_ =	shalt  }
0x6e: {  	_ =	shalt  }
0x6f: {  	_ =	shalt  }
0x70: {  	_ =	shalt  }
0x71: {  	_ =	shalt  }
0x72: {  	_ =	shalt  }
0x73: {  	_ =	shalt  }
0x74: {  	_ =	shalt  }
0x75: {  	_ =	shalt  }
0x76: {  	_ =	shalt  }
0x77: {  	_ =	shalt  }
0x78: {  	_ =	shalt  }
0x79: {  	_ =	shalt  }
0x7a: {  	_ =	shalt  }
0x7b: {  	_ =	shalt  }
0x7c: {  	_ =	shalt  }
0x7d: {  	_ =	shalt  }
0x7e: {  	_ =	shalt  }
0x7f: {  	_ =	shalt  }
0x80: {  	_ =	shalt  }
0x81: {  	_ =	shalt  }
0x82: {  	_ =	shalt  }
0x83: {  	_ =	shalt  }
0x84: {  	_ =	shalt  }
0x85: {  	_ =	shalt  }
0x86: {  	_ =	shalt  }
0x87: {  	_ =	shalt  }
.Lfunc_end0:
.L_simem_size_0:
called_computation.3_lowered:
.L_overlay_start_0:
0x88: {  	s2 =	sld [smem:$0x3FD9]  }
0x89: {  	s3 =	sld [smem:$0x3FFE];
	_ =	sdelay $0x1  }
0x8a: {  	s1 =	srdreg.scid  }
0x8b: {  	s0 =	sand.u32 $0x1, s1  }
0x8c: {  	s14 =	sshll.u32 s0, $0xA;
	s2 =	sadd.s32 s3, s2  }
0x8d: {  	s2 =	sadd.s32 s2, s14  }
0x8e: {  	[smem:$0x3FC2] =	sst s2  }
0x8f: {  	_ = 	snop  }
0x90: {  	s2 =	sld [smem:$0x3FD0];
	_ =	sdelay $0x2  }
0x91: {  	s15 =	simm.s32 $0xA;
	s4 =	simm.s32 $0x10  }
0x92: {  	[smem:s4], [sflag:s15] =	dma.local [hbm:s2], $0x1  }
0x93: {  	_ =	swait.eq [sflag:s15], $0x1  }
0x94: {  	[sflag:s15] =	ssyncset.done $0x0  }
0x95: {  	s16 =	sld [smem:$0x10];
	[sflag:s15] =	ssyncadd.s32 $0xFFFFFFFF  }
0x96: {  	s17 =	sld [smem:$0x11];
	(tm) =	ssettm $0x1  }
0x97: {  	s18 =	sld [smem:$0x3FFB];
	_ =	sdelay $0x3  }
0x98: {  	_ =	strace s18  }
0x99: {  	s4 =	sld [smem:$0x3FFC];
	_ =	sdelay $0x3  }
0x9a: {  	_ =	strace s4  }
0x9b: {  	s4 =	sld [smem:$0x3FFD];
	_ =	sdelay $0x3  }
0x9c: {  	_ =	strace s4  }
0x9d: {  	_ =	strace $0x8FFFFFFF  }
0x9e: {  	s19 =	sld [smem:$0x3FDB];
	_ =	sdelay $0x1  }
0x9f: {  	s5 =	simm.s32 $_scs_section_size  }
0xa0: {  	s6 =	simm.s32 $_size__tile_overlayer_lowered;
	s7 =	simm.s32 $_tile_overlayer_lowered  }
0xa1: {  	s22 =	simm.s32 $0x1BFF;
	s21 =	sshll.u32 s7, $0x1;
	s4 =	sadd.s32 s5, s19  }
0xa2: {  	s8 =	simm.s32 $0x0;
	s20 =	sshll.u32 s6, $0x1;
	s6 =	sadd.s32 s21, s4  }
0xa3: {  	[timem:s8], [sflag:s22] =	dma.local [hbm:s6], s20  }
0xa4: {  	_ =	swait.ge [sflag:s22], s20  }
0xa5: {  	s5 =	ssub.s32 $0x0, s20;
	[sflag:s22] =	ssyncset.done $0x0  }
0xa6: {  	[sflag:s22] =	ssyncadd.s32 s5;
	_ =	sdelay $0x1  }
0xa7: {  	s23 =	simm.s32 $0x1B8B  }
0xa8: {  	_ =	swait.ge [sflag:s23], $0x1  }
0xa9: {  	[sflag:s23] =	ssyncset.done $0x0  }
0xaa: {  	s25 =	simm.s32 $0x1B8E;
	s24 =	sld [smem:$0x3FFE];
	[sflag:s23] =	ssyncadd.s32 $0xFFFFFFFF  }
0xab: {  	s26 =	simm.s32 $execute0_lowered;
	[smem:$0x3FD2] =	sst s25  }
0xac: {  	s6 =	sshll.u32 s26, $0x1;
	_ =	strace $0x8000004F;
	[dreg:$0x1] =	wrdreg $0xFFFFFFFF  }
0xad: {  	s28 =	simm.s32 $_size_execute0_lowered;
	s4 =	sadd.s32 s4, s6;
	[dreg:$0x0] =	wrdreg $0x0  }
0xae: {  	s6 =	sshll.u32 s28, $0x1;
	[dreg:$0x2] =	wrdreg s4  }
0xaf: {  	[dreg:$0x3] =	wrdreg s6  }
0xb0: {  	[dreg:$0x4] =	wrdreg $0xC0  }
0xb1: {  	_ =	task [dreg:s8], $0x5FFFF  }
0xb2: {  	[dreg:$0x1] =	wrdreg $0xFFFFFFFF  }
0xb3: {  	[dreg:$0x0] =	wrdreg $0x60  }
0xb4: {  	[dreg:$0x2] =	wrdreg s24  }
0xb5: {  	[dreg:$0x3] =	wrdreg s17  }
0xb6: {  	[dreg:$0x4] =	wrdreg s16  }
0xb7: {  	[dreg:$0x5] =	wrdreg $0x80000  }
0xb8: {  	[dreg:$0x6] =	wrdreg $0x9  }
0xb9: {  	_ =	task.clear_ibuf [dreg:s8], $0x7FFFF;
	_ =	strace $0x9000004F  }
0xba: {  	s29 =	simm.s32 $0x9;
	_ =	strace $0x80000051  }
0xbb: {  	_ =	swait.ge [sflag:s29], $0x1  }
0xbc: {  	[sflag:s29] =	ssyncadd.s32 $0xFFFFFFFF  }
0xbd: {  	_ =	strace $0x90000051  }
0xbe: {  	_ =	sfence  }
0xbf: {  	s30 =	sld [smem:$0x0];
	_ =	sdelay $0x2  }
0xc0: {  	s31 =	sshll.u32 s1, $0xD;
	s1 =	sshrl.u32 s1, $0x2  }
0xc1: {  	s3 =	sand.u32 $0x4000, s31;
	s1 =	sadd.s32 s1, s30  }
0xc2: {  	s0 =	sor.u32 s3, s0;
	s1 =	sshll.u32 s1, $0x11  }
0xc3: {  	s0 =	sor.u32 s1, s0  }
0xc4: {  	s0 =	sadd.s32 $0x8F2B, s0  }
0xc5: {  	[sflag:s0] =	ssyncadd.remote.s32 $0x1  }
0xc6: {  	_ =	sfence.sel $0xFFFF  }
0xc7: {  	[dreg:$0x0] =	wrdreg $0xFFFFFFFF;
	(pc) =	sbr.abs _section_cstart, $3  }
0xc8: {  	[dreg:$0x1] =	wrdreg $0xFFFFFFFF  }
0xc9: {  	_ =	task.clear_ibuf [dreg:s8], $0x2FFFF;
	_ =	strace $0x9FFFFFFF  }
0xca: {  	(tm) =	ssettm $0x7FFFFFFF  }
0xcb: {  	_ =	shalt  }
tec
execute0_lowered:
.L_overlay_start_1:
0x0: {  	(tag) =	ssettag $0x1  }
0x1: {  	s5 =	rddreg [dreg:$0x0]  }
0x2: {  	s8 =	rddreg [dreg:$0x1]  }
0x3: {  	s9 =	rddreg [dreg:$0x2]  }
0x4: {  	s2 =	rddreg [dreg:$0x3]  }
0x5: {  	s0 =	srdreg.scid;
	s1 =	rddreg [dreg:$0x4];
	s3 =	simm.s32 $0x0  }
0x6: {  	s11 =	simm.s32 $0x7;
	s17 =	simm.s32 $0x1C000;
	s18 =	simm.s32 $0x3  }
0x7: {  	s19 =	simm.s32 $0x2;
	s6 =	sand.u32 $0x1, s0;
	s0 =	stileid.u32  }
0x8: {  	s20 =	simm.s32 $0x1;
	[smem:$0x7FF] =	sst s3;
	s4 =	smul.u32 $0x140000, s6  }
0x9: {  	s7 =	smul.u32 $0x14000, s0;
	_ =	strace $0x80000050;
	s10 =	ssub.s32 $0x2, s6  }
0xa: {  	p0 =	seq.s32 s6, $0x0;
	s30 =	smul.u32 $0x50000, s0;
	s31 =	sshll.u32 s6, $0xF  }
0xb: {  	s6 =	simm.s32 $0x80;
	s28 =	sshrl.u32 s10, $0x1;
	s11 =	simm.s32 @!p0 $0x5  }
0xc: {  	s6 =	simm.s32 @!p0 $0x20;
	s7 =	sadd.s32 s7, s4;
	s4 =	sadd.s32 $0x3400, s5  }
0xd: {  	s13 =	ssub.s32 s10, s28;
	s29 =	sshll.u32 s0, s11;
	s7 =	sshrl.u32 s7, $0x3  }
0xe: {  	s10 =	sshrl.u32 s30, $0x2;
	s12 =	sadd.s32 s7, s5;
	s7 =	sshll.u32 s29, $0x4  }
0xf: {  	s5 =	simm.s32 $0x80;
	s11 =	sor.u32 s31, s7;
	s7 =	sadd.s32 s10, s2  }
0x10: {  	s10 =	sadd.s32 $0xFFFFFFFF, s6;
	s8 =	sadd.s32 s8, s11;
	s9 =	sadd.s32 s9, s11  }
0x11: {  	s11 =	sadd.s32 $0x2B400, s12;
	s12 =	smax.u32 s13, $0x1;
	s13 =	sadd.s32 $0x4000, s7  }
0x12: {  	v0 =	vimm.f32 $0.0e+00;
	s14 =	sadd.s32 $0x8000, s7;
	s15 =	sadd.s32 $0xC000, s7;
	s16 =	sadd.s32 $0x10000, s7  }
.LBB2_1:
0x13: {  	s21 =	simm.s32 $0x0;
	s22 =	simm.s32 $0x200  }
.LBB2_2:
0x14: {  	p0 =	sne.s32 s22, $0xFE00;
	[tilespmem:s21+$0x1C070] =	vst v0  }
0x15: {  	[tilespmem:s21+$0x1C000] =	vst v0  }
0x16: {  	[tilespmem:s21+$0x1C010] =	vst v0  }
.Ltmp0:
0x17: {  	[tilespmem:s21+$0x1C020] =	vst v0;
	(pc) =	sbr.rel @p0 .LBB2_2-.Ltmp0, $4  }
0x18: {  	[tilespmem:s21+$0x1C030] =	vst v0  }
0x19: {  	[tilespmem:s21+$0x1C040] =	vst v0  }
0x1a: {  	[tilespmem:s21+$0x1C050] =	vst v0  }
0x1b: {  	[tilespmem:s21+$0x1C060] =	vst v0;
	s21 =	sshra.s32 s22, $0x2;
	s22 =	sadd.s32 $0x200, s22  }
0x1c: {  	[tilespmem:s21+$0x1C070] =	vst v0  }
0x1d: {  	[tilespmem:s21+$0x1C000] =	vst v0  }
0x1e: {  	[tilespmem:s21+$0x1C010] =	vst v0  }
0x1f: {  	[tilespmem:s21+$0x1C020] =	vst v0  }
0x20: {  	[tilespmem:s21+$0x1C030] =	vst v0  }
0x21: {  	[tilespmem:s21+$0x1C040] =	vst v0  }
0x22: {  	[tilespmem:s21+$0x1C050] =	vst v0  }
0x23: {  	[tilespmem:s21+$0x1C060] =	vst v0  }
0x24: {  	[spmem:s7] =	stream.linear.scatter [tilespmem:s17], [sflag:$0x3], $0x4000, $0x38;
	v63 =	vld [tilespmem:$0x0]  }
0x25: {  	_ =	swait.ge [sflag:s18], $0x4000  }
0x26: {  	[sflag:s18] =	ssyncset.done $0x0  }
0x27: {  	[sflag:s18] =	ssyncadd.s32 $0xFFFFC000  }
0x28: {  	[spmem:s13] =	stream.linear.scatter [tilespmem:s17], [sflag:$0x3], $0x4000, $0x38;
	v63 =	vld [tilespmem:$0x0]  }
0x29: {  	_ =	swait.ge [sflag:s18], $0x4000  }
0x2a: {  	[sflag:s18] =	ssyncset.done $0x0  }
0x2b: {  	[sflag:s18] =	ssyncadd.s32 $0xFFFFC000  }
0x2c: {  	[spmem:s14] =	stream.linear.scatter [tilespmem:s17], [sflag:$0x3], $0x4000, $0x38;
	v63 =	vld [tilespmem:$0x0]  }
0x2d: {  	_ =	swait.ge [sflag:s18], $0x4000  }
0x2e: {  	[sflag:s18] =	ssyncset.done $0x0  }
0x2f: {  	[sflag:s18] =	ssyncadd.s32 $0xFFFFC000  }
0x30: {  	[spmem:s15] =	stream.linear.scatter [tilespmem:s17], [sflag:$0x3], $0x4000, $0x38;
	v63 =	vld [tilespmem:$0x0]  }
0x31: {  	_ =	swait.ge [sflag:s18], $0x4000  }
0x32: {  	[sflag:s18] =	ssyncset.done $0x0  }
0x33: {  	[sflag:s18] =	ssyncadd.s32 $0xFFFFC000  }
0x34: {  	[spmem:s16] =	stream.linear.scatter [tilespmem:s17], [sflag:$0x3], $0x4000, $0x38;
	v63 =	vld [tilespmem:$0x0]  }
0x35: {  	_ =	swait.ge [sflag:s18], $0x4000  }
0x36: {  	[sflag:s18] =	ssyncset.done $0x0  }
0x37: {  	s31 =	simm.s32 $0x0;
	[sflag:s18] =	ssyncadd.s32 $0xFFFFC000  }
0x38: {  	[tilespmem:s31], [sflag:$0x2] =	stream.linear.gather [hbm4b:s8+s31], $0x4000, $0x38;
	v63 =	vld [tilespmem:$0x0]  }
0x39: {  	_ =	swait.ge [sflag:s19], $0x4000  }
0x3a: {  	[sflag:s19] =	ssyncset.done $0x0  }
0x3b: {  	s23 =	simm.s32 $0x4000;
	[sflag:s19] =	ssyncadd.s32 $0xFFFFC000  }
0x3c: {  	[tilespmem:s23], [sflag:$0x2] =	stream.linear.gather [hbm4b:s9+s31], $0x4000, $0x38;
	v63 =	vld [tilespmem:$0x0]  }
0x3d: {  	_ =	swait.ge [sflag:s19], $0x4000  }
0x3e: {  	[sflag:s19] =	ssyncset.done $0x0  }
0x3f: {  	[sflag:s19] =	ssyncadd.s32 $0xFFFFC000  }
0x40: {  	s22 =	simm.s32 $0x80;
	[bflag:$0x0] =	sbarrier.arrive $0xFFFF  }
0x41: {  	[tilespmem:s17], [sflag:$0x1] =	stream.indirect.gather [hbm4b:s4+s22], $0x80, s31, s22, $0xb8;
	v63 =	vld [tilespmem:$0x0]  }
0x42: {  	_ =	swait.ge [sflag:s20], $0x4000  }
0x43: {  	p1 =	sne.s32 s6, $0x1;
	[sflag:s20] =	ssyncset.done $0x0  }
.Ltmp1:
0x44: {  	[sflag:s20] =	ssyncadd.s32 $0xFFFFC000;
	(pc) =	sbr.rel @!p1 .LBB2_5-.Ltmp1, $4  }
0x45: {  	[spmem:s2] =	stream.indirect.scatter.add.f32 [tilespmem:s17], [sflag:$0x3], $0x80, s23, s5, $0xb8;
	v63 =	vld [tilespmem:$0x0]  }
0x46: {  	s21 =	simm.s32 $0x1;
	p0 =	sle.s32 s10, $0x0;
	_ =	swait.ge [sflag:s18], $0x4000  }
0x47: {  	s24 =	simm.s32 $0x100;
	s25 =	simm.s32 @!p0 $0x80;
	[sflag:s18] =	ssyncset.done $0x0  }
0x48: {  	s26 =	simm.s32 @!p0 $0x1C000;
	s23 =	simm.s32 $0x4080;
	[sflag:s18] =	ssyncadd.s32 $0xFFFFC000  }
.LBB2_4:
0x49: {  	[tilespmem:s26], [sflag:$0x1] =	stream.indirect.gather @!p0 [hbm4b:s4+s25], $0x80, s22, s25, $0xb8;
	v63 =	vld [tilespmem:$0x0]  }
0x4a: {  	s25 =	smov.u32 s21;
	s21 =	sadd.s32 $0x1, s21;
	_ =	swait.ge [sflag:s20], $0x4000  }
0x4b: {  	s22 =	smov.u32 s24;
	p1 =	sne.s32 s6, s21;
	[sflag:s20] =	ssyncset.done $0x0  }
.Ltmp2:
0x4c: {  	[sflag:s20] =	ssyncadd.s32 $0xFFFFC000;
	(pc) =	sbr.rel @p1 .LBB2_4-.Ltmp2, $4  }
0x4d: {  	[spmem:s2] =	stream.indirect.scatter.add.f32 [tilespmem:s17], [sflag:$0x3], $0x80, s23, s5, $0xb8;
	v63 =	vld [tilespmem:$0x0]  }
0x4e: {  	s23 =	sadd.s32 $0x80, s23;
	_ =	swait.ge [sflag:s18], $0x4000  }
0x4f: {  	s24 =	sadd.s32 $0x80, s24;
	p0 =	sge.s32 s25, s10;
	[sflag:s18] =	ssyncset.done $0x0  }
0x50: {  	s25 =	simm.s32 @!p0 $0x80;
	s26 =	simm.s32 @!p0 $0x1C000;
	[sflag:s18] =	ssyncadd.s32 $0xFFFFC000  }
.LBB2_5:
0x51: {  	[tilespmem:s26], [sflag:$0x1] =	stream.indirect.gather @!p0 [hbm4b:s4+s25], $0x80, s22, s25, $0xb8;
	v63 =	vld [tilespmem:$0x0]  }
0x52: {  	s3 =	sadd.s32 $0x1, s3  }
0x53: {  	s21 =	sshll.u32 s0, $0x6;
	s31 =	sshrl.u32 s7, $0x3;
	p0 =	sne.s32 s3, s12  }
.Ltmp3:
0x54: {  	[bflag:$0x0] =	sbarrier.arrive $0xFFFF;
	s21 =	sor.u32 $0x1C03, s21;
	(pc) =	sbr.rel @p0 .LBB2_1-.Ltmp3, $4  }
0x55: {  	[hbm:s11], [sflag:s21] =	dma.local [spmem:s31], $0x2800  }
0x56: {  	_ =	swait.ge [sflag:s18], $0x2800  }
0x57: {  	[sflag:s18] =	ssyncset.done $0x0  }
0x58: {  	[sflag:s18] =	ssyncadd.s32 $0xFFFFD800  }
0x59: {  	_ =	sfence.sel $0x180000  }
0x5a: {  	[bflag:$0x0] =	sbarrier.arrive $0xFFFF  }
0x5b: {  	p0 =	sne.s32 s0, $0x0;
	_ =	strace $0x90000050  }
0x5c: {  	s0 =	sadd.s32 @!p0 $0x100000, s1;
	[bflag:$0x2] =	sbarrier.arrive $0xFFFF  }
0x5d: {  	[sflag:s0] =	ssyncadd.tile.s32 @!p0 $0x1;
	_ =	shalt  }
.Lfunc_end2:
_tile_overlayer_lowered:
.L_overlay_start_2:
0x5e: {  	(tag) =	ssettag $0x2  }
0x5f: {  	s0 =	rddreg [dreg:$0x0];
	s2 =	stileid.u32  }
0x60: {  	s1 =	rddreg [dreg:$0x1];
	p0 =	sne.s32 s2, $0x0  }
0x61: {  	s3 =	rddreg [dreg:$0x2];
	[bflag:$0x3] =	sbarrier.arrive $0xFFFF;
	s2 =	simm.s32 @!p0 $0x1C03  }
0x62: {  	[timem:s3], [sflag:s2] =	dma.local @!p0 [hbm:s0], s1  }
0x63: {  	s0 =	simm.s32 @!p0 $0x3  }
0x64: {  	_ =	swait.ge @!p0 [sflag:s0], s1  }
0x65: {  	s1 =	ssub.s32 @!p0 $0x0, s1;
	[sflag:s0] =	ssyncset.done @!p0 $0x0  }
0x66: {  	[sflag:s0] =	ssyncadd.s32 @!p0 s1  }
0x67: {  	[bflag:$0x3] =	sbarrier.arrive $0xFFFF  }
0x68: {  	_ =	shalt  }

// kernel: kernel.24.cloned.1.call-start
scs
__scs_entry_jumppad:
0x0: {  	(pc) =	sbr.rel $0x88, $3  }
0x1: {  	(tag) =	ssettag $0x0;
	lr =	simm.s32 $0x1  }
0x2: {  	[smem:$0x3F9B] =	sst lr;
	_ =	strace $0xD0000000  }
0x3: {  	_ = 	snop  }
0x4: {  	_ = 	snop  }
0x5: {  	_ = 	snop  }
0x6: {  	_ = 	snop  }
0x7: {  	_ = 	snop  }
__scs_overlays_trampoline_lowered:
0x8: {  	[smem:$0x3FAA] =	sst s0  }
0x9: {  	[smem:$0x3FAB] =	sst s1  }
0xa: {  	[smem:$0x3FAC] =	sst s2  }
0xb: {  	[smem:$0x3FAD] =	sst s3  }
0xc: {  	[smem:$0x3FAE] =	sst s4  }
0xd: {  	[smem:$0x3FAF] =	sst s5  }
0xe: {  	[smem:$0x3FB0] =	sst s6  }
0xf: {  	[smem:$0x3FB1] =	sst s7  }
0x10: {  	[smem:$0x3FB2] =	sst s8  }
0x11: {  	[smem:$0x3FB3] =	sst s9;
	s0 =	simm.s32 @!p0 $0x0  }
0x12: {  	s1 =	sld [smem:$0x3F99];
	s0 =	simm.s32 @p0 $0x1  }
0x13: {  	[smem:$0x3FB4] =	sst s0;
	s0 =	simm.s32 @!p1 $0x0  }
0x14: {  	s2 =	sld [smem:$0x3F98];
	s0 =	simm.s32 @p1 $0x1  }
0x15: {  	[smem:$0x3FB5] =	sst s0;
	s0 =	simm.s32 @!p2 $0x0  }
0x16: {  	s3 =	sld [smem:$0x3FDB];
	s0 =	simm.s32 @p2 $0x1  }
0x17: {  	s4 =	simm.s32 $0x1BF5;
	[smem:$0x3FB7] =	sst s0  }
0x18: {  	s0 =	sld [smem:$0x3F9A];
	_ =	swait.ge [sflag:s4], $0x0  }
0x19: {  	s7 =	sld [smem:$0x3F9B]  }
0x1a: {  	s8 =	sadd.s32 $0xFFFFE003, lr  }
0x1b: {  	s9 =	sadd.s32 $0xFFFFFEF7, lr;
	s5 =	simm.s32 $0xFFFFFFFF;
	p2 =	slt.u32 s8, $0xFFFFF086  }
0x1c: {  	p1 =	slt.u32 s9, $0xF7A;
	s5 =	simm.s32 @!p2 $0x0  }
0x1d: {  	s5 =	simm.s32 @p1 $0x1;
	p0 =	seq.s32 s7, s2  }
0x1e: {  	s7 =	smul.u32 @!p0 $0xF7A, s2;
	p2 =	seq.s32 @!p0 s5, $0x0  }
0x1f: {  	s9 =	smul.u32 $0xF7A, s1;
	s8 =	simm.s32 @!p0 $0x1BF5;
	p2 =	por !p2, p0  }
0x20: {  	[sflag:s8] =	ssyncset.s32 @!p0 $0xFFFFF086;
	s6 =	sadd.s32 @!p0 s3, s7;
	s7 =	simm.s32 @!p0 $0x108  }
0x21: {  	s3 =	sadd.s32 s3, s9;
	s6 =	sadd.s32 @!p0 $0x88, s6;
	s7 =	simm.s32 @p2 $0x1082  }
0x22: {  	[simem:s7], [sflag:s8] =	dma.local @!p0 [hbm:s6], $0xF7A  }
0x23: {  	s9 =	sor.u32 $0xD0000000, s2;
	s6 =	simm.s32 $0x108;
	_ =	swait.ge @!p0 [sflag:s8], $0x0  }
0x24: {  	s3 =	sadd.s32 $0x88, s3;
	s6 =	simm.s32 @!p1 $0x1082;
	[sflag:s4] =	ssyncset.s32 $0xFFFFF086  }
0x25: {  	[simem:s6], [sflag:s4] =	dma.local [hbm:s3], $0xF7A  }
0x26: {  	[smem:$0x3F9B] =	sst s1;
	(tag) =	ssettag s2;
	_ =	strace s9  }
0x27: {  	s1 =	sld [smem:$0x3FAB]  }
0x28: {  	s2 =	sld [smem:$0x3FAC]  }
0x29: {  	s4 =	sld [smem:$0x3FAE]  }
0x2a: {  	p0 =	seq.s32 s5, $0x0;
	s5 =	sld [smem:$0x3FAF]  }
0x2b: {  	s6 =	sld [smem:$0x3FB0]  }
0x2c: {  	s7 =	sld [smem:$0x3FB1]  }
0x2d: {  	s3 =	simm.s32 $0x108;
	s8 =	sld [smem:$0x3FB2]  }
0x2e: {  	s3 =	simm.s32 @!p0 $0x1082;
	s9 =	sld [smem:$0x3FB3]  }
0x2f: {  	lr =	sadd.s32 s0, s3;
	s0 =	sld [smem:$0x3FAA]  }
0x30: {  	s3 =	sld [smem:$0x3FAD]  }
0x31: {  	[smem:$0x3FB6] =	sst s10  }
0x32: {  	s10 =	sld [smem:$0x3FB4];
	_ =	sdelay $0x3  }
0x33: {  	p0 =	seq.s32 s10, $0x1;
	s10 =	sld [smem:$0x3FB6];
	_ =	sdelay $0x3  }
0x34: {  	[smem:$0x3FB6] =	sst s10  }
0x35: {  	s10 =	sld [smem:$0x3FB5];
	_ =	sdelay $0x3  }
0x36: {  	p1 =	seq.s32 s10, $0x1;
	s10 =	sld [smem:$0x3FB6];
	_ =	sdelay $0x3  }
0x37: {  	[smem:$0x3FB6] =	sst s10  }
0x38: {  	s10 =	sld [smem:$0x3FB7]  }
0x39: {  	_ = 	snop;
	(pc) =	sbr.ind lr, $3  }
0x3a: {  	_ = 	snop  }
0x3b: {  	_ = 	snop  }
0x3c: {  	p2 =	seq.s32 s10, $0x1;
	s10 =	sld [smem:$0x3FB6]  }
0x3d: {  	_ =	shalt  }
0x3e: {  	_ =	shalt  }
0x3f: {  	_ =	shalt  }
0x40: {  	_ =	shalt  }
0x41: {  	_ =	shalt  }
0x42: {  	_ =	shalt  }
0x43: {  	_ =	shalt  }
0x44: {  	_ =	shalt  }
0x45: {  	_ =	shalt  }
0x46: {  	_ =	shalt  }
0x47: {  	_ =	shalt  }
0x48: {  	_ =	shalt  }
0x49: {  	_ =	shalt  }
0x4a: {  	_ =	shalt  }
0x4b: {  	_ =	shalt  }
0x4c: {  	_ =	shalt  }
0x4d: {  	_ =	shalt  }
0x4e: {  	_ =	shalt  }
0x4f: {  	_ =	shalt  }
0x50: {  	_ =	shalt  }
0x51: {  	_ =	shalt  }
0x52: {  	_ =	shalt  }
0x53: {  	_ =	shalt  }
0x54: {  	_ =	shalt  }
0x55: {  	_ =	shalt  }
0x56: {  	_ =	shalt  }
0x57: {  	_ =	shalt  }
0x58: {  	_ =	shalt  }
0x59: {  	_ =	shalt  }
0x5a: {  	_ =	shalt  }
0x5b: {  	_ =	shalt  }
0x5c: {  	_ =	shalt  }
0x5d: {  	_ =	shalt  }
0x5e: {  	_ =	shalt  }
0x5f: {  	_ =	shalt  }
0x60: {  	_ =	shalt  }
0x61: {  	_ =	shalt  }
0x62: {  	_ =	shalt  }
0x63: {  	_ =	shalt  }
0x64: {  	_ =	shalt  }
0x65: {  	_ =	shalt  }
0x66: {  	_ =	shalt  }
0x67: {  	_ =	shalt  }
0x68: {  	_ =	shalt  }
0x69: {  	_ =	shalt  }
0x6a: {  	_ =	shalt  }
0x6b: {  	_ =	shalt  }
0x6c: {  	_ =	shalt  }
0x6d: {  	_ =	shalt  }
0x6e: {  	_ =	shalt  }
0x6f: {  	_ =	shalt  }
0x70: {  	_ =	shalt  }
0x71: {  	_ =	shalt  }
0x72: {  	_ =	shalt  }
0x73: {  	_ =	shalt  }
0x74: {  	_ =	shalt  }
0x75: {  	_ =	shalt  }
0x76: {  	_ =	shalt  }
0x77: {  	_ =	shalt  }
0x78: {  	_ =	shalt  }
0x79: {  	_ =	shalt  }
0x7a: {  	_ =	shalt  }
0x7b: {  	_ =	shalt  }
0x7c: {  	_ =	shalt  }
0x7d: {  	_ =	shalt  }
0x7e: {  	_ =	shalt  }
0x7f: {  	_ =	shalt  }
0x80: {  	_ =	shalt  }
0x81: {  	_ =	shalt  }
0x82: {  	_ =	shalt  }
0x83: {  	_ =	shalt  }
0x84: {  	_ =	shalt  }
0x85: {  	_ =	shalt  }
0x86: {  	_ =	shalt  }
0x87: {  	_ =	shalt  }
.Lfunc_end0:
.L_simem_size_0:
called_computation.4_lowered:
.L_overlay_start_0:
0x88: {  	s2 =	sld [smem:$0x3FD9]  }
0x89: {  	s3 =	sld [smem:$0x3FFE];
	_ =	sdelay $0x1  }
0x8a: {  	s1 =	srdreg.scid  }
0x8b: {  	s0 =	sand.u32 $0x1, s1  }
0x8c: {  	s16 =	sshll.u32 s0, $0xA;
	s2 =	sadd.s32 s3, s2  }
0x8d: {  	s2 =	sadd.s32 s2, s16  }
0x8e: {  	[smem:$0x3FC2] =	sst s2  }
0x8f: {  	_ = 	snop  }
0x90: {  	(tm) =	ssettm $0x1  }
0x91: {  	s17 =	sld [smem:$0x3FFB];
	_ =	sdelay $0x3  }
0x92: {  	_ =	strace s17  }
0x93: {  	s2 =	sld [smem:$0x3FFC];
	_ =	sdelay $0x3  }
0x94: {  	_ =	strace s2  }
0x95: {  	s2 =	sld [smem:$0x3FFD];
	_ =	sdelay $0x3  }
0x96: {  	_ =	strace s2  }
0x97: {  	_ =	strace $0x8FFFFFFF  }
0x98: {  	s18 =	sld [smem:$0x3FDB];
	_ =	sdelay $0x1  }
0x99: {  	s19 =	simm.s32 $_scs_section_size  }
0x9a: {  	s4 =	simm.s32 $_size__tile_overlayer_lowered;
	s5 =	simm.s32 $_tile_overlayer_lowered  }
0x9b: {  	s22 =	simm.s32 $0x1BFF;
	s21 =	sshll.u32 s5, $0x1;
	s2 =	sadd.s32 s19, s18  }
0x9c: {  	s6 =	simm.s32 $0x0;
	s20 =	sshll.u32 s4, $0x1;
	s4 =	sadd.s32 s21, s2  }
0x9d: {  	[timem:s6], [sflag:s22] =	dma.local [hbm:s4], s20  }
0x9e: {  	_ =	swait.ge [sflag:s22], s20  }
0x9f: {  	s3 =	ssub.s32 $0x0, s20;
	[sflag:s22] =	ssyncset.done $0x0  }
0xa0: {  	[sflag:s22] =	ssyncadd.s32 s3;
	_ =	sdelay $0x1  }
0xa1: {  	s23 =	simm.s32 $0x1B8B  }
0xa2: {  	_ =	swait.ge [sflag:s23], $0x1  }
0xa3: {  	[sflag:s23] =	ssyncset.done $0x0  }
0xa4: {  	s25 =	simm.s32 $0x1B8E;
	s24 =	sld [smem:$0x3FFE];
	[sflag:s23] =	ssyncadd.s32 $0xFFFFFFFF  }
0xa5: {  	s26 =	simm.s32 $execute0_lowered;
	[smem:$0x3FD2] =	sst s25  }
0xa6: {  	s4 =	sshll.u32 s26, $0x1;
	_ =	strace $0x80000052;
	[dreg:$0x1] =	wrdreg $0xFFFFFFFF  }
0xa7: {  	s28 =	simm.s32 $_size_execute0_lowered;
	s2 =	sadd.s32 s2, s4;
	[dreg:$0x0] =	wrdreg $0x0  }
0xa8: {  	s4 =	sshll.u32 s28, $0x1;
	[dreg:$0x2] =	wrdreg s2  }
0xa9: {  	[dreg:$0x3] =	wrdreg s4  }
0xaa: {  	[dreg:$0x4] =	wrdreg $0xC0  }
0xab: {  	_ =	task [dreg:s6], $0x5FFFF  }
0xac: {  	[dreg:$0x1] =	wrdreg $0xFFFFFFFF  }
0xad: {  	[dreg:$0x0] =	wrdreg $0x60  }
0xae: {  	[dreg:$0x2] =	wrdreg s24  }
0xaf: {  	[dreg:$0x3] =	wrdreg $0x9  }
0xb0: {  	_ =	task.clear_ibuf [dreg:s6], $0x4FFFF;
	_ =	strace $0x90000052  }
0xb1: {  	s29 =	simm.s32 $0x9;
	_ =	strace $0x80000054  }
0xb2: {  	_ =	swait.ge [sflag:s29], $0x1  }
0xb3: {  	[sflag:s29] =	ssyncadd.s32 $0xFFFFFFFF  }
0xb4: {  	_ =	strace $0x90000054  }
0xb5: {  	_ =	sfence  }
0xb6: {  	s30 =	sld [smem:$0x0];
	_ =	sdelay $0x2  }
0xb7: {  	s31 =	sshll.u32 s1, $0xD;
	s1 =	sshrl.u32 s1, $0x2  }
0xb8: {  	s3 =	sand.u32 $0x4000, s31;
	s1 =	sadd.s32 s1, s30  }
0xb9: {  	s0 =	sor.u32 s3, s0;
	s1 =	sshll.u32 s1, $0x11  }
0xba: {  	s0 =	sor.u32 s1, s0  }
0xbb: {  	s0 =	sadd.s32 $0x8F2B, s0  }
0xbc: {  	[sflag:s0] =	ssyncadd.remote.s32 $0x1  }
0xbd: {  	_ =	sfence.sel $0xFFFF  }
0xbe: {  	[dreg:$0x0] =	wrdreg $0xFFFFFFFF;
	(pc) =	sbr.abs _section_cstart, $3  }
0xbf: {  	[dreg:$0x1] =	wrdreg $0xFFFFFFFF  }
0xc0: {  	_ =	task.clear_ibuf [dreg:s6], $0x2FFFF;
	_ =	strace $0x9FFFFFFF  }
0xc1: {  	(tm) =	ssettm $0x7FFFFFFF  }
tec
execute0_lowered:
.L_overlay_start_1:
0x0: {  	(tag) =	ssettag $0x1  }
0x1: {  	s1 =	srdreg.scid  }
0x2: {  	s0 =	stileid.u32;
	s10 =	sand.u32 $0x1, s1  }
0x3: {  	s2 =	sshll.u32 s0, $0x8;
	s1 =	sshll.u32 s10, $0xC  }
0x4: {  	s9 =	sor.u32 s2, s1  }
0x5: {  	s8 =	rddreg [dreg:$0x0];
	s2 =	simm.s32 $0x0;
	s3 =	sshrl.u32 s9, $0x3  }
0x6: {  	s4 =	simm.s32 $0x1;
	[smem:$0x7FF] =	sst s2;
	s3 =	sadd.s32 s3, s8  }
0x7: {  	s1 =	rddreg [dreg:$0x1];
	_ =	strace $0x80000053;
	s3 =	sadd.s32 $0x7B400, s3  }
0x8: {  	[tilespmem:s2], [sflag:$0x1] =	stream.linear.gather [hbm4b:s3+s2], $0x100, $0x38;
	[tilespmem:$0x4100] =	vst v63  }
0x9: {  	_ =	swait.ge [sflag:s4], $0x100  }
0xa: {  	s6 =	simm.s32 $0x80;
	[sflag:s4] =	ssyncset.done $0x0  }
0xb: {  	s7 =	simm.s32 $0x100;
	s5 =	sadd.s32 $0x3400, s8;
	[sflag:s4] =	ssyncadd.s32 $0xFFFFFF00  }
0xc: {  	[tilespmem:s7], [sflag:$0x1] =	stream.indirect.gather [hbm4b:s5+s6], $0x80, s2, s6, $0xb8;
	[tilespmem:$0x4100] =	vst v63  }
0xd: {  	s9 =	sshll.u32 s9, $0x4;
	_ =	swait.ge [sflag:s4], $0x4000  }
0xe: {  	s10 =	ssub.s32 $0x2, s10;
	s11 =	sadd.s32 s9, s8;
	[sflag:s4] =	ssyncset.done $0x0  }
0xf: {  	s8 =	simm.s32 $0x2;
	s9 =	sadd.s32 $0x2B400, s11;
	[sflag:s4] =	ssyncadd.s32 $0xFFFFC000  }
0x10: {  	[hbm4b:s9+s2] =	stream.linear.scatter [tilespmem:s7], [sflag:$0x2], $0x4000, $0x38;
	[tilespmem:$0x4100] =	vst v63  }
0x11: {  	s12 =	sshrl.u32 s10, $0x1;
	_ =	swait.ge [sflag:s8], $0x4000  }
0x12: {  	s12 =	ssub.s32 s10, s12;
	[sflag:s8] =	ssyncset.done $0x0  }
0x13: {  	s31 =	smax.u32 s12, $0x1;
	[sflag:s8] =	ssyncadd.s32 $0xFFFFC000  }
0x14: {  	[tilespmem:s7], [sflag:$0x1] =	stream.indirect.gather [hbm4b:s5+s6], $0x80, s6, s6, $0xb8;
	[tilespmem:$0x4100] =	vst v63  }
0x15: {  	p0 =	sne.s32 s31, $0x1;
	_ =	swait.ge [sflag:s4], $0x4000  }
.Ltmp0:
0x16: {  	[sflag:s4] =	ssyncset.done $0x0;
	(pc) =	sbr.rel @!p0 .LBB2_2-.Ltmp0, $4  }
0x17: {  	s10 =	sadd.s32 $0x2BC00, s11;
	[sflag:s4] =	ssyncadd.s32 $0xFFFFC000  }
0x18: {  	[hbm4b:s10+s2] =	stream.linear.scatter [tilespmem:s7], [sflag:$0x2], $0x4000, $0x38;
	[tilespmem:$0x4100] =	vst v63  }
0x19: {  	_ =	swait.ge [sflag:s8], $0x4000  }
0x1a: {  	s11 =	sadd.s32 $0xFFFFFFFF, s31;
	[sflag:s8] =	ssyncset.done $0x0  }
.LBB2_1:
0x1b: {  	p0 =	sne.s32 s11, $0x1;
	s11 =	sadd.s32 $0xFFFFFFFF, s11;
	[sflag:s8] =	ssyncadd.s32 $0xFFFFC000  }
0x1c: {  	[tilespmem:s2], [sflag:$0x1] =	stream.linear.gather [hbm4b:s3+s2], $0x100, $0x38;
	[tilespmem:$0x4100] =	vst v63  }
0x1d: {  	_ =	swait.ge [sflag:s4], $0x100  }
0x1e: {  	[sflag:s4] =	ssyncset.done $0x0  }
0x1f: {  	[sflag:s4] =	ssyncadd.s32 $0xFFFFFF00  }
0x20: {  	[tilespmem:s7], [sflag:$0x1] =	stream.indirect.gather [hbm4b:s5+s6], $0x80, s2, s6, $0xb8;
	[tilespmem:$0x4100] =	vst v63  }
0x21: {  	_ =	swait.ge [sflag:s4], $0x4000  }
0x22: {  	[sflag:s4] =	ssyncset.done $0x0  }
0x23: {  	[sflag:s4] =	ssyncadd.s32 $0xFFFFC000  }
0x24: {  	[hbm4b:s9+s2] =	stream.linear.scatter [tilespmem:s7], [sflag:$0x2], $0x4000, $0x38;
	[tilespmem:$0x4100] =	vst v63  }
0x25: {  	_ =	swait.ge [sflag:s8], $0x4000  }
0x26: {  	[sflag:s8] =	ssyncset.done $0x0  }
0x27: {  	[sflag:s8] =	ssyncadd.s32 $0xFFFFC000  }
0x28: {  	[tilespmem:s7], [sflag:$0x1] =	stream.indirect.gather [hbm4b:s5+s6], $0x80, s6, s6, $0xb8;
	[tilespmem:$0x4100] =	vst v63  }
0x29: {  	_ =	swait.ge [sflag:s4], $0x4000  }
.Ltmp1:
0x2a: {  	[sflag:s4] =	ssyncset.done $0x0;
	(pc) =	sbr.rel @p0 .LBB2_1-.Ltmp1, $4  }
0x2b: {  	[sflag:s4] =	ssyncadd.s32 $0xFFFFC000  }
0x2c: {  	[hbm4b:s10+s2] =	stream.linear.scatter [tilespmem:s7], [sflag:$0x2], $0x4000, $0x38;
	[tilespmem:$0x4100] =	vst v63  }
0x2d: {  	_ =	swait.ge [sflag:s8], $0x4000  }
0x2e: {  	[sflag:s8] =	ssyncset.done $0x0  }
.LBB2_2:
0x2f: {  	[sflag:s8] =	ssyncadd.s32 $0xFFFFC000  }
0x30: {  	_ =	sfence.sel $0x180000  }
0x31: {  	[bflag:$0x0] =	sbarrier.arrive $0xFFFF  }
0x32: {  	p0 =	sne.s32 s0, $0x0;
	_ =	strace $0x90000053  }
0x33: {  	s0 =	sadd.s32 @!p0 $0x100000, s1;
	[bflag:$0x2] =	sbarrier.arrive $0xFFFF  }
0x34: {  	[sflag:s0] =	ssyncadd.tile.s32 @!p0 $0x1;
	_ =	shalt  }
.Lfunc_end2:
_tile_overlayer_lowered:
.L_overlay_start_2:
0x35: {  	(tag) =	ssettag $0x2  }
0x36: {  	s0 =	rddreg [dreg:$0x0];
	s2 =	stileid.u32  }
0x37: {  	s1 =	rddreg [dreg:$0x1];
	p0 =	sne.s32 s2, $0x0  }
0x38: {  	s3 =	rddreg [dreg:$0x2];
	[bflag:$0x3] =	sbarrier.arrive $0xFFFF;
	s2 =	simm.s32 @!p0 $0x1C02  }
0x39: {  	[timem:s3], [sflag:s2] =	dma.local @!p0 [hbm:s0], s1  }
0x3a: {  	s0 =	simm.s32 @!p0 $0x2  }
0x3b: {  	_ =	swait.ge @!p0 [sflag:s0], s1  }
0x3c: {  	s1 =	ssub.s32 @!p0 $0x0, s1;
	[sflag:s0] =	ssyncset.done @!p0 $0x0  }
0x3d: {  	[sflag:s0] =	ssyncadd.s32 @!p0 s1  }
0x3e: {  	[bflag:$0x3] =	sbarrier.arrive $0xFFFF  }
0x3f: {  	_ =	shalt  }

</sc_bundles>
